<compile_context>
chip_gen: v7x
topology: tpu7x:2x2x1
jax: 0.10.2.dev20260603
libtpu: 0.0.44.dev20260713+nightly
codegen_flags: <defaults>
</compile_context>

<pallas_src>
import functools

import jax
import jax.numpy as jnp
from jax import lax
from jax.experimental import pallas as pl
from jax.experimental.pallas import tpu as pltpu
from jax.experimental.pallas import tpu_sc as plsc

G = 64
C = 2
E = 64
B_REAL = 100000
NWORKERS = 32
PW = 3136
B_PAD = NWORKERS * PW
CH = 448
NCHUNK = PW // CH
NGROUP = CH // 16
GRID_CELLS = E * E * E
SENTINEL = -1

_mesh = plsc.VectorSubcoreMesh(core_axis_name="c", subcore_axis_name="s")


def _floor_parts(v):
    i = v.astype(jnp.int32)
    fi = i.astype(jnp.float32)
    f0 = jnp.where(fi > v, fi - 1.0, fi)
    return f0, v - f0


def _axis_terms(coord):
    f0, frac = _floor_parts(coord)
    lif = jnp.clip(f0, 0.0, 63.0)
    lo_ok = f0 == lif
    f1 = f0 + 1.0
    hif = jnp.clip(f1, 0.0, 63.0)
    hi_ok = f1 == hif
    wlo = jnp.where(lo_ok, 1.0 - frac, 0.0)
    whi = jnp.where(hi_ok, frac, 0.0)
    return lif.astype(jnp.int32), hif.astype(jnp.int32), wlo, whi


@functools.partial(
    pl.kernel,
    mesh=_mesh,
    compiler_params=pltpu.CompilerParams(needs_layout_passes=False),
    out_type=jax.ShapeDtypeStruct((B_PAD, G * C), jnp.float32),
    scratch_types=(
        [pltpu.VMEM((CH,), jnp.float32) for _ in range(3)]
        + [pltpu.VMEM((6 * G,), jnp.float32)]
        + [pltpu.VMEM((8 * CH,), jnp.int32) for _ in range(2)]
        + [pltpu.VMEM((8, CH), jnp.float32) for _ in range(2)]
        + [pltpu.VMEM((8 * CH,), jnp.int32) for _ in range(2)]
        + [pltpu.VMEM((CH + 8, G * C), jnp.float32)]
        + [pltpu.SemaphoreType.DMA for _ in range(2)]
    ),
)
def _amg_sc_kernel(table, xt, consts, out, *refs):
    xs_refs = refs[0:3]
    cv = refs[3]
    idx_ab = refs[4:6]
    w_ab = refs[6:8]
    land_ab = refs[8:10]
    acc_v = refs[10]
    sem_ab = refs[11:13]

    wid = lax.axis_index("s") * 2 + lax.axis_index("c")
    base = wid * PW
    pltpu.sync_copy(consts, cv)

    lane = lax.iota(jnp.int32, 16)

    def _zinit(gr, c0):
        z16 = jnp.zeros((16,), jnp.int32)
        rows = lane + gr * 16
        for b in range(2):
            land_ab[b][pl.ds(gr * 16, 16)] = z16
            idx_ab[b][pl.ds(gr * 16, 16)] = rows
        return c0

    lax.fori_loop(0, 8 * NGROUP, _zinit, 0)

    def _wzinit(gr, c0):
        z16f = jnp.zeros((16,), jnp.float32)
        for b in range(2):
            for k in range(8):
                w_ab[b][k, pl.ds(gr * 16, 16)] = z16f
        return c0

    lax.fori_loop(0, NGROUP, _wzinit, 0)

    def p1(g, idx_r, w_r):
        gidx = jnp.full((16,), 6, jnp.int32) * g
        ax = plsc.load_gather(cv, [gidx])
        bx = plsc.load_gather(cv, [gidx + 1])
        ay = plsc.load_gather(cv, [gidx + 2])
        by = plsc.load_gather(cv, [gidx + 3])
        az = plsc.load_gather(cv, [gidx + 4])
        bz = plsc.load_gather(cv, [gidx + 5])

        def _p1body(gr, c0):
            o = gr * 16
            px = xs_refs[0][pl.ds(o, 16)]
            py = xs_refs[1][pl.ds(o, 16)]
            pz = xs_refs[2][pl.ds(o, 16)]
            ix = px * ax + bx
            iy = py * ay + by
            iz = pz * az + bz
            xli, xhi, wx0, wx1 = _axis_terms(ix)
            yli, yhi, wy0, wy1 = _axis_terms(iy)
            zli, zhi, wz0, wz1 = _axis_terms(iz)
            s = gr * 16
            for dz in range(2):
                zi = zli if dz == 0 else zhi
                wz = wz0 if dz == 0 else wz1
                zrow = zi * (E * E)
                for dy in range(2):
                    yi = yli if dy == 0 else yhi
                    wy = wy0 if dy == 0 else wy1
                    zyrow = zrow + yi * E
                    wzy = wz * wy
                    for dx in range(2):
                        xi = xli if dx == 0 else xhi
                        wx = wx0 if dx == 0 else wx1
                        k = dz * 4 + dy * 2 + dx
                        w = wzy * wx
                        row = zyrow + xi
                        row = jnp.where(w > 0.0, row, SENTINEL)
                        idx_r[pl.ds(k * CH + s, 16)] = row
                        w_r[k, pl.ds(s, 16)] = w

        plsc.parallel_loop(0, NGROUP, unroll=2)(
            lambda gr: _p1body(gr, 0) and None
        )

    def fire(g, idx_r, land_r, sem_r):
        gtab = table.at[pl.ds(g * GRID_CELLS, GRID_CELLS)]
        pltpu.async_copy(
            gtab.at[plsc.Indices(idx_r, ignored_value=SENTINEL)],
            land_r,
            sem_r,
        )

    def drain(g, idx_r, land_r, sem_r):
        gtab = table.at[pl.ds(g * GRID_CELLS, GRID_CELLS)]
        pltpu.make_async_copy(
            gtab.at[plsc.Indices(idx_r, ignored_value=SENTINEL)],
            land_r,
            sem_r,
        ).wait()

    def p2(g, w_r, land_r):
        bogus = g < 0
        gc = lax.max(g, 0)

        def _p2body(gr, c0):
            o = gr * 16
            pidx = lane + o
            acc0 = jnp.zeros((16,), jnp.float32)
            acc1 = jnp.zeros((16,), jnp.float32)
            for k in range(8):
                w = w_r[k, pl.ds(o, 16)]
                word = land_r[pl.ds(k * CH + o, 16)]
                both = plsc.bitcast(word, jnp.bfloat16)
                v0, v1 = plsc.unpack(both, format=plsc.PackFormat.INTERLEAVED)
                acc0 = acc0 + w * v0
                acc1 = acc1 + w * v1
            row = jnp.where(bogus, jnp.full((16,), CH, jnp.int32), pidx)
            col = jnp.full((16,), 2, jnp.int32) * gc
            plsc.store_scatter(acc_v, [row, col], acc0)
            plsc.store_scatter(acc_v, [row, col + 1], acc1)

        plsc.parallel_loop(0, NGROUP, unroll=2)(
            lambda gr: _p2body(gr, 0) and None
        )

    fire(0, idx_ab[0], land_ab[0], sem_ab[0])
    fire(0, idx_ab[1], land_ab[1], sem_ab[1])

    def chunk_body(ci, carry):
        cbase = ci * CH
        for a in range(3):
            pltpu.sync_copy(
                xt.at[pl.ds(a * B_PAD + base + cbase, CH)], xs_refs[a]
            )

        def pair_body(j, c2):
            ca = 2 * j - 2
            cb = 2 * j - 1
            gfa = lax.rem(2 * j, G)
            gfb = lax.rem(2 * j + 1, G)

            drain(lax.max(ca, 0), idx_ab[0], land_ab[0], sem_ab[0])
            p2(ca, w_ab[0], land_ab[0])
            p1(gfa, idx_ab[0], w_ab[0])
            fire(gfa, idx_ab[0], land_ab[0], sem_ab[0])

            drain(lax.max(cb, 0), idx_ab[1], land_ab[1], sem_ab[1])
            p2(cb, w_ab[1], land_ab[1])
            p1(gfb, idx_ab[1], w_ab[1])
            fire(gfb, idx_ab[1], land_ab[1], sem_ab[1])
            return c2

        lax.fori_loop(0, G // 2 + 1, pair_body, 0)
        pltpu.sync_copy(
            acc_v.at[pl.ds(0, CH)], out.at[pl.ds(base + cbase, CH)]
        )
        return carry

    lax.fori_loop(0, NCHUNK, chunk_body, 0)
    drain(0, idx_ab[0], land_ab[0], sem_ab[0])
    drain(0, idx_ab[1], land_ab[1], sem_ab[1])


def kernel(x, feature_grids, grid_scales, grid_translations):
    fg = feature_grids.astype(jnp.bfloat16)
    c0 = lax.bitcast_convert_type(fg[:, 0], jnp.uint16).astype(jnp.uint32)
    c1 = lax.bitcast_convert_type(fg[:, 1], jnp.uint16).astype(jnp.uint32)
    table = lax.bitcast_convert_type(c0 | (c1 << 16), jnp.int32).reshape(-1)
    s = 31.5 / 1.48
    A = (grid_scales * s).astype(jnp.float32)
    Bc = (grid_translations * s + 31.5).astype(jnp.float32)
    consts = jnp.stack(
        [A[:, 0], Bc[:, 0], A[:, 1], Bc[:, 1], A[:, 2], Bc[:, 2]], axis=1
    ).reshape(-1)
    xt = jnp.pad(x, ((0, B_PAD - B_REAL), (0, 0))).T.reshape(-1)
    out = _amg_sc_kernel(table, xt, consts)
    return out[:B_REAL]

# --- scband reference (transcript-rebuilt; emitter-appended) ---
"""Pipeline reference for scband-amg-encoder-8160437862446 (READ-ONLY COPY).

The authoritative reference and input builder live on the scoring server;
editing this copy changes nothing except your own understanding.
"""

import jax, jax.numpy as jnp
import numpy as np

N_GRIDS = 64
N_FEATURES = 2
GD, GH, GW = 64, 64, 64
BATCH = 100000
GRID_SCALING = 1.48


def setup_inputs(seed: int = 0) -> dict:
    key = jax.random.key(seed)
    k1, k2, k3, k4 = jax.random.split(key, 4)
    x = jax.random.normal(k1, (BATCH, 3), dtype=jnp.float32)
    feature_grids = jax.random.uniform(
        k2, (N_GRIDS, N_FEATURES, GD, GH, GW), dtype=jnp.float32,
        minval=-0.0001, maxval=0.0001)
    grid_scales = jax.random.uniform(
        k3, (N_GRIDS, 3), dtype=jnp.float32, minval=1.0, maxval=1.25) * GRID_SCALING
    grid_translations = jax.random.uniform(
        k4, (N_GRIDS, 3), dtype=jnp.float32, minval=-1.0, maxval=1.0) * (grid_scales - 1.0)
    return {
        "x": x,
        "feature_grids": feature_grids,
        "grid_scales": grid_scales,
        "grid_translations": grid_translations,
    }


def _grid_sample_3d(grids, coords):
    # grids: [G, C, D, H, W]; coords: [G, B, 3] in (x, y, z) order, align_corners=True,
    # padding_mode='zeros', mode='bilinear' (trilinear in 3D). Returns [G, B, C].
    G, C, D, H, W = grids.shape
    ix = (coords[..., 0] + 1.0) * 0.5 * (W - 1)
    iy = (coords[..., 1] + 1.0) * 0.5 * (H - 1)
    iz = (coords[..., 2] + 1.0) * 0.5 * (D - 1)
    x0 = jnp.floor(ix); y0 = jnp.floor(iy); z0 = jnp.floor(iz)
    x1 = x0 + 1.0; y1 = y0 + 1.0; z1 = z0 + 1.0
    wx1 = ix - x0; wx0 = 1.0 - wx1
    wy1 = iy - y0; wy0 = 1.0 - wy1
    wz1 = iz - z0; wz0 = 1.0 - wz1
    gi = jnp.broadcast_to(jnp.arange(G)[:, None], ix.shape)

    def gather(zi, yi, xi):
        valid = ((xi >= 0) & (xi <= W - 1) &
                 (yi >= 0) & (yi <= H - 1) &
                 (zi >= 0) & (zi <= D - 1))
        xc = jnp.clip(xi, 0, W - 1).astype(jnp.int32)
        yc = jnp.clip(yi, 0, H - 1).astype(jnp.int32)
        zc = jnp.clip(zi, 0, D - 1).astype(jnp.int32)
        vals = grids[gi, :, zc, yc, xc]  # [G, B, C]
        return vals * valid[..., None].astype(grids.dtype)

    out = (
        gather(z0, y0, x0) * (wz0 * wy0 * wx0)[..., None]
        + gather(z0, y0, x1) * (wz0 * wy0 * wx1)[..., None]
        + gather(z0, y1, x0) * (wz0 * wy1 * wx0)[..., None]
        + gather(z0, y1, x1) * (wz0 * wy1 * wx1)[..., None]
        + gather(z1, y0, x0) * (wz1 * wy0 * wx0)[..., None]
        + gather(z1, y0, x1) * (wz1 * wy0 * wx1)[..., None]
        + gather(z1, y1, x0) * (wz1 * wy1 * wx0)[..., None]
        + gather(z1, y1, x1) * (wz1 * wy1 * wx1)[..., None]
    )
    return out


def reference(x, feature_grids, grid_scales, grid_translations):
    # transform(): affine map of global coords into each grid's local frame, then
    # rescale by 1/1.48 to align the grid with the flat-top gaussian density.
    inv_grid_scaling = 1.0 / GRID_SCALING
    local = (x[None, :, :] * grid_scales[:, None, :]
             + grid_translations[:, None, :]) * inv_grid_scaling  # [G, B, 3]
    # torch forward calls .detach() on the sample coordinates
    local = jax.lax.stop_gradient(local)
    feats = _grid_sample_3d(feature_grids, local)  # [G, B, C]
    B = x.shape[0]
    # torch: [G, C, B] -> flatten(0,1) -> [G*C, B] -> permute -> [B, G*C]
    out = jnp.transpose(feats, (1, 0, 2)).reshape(B, -1)
    return out

if __name__ == "__main__":
    import jax
    _d = setup_inputs()
    print(jax.jit(kernel)(*tuple(_d.values())))

</pallas_src>

<mosaic_0001>
#map = affine_map<(d0, d1) -> (0)>
#map1 = affine_map<(d0, d1) -> (0, 0)>
module attributes {stable_mosaic.version = 14 : i64} {
  func.func @_amg_sc_kernel(%arg0: i32, %arg1: i32, %arg2: memref<16777216xi32, #tpu.memory_space<hbm>>, %arg3: memref<301056xf32, #tpu.memory_space<hbm>>, %arg4: memref<384xf32, #tpu.memory_space<hbm>>, %arg5: memref<100352x128xf32, #tpu.memory_space<hbm>>, %arg6: memref<448xf32, #tpu.memory_space<vmem>>, %arg7: memref<448xf32, #tpu.memory_space<vmem>>, %arg8: memref<448xf32, #tpu.memory_space<vmem>>, %arg9: memref<384xf32, #tpu.memory_space<vmem>>, %arg10: memref<3584xi32, #tpu.memory_space<vmem>>, %arg11: memref<3584xi32, #tpu.memory_space<vmem>>, %arg12: memref<8x448xf32, #tpu.memory_space<vmem>>, %arg13: memref<8x448xf32, #tpu.memory_space<vmem>>, %arg14: memref<3584xi32, #tpu.memory_space<vmem>>, %arg15: memref<3584xi32, #tpu.memory_space<vmem>>, %arg16: memref<456x128xf32, #tpu.memory_space<vmem>>, %arg17: memref<!tpu.dma_semaphore, #tpu.memory_space<semaphore_mem>>, %arg18: memref<!tpu.dma_semaphore, #tpu.memory_space<semaphore_mem>>) attributes {dimension_semantics = [#tpu.dimension_semantics<core_parallel>, #tpu.dimension_semantics<subcore_parallel>], iteration_bounds = array<i64: 2, 16>, scalar_prefetch = 0 : i64, scratch_operands = 13 : i64, tpu.core_type = #tpu.core_type<sc_vector_subcore>, window_params = [{transform_indices = #map}, {transform_indices = #map}, {transform_indices = #map}, {transform_indices = #map1}]} {
    %mul3A = arith.constant 2 : i32
    %mul3A_0 = arith.muli %arg1, %mul3A : i32
    %add3A = arith.addi %mul3A_0, %arg0 : i32
    %mul3A_1 = arith.constant 3136 : i32
    %mul3A_2 = arith.muli %add3A, %mul3A_1 : i32
    "tpu.region"() ({
      %run_scoped3A = tpu.sem_alloc : memref<!tpu.dma_semaphore, #tpu.memory_space<semaphore_mem>>
      tpu.enqueue_dma source(%arg4 : memref<384xf32, #tpu.memory_space<hbm>>) target(%arg9 : memref<384xf32, #tpu.memory_space<vmem>>) target_semaphore(%run_scoped3A : memref<!tpu.dma_semaphore, #tpu.memory_space<semaphore_mem>>)
      tpu.wait_dma2 semaphore(%run_scoped3A : memref<!tpu.dma_semaphore, #tpu.memory_space<semaphore_mem>>) src(%arg4 : memref<384xf32, #tpu.memory_space<hbm>>) dst(%arg9 : memref<384xf32, #tpu.memory_space<vmem>>)
      tpu.yield
    }) : () -> ()
    %iota3A = tpu.iota {dimensions = array<i32: 0>} : vector<16xi32>
    %scan3A = arith.constant 0 : i32
    %scan3A_3 = arith.constant 0 : i32
    %scan3A_4 = arith.constant 224 : i32
    %scan3A_5 = arith.addi %scan3A_3, %scan3A_4 : i32
    %scan3A_6 = arith.constant 1 : i32
    scf.for %scan3A_36 = %scan3A_3 to %scan3A_5 step %scan3A_6  : i32 {
      %broadcast_in_dim3A = arith.constant 0 : i32
      %broadcast_in_dim3A_37 = vector.broadcast %broadcast_in_dim3A : i32 to vector<16xi32>
      %mul3A_38 = arith.constant 16 : i32
      %mul3A_39 = arith.muli %scan3A_36, %mul3A_38 : i32
      %add3A_40 = vector.broadcast %mul3A_39 : i32 to vector<16xi32>
      %add3A_41 = arith.addi %iota3A, %add3A_40 : vector<16xi32>
      %mul3A_42 = arith.constant 16 : i32
      %mul3A_43 = arith.muli %scan3A_36, %mul3A_42 : i32
      %swap3A = arith.index_cast %mul3A_43 : i32 to index
      %swap3A_44 = tpu.vector_load %arg14[%swap3A] {strides = array<i32>} : memref<3584xi32, #tpu.memory_space<vmem>>, vector<16xi32>,
      tpu.vector_store %arg14[%swap3A], %broadcast_in_dim3A_37 {strides = array<i32>} : memref<3584xi32, #tpu.memory_space<vmem>>, vector<16xi32>,
      %mul3A_45 = arith.constant 16 : i32
      %mul3A_46 = arith.muli %scan3A_36, %mul3A_45 : i32
      %swap3A_47 = arith.index_cast %mul3A_46 : i32 to index
      %swap3A_48 = tpu.vector_load %arg10[%swap3A_47] {strides = array<i32>} : memref<3584xi32, #tpu.memory_space<vmem>>, vector<16xi32>,
      tpu.vector_store %arg10[%swap3A_47], %add3A_41 {strides = array<i32>} : memref<3584xi32, #tpu.memory_space<vmem>>, vector<16xi32>,
      %mul3A_49 = arith.constant 16 : i32
      %mul3A_50 = arith.muli %scan3A_36, %mul3A_49 : i32
      %swap3A_51 = arith.index_cast %mul3A_50 : i32 to index
      %swap3A_52 = tpu.vector_load %arg15[%swap3A_51] {strides = array<i32>} : memref<3584xi32, #tpu.memory_space<vmem>>, vector<16xi32>,
      tpu.vector_store %arg15[%swap3A_51], %broadcast_in_dim3A_37 {strides = array<i32>} : memref<3584xi32, #tpu.memory_space<vmem>>, vector<16xi32>,
      %mul3A_53 = arith.constant 16 : i32
      %mul3A_54 = arith.muli %scan3A_36, %mul3A_53 : i32
      %swap3A_55 = arith.index_cast %mul3A_54 : i32 to index
      %swap3A_56 = tpu.vector_load %arg11[%swap3A_55] {strides = array<i32>} : memref<3584xi32, #tpu.memory_space<vmem>>, vector<16xi32>,
      tpu.vector_store %arg11[%swap3A_55], %add3A_41 {strides = array<i32>} : memref<3584xi32, #tpu.memory_space<vmem>>, vector<16xi32>,
    }
    %scan3A_7 = arith.constant 224 : i32
    %scan3A_8 = arith.constant 0 : i32
    %scan3A_9 = arith.constant 0 : i32
    %scan3A_10 = arith.constant 28 : i32
    %scan3A_11 = arith.addi %scan3A_9, %scan3A_10 : i32
    %scan3A_12 = arith.constant 1 : i32
    scf.for %scan3A_36 = %scan3A_9 to %scan3A_11 step %scan3A_12  : i32 {
      %broadcast_in_dim3A = arith.constant 0.000000e+00 : f32
      %broadcast_in_dim3A_37 = vector.broadcast %broadcast_in_dim3A : f32 to vector<16xf32>
      %mul3A_38 = arith.constant 16 : i32
      %mul3A_39 = arith.muli %scan3A_36, %mul3A_38 : i32
      %swap3A = arith.constant 0 : i32
      %swap3A_40 = arith.index_cast %swap3A : i32 to index
      %swap3A_41 = arith.index_cast %mul3A_39 : i32 to index
      %swap3A_42 = tpu.vector_load %arg12[%swap3A_40, %swap3A_41] {strides = array<i32>} : memref<8x448xf32, #tpu.memory_space<vmem>>, vector<16xf32>,
      tpu.vector_store %arg12[%swap3A_40, %swap3A_41], %broadcast_in_dim3A_37 {strides = array<i32>} : memref<8x448xf32, #tpu.memory_space<vmem>>, vector<16xf32>,
      %mul3A_43 = arith.constant 16 : i32
      %mul3A_44 = arith.muli %scan3A_36, %mul3A_43 : i32
      %swap3A_45 = arith.constant 1 : i32
      %swap3A_46 = arith.index_cast %swap3A_45 : i32 to index
      %swap3A_47 = arith.index_cast %mul3A_44 : i32 to index
      %swap3A_48 = tpu.vector_load %arg12[%swap3A_46, %swap3A_47] {strides = array<i32>} : memref<8x448xf32, #tpu.memory_space<vmem>>, vector<16xf32>,
      tpu.vector_store %arg12[%swap3A_46, %swap3A_47], %broadcast_in_dim3A_37 {strides = array<i32>} : memref<8x448xf32, #tpu.memory_space<vmem>>, vector<16xf32>,
      %mul3A_49 = arith.constant 16 : i32
      %mul3A_50 = arith.muli %scan3A_36, %mul3A_49 : i32
      %swap3A_51 = arith.constant 2 : i32
      %swap3A_52 = arith.index_cast %swap3A_51 : i32 to index
      %swap3A_53 = arith.index_cast %mul3A_50 : i32 to index
      %swap3A_54 = tpu.vector_load %arg12[%swap3A_52, %swap3A_53] {strides = array<i32>} : memref<8x448xf32, #tpu.memory_space<vmem>>, vector<16xf32>,
      tpu.vector_store %arg12[%swap3A_52, %swap3A_53], %broadcast_in_dim3A_37 {strides = array<i32>} : memref<8x448xf32, #tpu.memory_space<vmem>>, vector<16xf32>,
      %mul3A_55 = arith.constant 16 : i32
      %mul3A_56 = arith.muli %scan3A_36, %mul3A_55 : i32
      %swap3A_57 = arith.constant 3 : i32
      %swap3A_58 = arith.index_cast %swap3A_57 : i32 to index
      %swap3A_59 = arith.index_cast %mul3A_56 : i32 to index
      %swap3A_60 = tpu.vector_load %arg12[%swap3A_58, %swap3A_59] {strides = array<i32>} : memref<8x448xf32, #tpu.memory_space<vmem>>, vector<16xf32>,
      tpu.vector_store %arg12[%swap3A_58, %swap3A_59], %broadcast_in_dim3A_37 {strides = array<i32>} : memref<8x448xf32, #tpu.memory_space<vmem>>, vector<16xf32>,
      %mul3A_61 = arith.constant 16 : i32
      %mul3A_62 = arith.muli %scan3A_36, %mul3A_61 : i32
      %swap3A_63 = arith.constant 4 : i32
      %swap3A_64 = arith.index_cast %swap3A_63 : i32 to index
      %swap3A_65 = arith.index_cast %mul3A_62 : i32 to index
      %swap3A_66 = tpu.vector_load %arg12[%swap3A_64, %swap3A_65] {strides = array<i32>} : memref<8x448xf32, #tpu.memory_space<vmem>>, vector<16xf32>,
      tpu.vector_store %arg12[%swap3A_64, %swap3A_65], %broadcast_in_dim3A_37 {strides = array<i32>} : memref<8x448xf32, #tpu.memory_space<vmem>>, vector<16xf32>,
      %mul3A_67 = arith.constant 16 : i32
      %mul3A_68 = arith.muli %scan3A_36, %mul3A_67 : i32
      %swap3A_69 = arith.constant 5 : i32
      %swap3A_70 = arith.index_cast %swap3A_69 : i32 to index
      %swap3A_71 = arith.index_cast %mul3A_68 : i32 to index
      %swap3A_72 = tpu.vector_load %arg12[%swap3A_70, %swap3A_71] {strides = array<i32>} : memref<8x448xf32, #tpu.memory_space<vmem>>, vector<16xf32>,
      tpu.vector_store %arg12[%swap3A_70, %swap3A_71], %broadcast_in_dim3A_37 {strides = array<i32>} : memref<8x448xf32, #tpu.memory_space<vmem>>, vector<16xf32>,
      %mul3A_73 = arith.constant 16 : i32
      %mul3A_74 = arith.muli %scan3A_36, %mul3A_73 : i32
      %swap3A_75 = arith.constant 6 : i32
      %swap3A_76 = arith.index_cast %swap3A_75 : i32 to index
      %swap3A_77 = arith.index_cast %mul3A_74 : i32 to index
      %swap3A_78 = tpu.vector_load %arg12[%swap3A_76, %swap3A_77] {strides = array<i32>} : memref<8x448xf32, #tpu.memory_space<vmem>>, vector<16xf32>,
      tpu.vector_store %arg12[%swap3A_76, %swap3A_77], %broadcast_in_dim3A_37 {strides = array<i32>} : memref<8x448xf32, #tpu.memory_space<vmem>>, vector<16xf32>,
      %mul3A_79 = arith.constant 16 : i32
      %mul3A_80 = arith.muli %scan3A_36, %mul3A_79 : i32
      %swap3A_81 = arith.constant 7 : i32
      %swap3A_82 = arith.index_cast %swap3A_81 : i32 to index
      %swap3A_83 = arith.index_cast %mul3A_80 : i32 to index
      %swap3A_84 = tpu.vector_load %arg12[%swap3A_82, %swap3A_83] {strides = array<i32>} : memref<8x448xf32, #tpu.memory_space<vmem>>, vector<16xf32>,
      tpu.vector_store %arg12[%swap3A_82, %swap3A_83], %broadcast_in_dim3A_37 {strides = array<i32>} : memref<8x448xf32, #tpu.memory_space<vmem>>, vector<16xf32>,
      %mul3A_85 = arith.constant 16 : i32
      %mul3A_86 = arith.muli %scan3A_36, %mul3A_85 : i32
      %swap3A_87 = arith.constant 0 : i32
      %swap3A_88 = arith.index_cast %swap3A_87 : i32 to index
      %swap3A_89 = arith.index_cast %mul3A_86 : i32 to index
      %swap3A_90 = tpu.vector_load %arg13[%swap3A_88, %swap3A_89] {strides = array<i32>} : memref<8x448xf32, #tpu.memory_space<vmem>>, vector<16xf32>,
      tpu.vector_store %arg13[%swap3A_88, %swap3A_89], %broadcast_in_dim3A_37 {strides = array<i32>} : memref<8x448xf32, #tpu.memory_space<vmem>>, vector<16xf32>,
      %mul3A_91 = arith.constant 16 : i32
      %mul3A_92 = arith.muli %scan3A_36, %mul3A_91 : i32
      %swap3A_93 = arith.constant 1 : i32
      %swap3A_94 = arith.index_cast %swap3A_93 : i32 to index
      %swap3A_95 = arith.index_cast %mul3A_92 : i32 to index
      %swap3A_96 = tpu.vector_load %arg13[%swap3A_94, %swap3A_95] {strides = array<i32>} : memref<8x448xf32, #tpu.memory_space<vmem>>, vector<16xf32>,
      tpu.vector_store %arg13[%swap3A_94, %swap3A_95], %broadcast_in_dim3A_37 {strides = array<i32>} : memref<8x448xf32, #tpu.memory_space<vmem>>, vector<16xf32>,
      %mul3A_97 = arith.constant 16 : i32
      %mul3A_98 = arith.muli %scan3A_36, %mul3A_97 : i32
      %swap3A_99 = arith.constant 2 : i32
      %swap3A_100 = arith.index_cast %swap3A_99 : i32 to index
      %swap3A_101 = arith.index_cast %mul3A_98 : i32 to index
      %swap3A_102 = tpu.vector_load %arg13[%swap3A_100, %swap3A_101] {strides = array<i32>} : memref<8x448xf32, #tpu.memory_space<vmem>>, vector<16xf32>,
      tpu.vector_store %arg13[%swap3A_100, %swap3A_101], %broadcast_in_dim3A_37 {strides = array<i32>} : memref<8x448xf32, #tpu.memory_space<vmem>>, vector<16xf32>,
      %mul3A_103 = arith.constant 16 : i32
      %mul3A_104 = arith.muli %scan3A_36, %mul3A_103 : i32
      %swap3A_105 = arith.constant 3 : i32
      %swap3A_106 = arith.index_cast %swap3A_105 : i32 to index
      %swap3A_107 = arith.index_cast %mul3A_104 : i32 to index
      %swap3A_108 = tpu.vector_load %arg13[%swap3A_106, %swap3A_107] {strides = array<i32>} : memref<8x448xf32, #tpu.memory_space<vmem>>, vector<16xf32>,
      tpu.vector_store %arg13[%swap3A_106, %swap3A_107], %broadcast_in_dim3A_37 {strides = array<i32>} : memref<8x448xf32, #tpu.memory_space<vmem>>, vector<16xf32>,
      %mul3A_109 = arith.constant 16 : i32
      %mul3A_110 = arith.muli %scan3A_36, %mul3A_109 : i32
      %swap3A_111 = arith.constant 4 : i32
      %swap3A_112 = arith.index_cast %swap3A_111 : i32 to index
      %swap3A_113 = arith.index_cast %mul3A_110 : i32 to index
      %swap3A_114 = tpu.vector_load %arg13[%swap3A_112, %swap3A_113] {strides = array<i32>} : memref<8x448xf32, #tpu.memory_space<vmem>>, vector<16xf32>,
      tpu.vector_store %arg13[%swap3A_112, %swap3A_113], %broadcast_in_dim3A_37 {strides = array<i32>} : memref<8x448xf32, #tpu.memory_space<vmem>>, vector<16xf32>,
      %mul3A_115 = arith.constant 16 : i32
      %mul3A_116 = arith.muli %scan3A_36, %mul3A_115 : i32
      %swap3A_117 = arith.constant 5 : i32
      %swap3A_118 = arith.index_cast %swap3A_117 : i32 to index
      %swap3A_119 = arith.index_cast %mul3A_116 : i32 to index
      %swap3A_120 = tpu.vector_load %arg13[%swap3A_118, %swap3A_119] {strides = array<i32>} : memref<8x448xf32, #tpu.memory_space<vmem>>, vector<16xf32>,
      tpu.vector_store %arg13[%swap3A_118, %swap3A_119], %broadcast_in_dim3A_37 {strides = array<i32>} : memref<8x448xf32, #tpu.memory_space<vmem>>, vector<16xf32>,
      %mul3A_121 = arith.constant 16 : i32
      %mul3A_122 = arith.muli %scan3A_36, %mul3A_121 : i32
      %swap3A_123 = arith.constant 6 : i32
      %swap3A_124 = arith.index_cast %swap3A_123 : i32 to index
      %swap3A_125 = arith.index_cast %mul3A_122 : i32 to index
      %swap3A_126 = tpu.vector_load %arg13[%swap3A_124, %swap3A_125] {strides = array<i32>} : memref<8x448xf32, #tpu.memory_space<vmem>>, vector<16xf32>,
      tpu.vector_store %arg13[%swap3A_124, %swap3A_125], %broadcast_in_dim3A_37 {strides = array<i32>} : memref<8x448xf32, #tpu.memory_space<vmem>>, vector<16xf32>,
      %mul3A_127 = arith.constant 16 : i32
      %mul3A_128 = arith.muli %scan3A_36, %mul3A_127 : i32
      %swap3A_129 = arith.constant 7 : i32
      %swap3A_130 = arith.index_cast %swap3A_129 : i32 to index
      %swap3A_131 = arith.index_cast %mul3A_128 : i32 to index
      %swap3A_132 = tpu.vector_load %arg13[%swap3A_130, %swap3A_131] {strides = array<i32>} : memref<8x448xf32, #tpu.memory_space<vmem>>, vector<16xf32>,
      tpu.vector_store %arg13[%swap3A_130, %swap3A_131], %broadcast_in_dim3A_37 {strides = array<i32>} : memref<8x448xf32, #tpu.memory_space<vmem>>, vector<16xf32>,
    }
    %scan3A_13 = arith.constant 28 : i32
    %dma_start3A = arith.constant 0 : i32
    %dma_start3A_14 = tpu.memref_slice %arg2[%dma_start3A] : memref<16777216xi32, #tpu.memory_space<hbm>> -> memref<262144xi32, #tpu.memory_space<hbm>>
    %dma_start3A_15 = arith.constant 0 : i32
    %dma_start3A_16 = tpu.memref_slice %dma_start3A_14[%dma_start3A_15] : memref<262144xi32, #tpu.memory_space<hbm>> -> memref<262144xi32, #tpu.memory_space<hbm>>
    %dma_start3A_17 = arith.constant -1 : i32
    tpu.enqueue_indirect_dma source(%dma_start3A_16 : memref<262144xi32, #tpu.memory_space<hbm>>) target(%arg14 : memref<3584xi32, #tpu.memory_space<vmem>>) offsets(%arg10 : memref<3584xi32, #tpu.memory_space<vmem>>) offset_filter(%dma_start3A_17) semaphore(%arg17 : memref<!tpu.dma_semaphore, #tpu.memory_space<semaphore_mem>>)
    %dma_start3A_18 = arith.constant 0 : i32
    %dma_start3A_19 = tpu.memref_slice %arg2[%dma_start3A_18] : memref<16777216xi32, #tpu.memory_space<hbm>> -> memref<262144xi32, #tpu.memory_space<hbm>>
    %dma_start3A_20 = arith.constant 0 : i32
    %dma_start3A_21 = tpu.memref_slice %dma_start3A_19[%dma_start3A_20] : memref<262144xi32, #tpu.memory_space<hbm>> -> memref<262144xi32, #tpu.memory_space<hbm>>
    %dma_start3A_22 = arith.constant -1 : i32
    tpu.enqueue_indirect_dma source(%dma_start3A_21 : memref<262144xi32, #tpu.memory_space<hbm>>) target(%arg15 : memref<3584xi32, #tpu.memory_space<vmem>>) offsets(%arg11 : memref<3584xi32, #tpu.memory_space<vmem>>) offset_filter(%dma_start3A_22) semaphore(%arg18 : memref<!tpu.dma_semaphore, #tpu.memory_space<semaphore_mem>>)
    %scan3A_23 = arith.constant 0 : i32
    %scan3A_24 = arith.constant 0 : i32
    %scan3A_25 = arith.constant 7 : i32
    %scan3A_26 = arith.addi %scan3A_24, %scan3A_25 : i32
    %scan3A_27 = arith.constant 1 : i32
    scf.for %scan3A_36 = %scan3A_24 to %scan3A_26 step %scan3A_27  : i32 {
      %mul3A_37 = arith.constant 448 : i32
      %mul3A_38 = arith.muli %scan3A_36, %mul3A_37 : i32
      %add3A_39 = arith.constant 0 : i32
      %add3A_40 = arith.addi %add3A_39, %mul3A_2 : i32
      %add3A_41 = arith.addi %add3A_40, %mul3A_38 : i32
      "tpu.region"() ({
        %run_scoped3A = tpu.sem_alloc : memref<!tpu.dma_semaphore, #tpu.memory_space<semaphore_mem>>
        %dma_start3A_55 = tpu.memref_slice %arg3[%add3A_41] : memref<301056xf32, #tpu.memory_space<hbm>> -> memref<448xf32, #tpu.memory_space<hbm>>
        %dma_start3A_56 = tpu.memref_slice %arg3[%add3A_41] : memref<301056xf32, #tpu.memory_space<hbm>> -> memref<448xf32, #tpu.memory_space<hbm>>
        tpu.enqueue_dma source(%dma_start3A_56 : memref<448xf32, #tpu.memory_space<hbm>>) target(%arg6 : memref<448xf32, #tpu.memory_space<vmem>>) target_semaphore(%run_scoped3A : memref<!tpu.dma_semaphore, #tpu.memory_space<semaphore_mem>>)
        %dma_wait3A_57 = tpu.memref_slice %arg3[%add3A_41] : memref<301056xf32, #tpu.memory_space<hbm>> -> memref<448xf32, #tpu.memory_space<hbm>>
        %dma_wait3A_58 = tpu.memref_slice %arg3[%add3A_41] : memref<301056xf32, #tpu.memory_space<hbm>> -> memref<448xf32, #tpu.memory_space<hbm>>
        tpu.wait_dma2 semaphore(%run_scoped3A : memref<!tpu.dma_semaphore, #tpu.memory_space<semaphore_mem>>) src(%dma_wait3A_58 : memref<448xf32, #tpu.memory_space<hbm>>) dst(%arg6 : memref<448xf32, #tpu.memory_space<vmem>>)
        tpu.yield
      }) : () -> ()
      %add3A_42 = arith.constant 100352 : i32
      %add3A_43 = arith.addi %add3A_42, %mul3A_2 : i32
      %add3A_44 = arith.addi %add3A_43, %mul3A_38 : i32
      "tpu.region"() ({
        %run_scoped3A = tpu.sem_alloc : memref<!tpu.dma_semaphore, #tpu.memory_space<semaphore_mem>>
        %dma_start3A_55 = tpu.memref_slice %arg3[%add3A_44] : memref<301056xf32, #tpu.memory_space<hbm>> -> memref<448xf32, #tpu.memory_space<hbm>>
        %dma_start3A_56 = tpu.memref_slice %arg3[%add3A_44] : memref<301056xf32, #tpu.memory_space<hbm>> -> memref<448xf32, #tpu.memory_space<hbm>>
        tpu.enqueue_dma source(%dma_start3A_56 : memref<448xf32, #tpu.memory_space<hbm>>) target(%arg7 : memref<448xf32, #tpu.memory_space<vmem>>) target_semaphore(%run_scoped3A : memref<!tpu.dma_semaphore, #tpu.memory_space<semaphore_mem>>)
        %dma_wait3A_57 = tpu.memref_slice %arg3[%add3A_44] : memref<301056xf32, #tpu.memory_space<hbm>> -> memref<448xf32, #tpu.memory_space<hbm>>
        %dma_wait3A_58 = tpu.memref_slice %arg3[%add3A_44] : memref<301056xf32, #tpu.memory_space<hbm>> -> memref<448xf32, #tpu.memory_space<hbm>>
        tpu.wait_dma2 semaphore(%run_scoped3A : memref<!tpu.dma_semaphore, #tpu.memory_space<semaphore_mem>>) src(%dma_wait3A_58 : memref<448xf32, #tpu.memory_space<hbm>>) dst(%arg7 : memref<448xf32, #tpu.memory_space<vmem>>)
        tpu.yield
      }) : () -> ()
      %add3A_45 = arith.constant 200704 : i32
      %add3A_46 = arith.addi %add3A_45, %mul3A_2 : i32
      %add3A_47 = arith.addi %add3A_46, %mul3A_38 : i32
      "tpu.region"() ({
        %run_scoped3A = tpu.sem_alloc : memref<!tpu.dma_semaphore, #tpu.memory_space<semaphore_mem>>
        %dma_start3A_55 = tpu.memref_slice %arg3[%add3A_47] : memref<301056xf32, #tpu.memory_space<hbm>> -> memref<448xf32, #tpu.memory_space<hbm>>
        %dma_start3A_56 = tpu.memref_slice %arg3[%add3A_47] : memref<301056xf32, #tpu.memory_space<hbm>> -> memref<448xf32, #tpu.memory_space<hbm>>
        tpu.enqueue_dma source(%dma_start3A_56 : memref<448xf32, #tpu.memory_space<hbm>>) target(%arg8 : memref<448xf32, #tpu.memory_space<vmem>>) target_semaphore(%run_scoped3A : memref<!tpu.dma_semaphore, #tpu.memory_space<semaphore_mem>>)
        %dma_wait3A_57 = tpu.memref_slice %arg3[%add3A_47] : memref<301056xf32, #tpu.memory_space<hbm>> -> memref<448xf32, #tpu.memory_space<hbm>>
        %dma_wait3A_58 = tpu.memref_slice %arg3[%add3A_47] : memref<301056xf32, #tpu.memory_space<hbm>> -> memref<448xf32, #tpu.memory_space<hbm>>
        tpu.wait_dma2 semaphore(%run_scoped3A : memref<!tpu.dma_semaphore, #tpu.memory_space<semaphore_mem>>) src(%dma_wait3A_58 : memref<448xf32, #tpu.memory_space<hbm>>) dst(%arg8 : memref<448xf32, #tpu.memory_space<vmem>>)
        tpu.yield
      }) : () -> ()
      %scan3A_48 = arith.constant 0 : i32
      %scan3A_49 = arith.constant 0 : i32
      %scan3A_50 = arith.constant 33 : i32
      %scan3A_51 = arith.addi %scan3A_49, %scan3A_50 : i32
      %scan3A_52 = arith.constant 1 : i32
      scf.for %scan3A_55 = %scan3A_49 to %scan3A_51 step %scan3A_52  : i32 {
        %mul3A_56 = arith.constant 2 : i32
        %mul3A_57 = arith.muli %mul3A_56, %scan3A_55 : i32
        %sub3A = arith.constant 2 : i32
        %sub3A_58 = arith.subi %mul3A_57, %sub3A : i32
        %mul3A_59 = arith.constant 2 : i32
        %mul3A_60 = arith.muli %mul3A_59, %scan3A_55 : i32
        %sub3A_61 = arith.constant 1 : i32
        %sub3A_62 = arith.subi %mul3A_60, %sub3A_61 : i32
        %mul3A_63 = arith.constant 2 : i32
        %mul3A_64 = arith.muli %mul3A_63, %scan3A_55 : i32
        %rem3A = arith.constant 64 : i32
        %rem3A_65 = arith.remsi %mul3A_64, %rem3A : i32
        %mul3A_66 = arith.constant 2 : i32
        %mul3A_67 = arith.muli %mul3A_66, %scan3A_55 : i32
        %add3A_68 = arith.constant 1 : i32
        %add3A_69 = arith.addi %mul3A_67, %add3A_68 : i32
        %rem3A_70 = arith.constant 64 : i32
        %rem3A_71 = arith.remsi %add3A_69, %rem3A_70 : i32
        %max3A = arith.constant 0 : i32
        %max3A_72 = arith.maxsi %sub3A_58, %max3A : i32
        %mul3A_73 = arith.constant 262144 : i32
        %mul3A_74 = arith.muli %max3A_72, %mul3A_73 : i32
        %dma_wait3A_75 = tpu.memref_slice %arg2[%mul3A_74] : memref<16777216xi32, #tpu.memory_space<hbm>> -> memref<262144xi32, #tpu.memory_space<hbm>>
        %dma_wait3A_76 = arith.constant 0 : i32
        %dma_wait3A_77 = tpu.memref_slice %dma_wait3A_75[%dma_wait3A_76] : memref<262144xi32, #tpu.memory_space<hbm>> -> memref<262144xi32, #tpu.memory_space<hbm>>
        tpu.wait_indirect_dma semaphore(%arg17 : memref<!tpu.dma_semaphore, #tpu.memory_space<semaphore_mem>>) src(%dma_wait3A_77 : memref<262144xi32, #tpu.memory_space<hbm>>) dst(%arg14 : memref<3584xi32, #tpu.memory_space<vmem>>)
        %lt3A = arith.constant 0 : i32
        %lt3A_78 = arith.cmpi slt, %sub3A_58, %lt3A : i32
        %max3A_79 = arith.constant 0 : i32
        %max3A_80 = arith.maxsi %sub3A_58, %max3A_79 : i32
        %parallel_loop3A = arith.constant 0 : i32
        %parallel_loop3A_81 = arith.constant 28 : i32
        %parallel_loop3A_82 = arith.constant 1 : i32
        scf.for %parallel_loop3A_163 = %parallel_loop3A to %parallel_loop3A_81 step %parallel_loop3A_82  : i32 {
          %parallel_loop3A_164 = arith.constant 16 : i32
          %parallel_loop3A_165 = arith.muli %parallel_loop3A_163, %parallel_loop3A_164 : i32
          %parallel_loop3A_166 = vector.broadcast %parallel_loop3A_165 : i32 to vector<16xi32>
          %parallel_loop3A_167 = arith.addi %iota3A, %parallel_loop3A_166 : vector<16xi32>
          %parallel_loop3A_168 = arith.constant 0.000000e+00 : f32
          %parallel_loop3A_169 = vector.broadcast %parallel_loop3A_168 : f32 to vector<16xf32>
          %parallel_loop3A_170 = arith.constant 0.000000e+00 : f32
          %parallel_loop3A_171 = vector.broadcast %parallel_loop3A_170 : f32 to vector<16xf32>
          %parallel_loop3A_172 = arith.constant 0 : i32
          %parallel_loop3A_173 = arith.index_cast %parallel_loop3A_172 : i32 to index
          %parallel_loop3A_174 = arith.index_cast %parallel_loop3A_165 : i32 to index
          %parallel_loop3A_175 = tpu.vector_load %arg12[%parallel_loop3A_173, %parallel_loop3A_174] {strides = array<i32>} : memref<8x448xf32, #tpu.memory_space<vmem>>, vector<16xf32>,
          %parallel_loop3A_176 = arith.constant 0 : i32
          %parallel_loop3A_177 = arith.addi %parallel_loop3A_176, %parallel_loop3A_165 : i32
          %parallel_loop3A_178 = arith.index_cast %parallel_loop3A_177 : i32 to index
          %parallel_loop3A_179 = tpu.vector_load %arg14[%parallel_loop3A_178] {strides = array<i32>} : memref<3584xi32, #tpu.memory_space<vmem>>, vector<16xi32>,
          %parallel_loop3A_180 = vector.bitcast %parallel_loop3A_179 : vector<16xi32> to vector<32xbf16>
          %parallel_loop3A_181 = tpu.unpack_subelements %parallel_loop3A_180, 0 {pack_format = #tpu.pack_format<interleaved>} : vector<32xbf16> -> vector<16xf32>
          %parallel_loop3A_182 = tpu.unpack_subelements %parallel_loop3A_180, 1 {pack_format = #tpu.pack_format<interleaved>} : vector<32xbf16> -> vector<16xf32>
          %parallel_loop3A_183 = arith.mulf %parallel_loop3A_175, %parallel_loop3A_181 : vector<16xf32>
          %parallel_loop3A_184 = arith.addf %parallel_loop3A_169, %parallel_loop3A_183 : vector<16xf32>
          %parallel_loop3A_185 = arith.mulf %parallel_loop3A_175, %parallel_loop3A_182 : vector<16xf32>
          %parallel_loop3A_186 = arith.addf %parallel_loop3A_171, %parallel_loop3A_185 : vector<16xf32>
          %parallel_loop3A_187 = arith.constant 1 : i32
          %parallel_loop3A_188 = arith.index_cast %parallel_loop3A_187 : i32 to index
          %parallel_loop3A_189 = arith.index_cast %parallel_loop3A_165 : i32 to index
          %parallel_loop3A_190 = tpu.vector_load %arg12[%parallel_loop3A_188, %parallel_loop3A_189] {strides = array<i32>} : memref<8x448xf32, #tpu.memory_space<vmem>>, vector<16xf32>,
          %parallel_loop3A_191 = arith.constant 448 : i32
          %parallel_loop3A_192 = arith.addi %parallel_loop3A_191, %parallel_loop3A_165 : i32
          %parallel_loop3A_193 = arith.index_cast %parallel_loop3A_192 : i32 to index
          %parallel_loop3A_194 = tpu.vector_load %arg14[%parallel_loop3A_193] {strides = array<i32>} : memref<3584xi32, #tpu.memory_space<vmem>>, vector<16xi32>,
          %parallel_loop3A_195 = vector.bitcast %parallel_loop3A_194 : vector<16xi32> to vector<32xbf16>
          %parallel_loop3A_196 = tpu.unpack_subelements %parallel_loop3A_195, 0 {pack_format = #tpu.pack_format<interleaved>} : vector<32xbf16> -> vector<16xf32>
          %parallel_loop3A_197 = tpu.unpack_subelements %parallel_loop3A_195, 1 {pack_format = #tpu.pack_format<interleaved>} : vector<32xbf16> -> vector<16xf32>
          %parallel_loop3A_198 = arith.mulf %parallel_loop3A_190, %parallel_loop3A_196 : vector<16xf32>
          %parallel_loop3A_199 = arith.addf %parallel_loop3A_184, %parallel_loop3A_198 : vector<16xf32>
          %parallel_loop3A_200 = arith.mulf %parallel_loop3A_190, %parallel_loop3A_197 : vector<16xf32>
          %parallel_loop3A_201 = arith.addf %parallel_loop3A_186, %parallel_loop3A_200 : vector<16xf32>
          %parallel_loop3A_202 = arith.constant 2 : i32
          %parallel_loop3A_203 = arith.index_cast %parallel_loop3A_202 : i32 to index
          %parallel_loop3A_204 = arith.index_cast %parallel_loop3A_165 : i32 to index
          %parallel_loop3A_205 = tpu.vector_load %arg12[%parallel_loop3A_203, %parallel_loop3A_204] {strides = array<i32>} : memref<8x448xf32, #tpu.memory_space<vmem>>, vector<16xf32>,
          %parallel_loop3A_206 = arith.constant 896 : i32
          %parallel_loop3A_207 = arith.addi %parallel_loop3A_206, %parallel_loop3A_165 : i32
          %parallel_loop3A_208 = arith.index_cast %parallel_loop3A_207 : i32 to index
          %parallel_loop3A_209 = tpu.vector_load %arg14[%parallel_loop3A_208] {strides = array<i32>} : memref<3584xi32, #tpu.memory_space<vmem>>, vector<16xi32>,
          %parallel_loop3A_210 = vector.bitcast %parallel_loop3A_209 : vector<16xi32> to vector<32xbf16>
          %parallel_loop3A_211 = tpu.unpack_subelements %parallel_loop3A_210, 0 {pack_format = #tpu.pack_format<interleaved>} : vector<32xbf16> -> vector<16xf32>
          %parallel_loop3A_212 = tpu.unpack_subelements %parallel_loop3A_210, 1 {pack_format = #tpu.pack_format<interleaved>} : vector<32xbf16> -> vector<16xf32>
          %parallel_loop3A_213 = arith.mulf %parallel_loop3A_205, %parallel_loop3A_211 : vector<16xf32>
          %parallel_loop3A_214 = arith.addf %parallel_loop3A_199, %parallel_loop3A_213 : vector<16xf32>
          %parallel_loop3A_215 = arith.mulf %parallel_loop3A_205, %parallel_loop3A_212 : vector<16xf32>
          %parallel_loop3A_216 = arith.addf %parallel_loop3A_201, %parallel_loop3A_215 : vector<16xf32>
          %parallel_loop3A_217 = arith.constant 3 : i32
          %parallel_loop3A_218 = arith.index_cast %parallel_loop3A_217 : i32 to index
          %parallel_loop3A_219 = arith.index_cast %parallel_loop3A_165 : i32 to index
          %parallel_loop3A_220 = tpu.vector_load %arg12[%parallel_loop3A_218, %parallel_loop3A_219] {strides = array<i32>} : memref<8x448xf32, #tpu.memory_space<vmem>>, vector<16xf32>,
          %parallel_loop3A_221 = arith.constant 1344 : i32
          %parallel_loop3A_222 = arith.addi %parallel_loop3A_221, %parallel_loop3A_165 : i32
          %parallel_loop3A_223 = arith.index_cast %parallel_loop3A_222 : i32 to index
          %parallel_loop3A_224 = tpu.vector_load %arg14[%parallel_loop3A_223] {strides = array<i32>} : memref<3584xi32, #tpu.memory_space<vmem>>, vector<16xi32>,
          %parallel_loop3A_225 = vector.bitcast %parallel_loop3A_224 : vector<16xi32> to vector<32xbf16>
          %parallel_loop3A_226 = tpu.unpack_subelements %parallel_loop3A_225, 0 {pack_format = #tpu.pack_format<interleaved>} : vector<32xbf16> -> vector<16xf32>
          %parallel_loop3A_227 = tpu.unpack_subelements %parallel_loop3A_225, 1 {pack_format = #tpu.pack_format<interleaved>} : vector<32xbf16> -> vector<16xf32>
          %parallel_loop3A_228 = arith.mulf %parallel_loop3A_220, %parallel_loop3A_226 : vector<16xf32>
          %parallel_loop3A_229 = arith.addf %parallel_loop3A_214, %parallel_loop3A_228 : vector<16xf32>
          %parallel_loop3A_230 = arith.mulf %parallel_loop3A_220, %parallel_loop3A_227 : vector<16xf32>
          %parallel_loop3A_231 = arith.addf %parallel_loop3A_216, %parallel_loop3A_230 : vector<16xf32>
          %parallel_loop3A_232 = arith.constant 4 : i32
          %parallel_loop3A_233 = arith.index_cast %parallel_loop3A_232 : i32 to index
          %parallel_loop3A_234 = arith.index_cast %parallel_loop3A_165 : i32 to index
          %parallel_loop3A_235 = tpu.vector_load %arg12[%parallel_loop3A_233, %parallel_loop3A_234] {strides = array<i32>} : memref<8x448xf32, #tpu.memory_space<vmem>>, vector<16xf32>,
          %parallel_loop3A_236 = arith.constant 1792 : i32
          %parallel_loop3A_237 = arith.addi %parallel_loop3A_236, %parallel_loop3A_165 : i32
          %parallel_loop3A_238 = arith.index_cast %parallel_loop3A_237 : i32 to index
          %parallel_loop3A_239 = tpu.vector_load %arg14[%parallel_loop3A_238] {strides = array<i32>} : memref<3584xi32, #tpu.memory_space<vmem>>, vector<16xi32>,
          %parallel_loop3A_240 = vector.bitcast %parallel_loop3A_239 : vector<16xi32> to vector<32xbf16>
          %parallel_loop3A_241 = tpu.unpack_subelements %parallel_loop3A_240, 0 {pack_format = #tpu.pack_format<interleaved>} : vector<32xbf16> -> vector<16xf32>
          %parallel_loop3A_242 = tpu.unpack_subelements %parallel_loop3A_240, 1 {pack_format = #tpu.pack_format<interleaved>} : vector<32xbf16> -> vector<16xf32>
          %parallel_loop3A_243 = arith.mulf %parallel_loop3A_235, %parallel_loop3A_241 : vector<16xf32>
          %parallel_loop3A_244 = arith.addf %parallel_loop3A_229, %parallel_loop3A_243 : vector<16xf32>
          %parallel_loop3A_245 = arith.mulf %parallel_loop3A_235, %parallel_loop3A_242 : vector<16xf32>
          %parallel_loop3A_246 = arith.addf %parallel_loop3A_231, %parallel_loop3A_245 : vector<16xf32>
          %parallel_loop3A_247 = arith.constant 5 : i32
          %parallel_loop3A_248 = arith.index_cast %parallel_loop3A_247 : i32 to index
          %parallel_loop3A_249 = arith.index_cast %parallel_loop3A_165 : i32 to index
          %parallel_loop3A_250 = tpu.vector_load %arg12[%parallel_loop3A_248, %parallel_loop3A_249] {strides = array<i32>} : memref<8x448xf32, #tpu.memory_space<vmem>>, vector<16xf32>,
          %parallel_loop3A_251 = arith.constant 2240 : i32
          %parallel_loop3A_252 = arith.addi %parallel_loop3A_251, %parallel_loop3A_165 : i32
          %parallel_loop3A_253 = arith.index_cast %parallel_loop3A_252 : i32 to index
          %parallel_loop3A_254 = tpu.vector_load %arg14[%parallel_loop3A_253] {strides = array<i32>} : memref<3584xi32, #tpu.memory_space<vmem>>, vector<16xi32>,
          %parallel_loop3A_255 = vector.bitcast %parallel_loop3A_254 : vector<16xi32> to vector<32xbf16>
          %parallel_loop3A_256 = tpu.unpack_subelements %parallel_loop3A_255, 0 {pack_format = #tpu.pack_format<interleaved>} : vector<32xbf16> -> vector<16xf32>
          %parallel_loop3A_257 = tpu.unpack_subelements %parallel_loop3A_255, 1 {pack_format = #tpu.pack_format<interleaved>} : vector<32xbf16> -> vector<16xf32>
          %parallel_loop3A_258 = arith.mulf %parallel_loop3A_250, %parallel_loop3A_256 : vector<16xf32>
          %parallel_loop3A_259 = arith.addf %parallel_loop3A_244, %parallel_loop3A_258 : vector<16xf32>
          %parallel_loop3A_260 = arith.mulf %parallel_loop3A_250, %parallel_loop3A_257 : vector<16xf32>
          %parallel_loop3A_261 = arith.addf %parallel_loop3A_246, %parallel_loop3A_260 : vector<16xf32>
          %parallel_loop3A_262 = arith.constant 6 : i32
          %parallel_loop3A_263 = arith.index_cast %parallel_loop3A_262 : i32 to index
          %parallel_loop3A_264 = arith.index_cast %parallel_loop3A_165 : i32 to index
          %parallel_loop3A_265 = tpu.vector_load %arg12[%parallel_loop3A_263, %parallel_loop3A_264] {strides = array<i32>} : memref<8x448xf32, #tpu.memory_space<vmem>>, vector<16xf32>,
          %parallel_loop3A_266 = arith.constant 2688 : i32
          %parallel_loop3A_267 = arith.addi %parallel_loop3A_266, %parallel_loop3A_165 : i32
          %parallel_loop3A_268 = arith.index_cast %parallel_loop3A_267 : i32 to index
          %parallel_loop3A_269 = tpu.vector_load %arg14[%parallel_loop3A_268] {strides = array<i32>} : memref<3584xi32, #tpu.memory_space<vmem>>, vector<16xi32>,
          %parallel_loop3A_270 = vector.bitcast %parallel_loop3A_269 : vector<16xi32> to vector<32xbf16>
          %parallel_loop3A_271 = tpu.unpack_subelements %parallel_loop3A_270, 0 {pack_format = #tpu.pack_format<interleaved>} : vector<32xbf16> -> vector<16xf32>
          %parallel_loop3A_272 = tpu.unpack_subelements %parallel_loop3A_270, 1 {pack_format = #tpu.pack_format<interleaved>} : vector<32xbf16> -> vector<16xf32>
          %parallel_loop3A_273 = arith.mulf %parallel_loop3A_265, %parallel_loop3A_271 : vector<16xf32>
          %parallel_loop3A_274 = arith.addf %parallel_loop3A_259, %parallel_loop3A_273 : vector<16xf32>
          %parallel_loop3A_275 = arith.mulf %parallel_loop3A_265, %parallel_loop3A_272 : vector<16xf32>
          %parallel_loop3A_276 = arith.addf %parallel_loop3A_261, %parallel_loop3A_275 : vector<16xf32>
          %parallel_loop3A_277 = arith.constant 7 : i32
          %parallel_loop3A_278 = arith.index_cast %parallel_loop3A_277 : i32 to index
          %parallel_loop3A_279 = arith.index_cast %parallel_loop3A_165 : i32 to index
          %parallel_loop3A_280 = tpu.vector_load %arg12[%parallel_loop3A_278, %parallel_loop3A_279] {strides = array<i32>} : memref<8x448xf32, #tpu.memory_space<vmem>>, vector<16xf32>,
          %parallel_loop3A_281 = arith.constant 3136 : i32
          %parallel_loop3A_282 = arith.addi %parallel_loop3A_281, %parallel_loop3A_165 : i32
          %parallel_loop3A_283 = arith.index_cast %parallel_loop3A_282 : i32 to index
          %parallel_loop3A_284 = tpu.vector_load %arg14[%parallel_loop3A_283] {strides = array<i32>} : memref<3584xi32, #tpu.memory_space<vmem>>, vector<16xi32>,
          %parallel_loop3A_285 = vector.bitcast %parallel_loop3A_284 : vector<16xi32> to vector<32xbf16>
          %parallel_loop3A_286 = tpu.unpack_subelements %parallel_loop3A_285, 0 {pack_format = #tpu.pack_format<interleaved>} : vector<32xbf16> -> vector<16xf32>
          %parallel_loop3A_287 = tpu.unpack_subelements %parallel_loop3A_285, 1 {pack_format = #tpu.pack_format<interleaved>} : vector<32xbf16> -> vector<16xf32>
          %parallel_loop3A_288 = arith.mulf %parallel_loop3A_280, %parallel_loop3A_286 : vector<16xf32>
          %parallel_loop3A_289 = arith.addf %parallel_loop3A_274, %parallel_loop3A_288 : vector<16xf32>
          %parallel_loop3A_290 = arith.mulf %parallel_loop3A_280, %parallel_loop3A_287 : vector<16xf32>
          %parallel_loop3A_291 = arith.addf %parallel_loop3A_276, %parallel_loop3A_290 : vector<16xf32>
          %parallel_loop3A_292 = arith.constant 448 : i32
          %parallel_loop3A_293 = vector.broadcast %parallel_loop3A_292 : i32 to vector<16xi32>
          %parallel_loop3A_294 = arith.select %lt3A_78, %parallel_loop3A_293, %parallel_loop3A_167 : vector<16xi32>
          %parallel_loop3A_295 = arith.constant 2 : i32
          %parallel_loop3A_296 = vector.broadcast %parallel_loop3A_295 : i32 to vector<16xi32>
          %parallel_loop3A_297 = vector.broadcast %max3A_80 : i32 to vector<16xi32>
          %parallel_loop3A_298 = arith.muli %parallel_loop3A_296, %parallel_loop3A_297 : vector<16xi32>
          tpu.vector_store_idx %arg16[%parallel_loop3A_294, %parallel_loop3A_298], %parallel_loop3A_289 : memref<456x128xf32, #tpu.memory_space<vmem>>[vector<16xi32>, vector<16xi32>], vector<16xf32>,
          %parallel_loop3A_299 = arith.constant 1 : i32
          %parallel_loop3A_300 = vector.broadcast %parallel_loop3A_299 : i32 to vector<16xi32>
          %parallel_loop3A_301 = arith.addi %parallel_loop3A_298, %parallel_loop3A_300 : vector<16xi32>
          tpu.vector_store_idx %arg16[%parallel_loop3A_294, %parallel_loop3A_301], %parallel_loop3A_291 : memref<456x128xf32, #tpu.memory_space<vmem>>[vector<16xi32>, vector<16xi32>], vector<16xf32>,
        } {sc.loop_unroll_factor = 2 : i64, sc.parallel_access}
        %broadcast_in_dim3A = arith.constant 6 : i32
        %broadcast_in_dim3A_83 = vector.broadcast %broadcast_in_dim3A : i32 to vector<16xi32>
        %mul3A_84 = vector.broadcast %rem3A_65 : i32 to vector<16xi32>
        %mul3A_85 = arith.muli %broadcast_in_dim3A_83, %mul3A_84 : vector<16xi32>
        %gather3A = tpu.vector_load_idx %arg9[%mul3A_85] : memref<384xf32, #tpu.memory_space<vmem>>[vector<16xi32>], vector<16xf32>,
        %add3A_86 = arith.constant 1 : i32
        %add3A_87 = vector.broadcast %add3A_86 : i32 to vector<16xi32>
        %add3A_88 = arith.addi %mul3A_85, %add3A_87 : vector<16xi32>
        %gather3A_89 = tpu.vector_load_idx %arg9[%add3A_88] : memref<384xf32, #tpu.memory_space<vmem>>[vector<16xi32>], vector<16xf32>,
        %add3A_90 = arith.constant 2 : i32
        %add3A_91 = vector.broadcast %add3A_90 : i32 to vector<16xi32>
        %add3A_92 = arith.addi %mul3A_85, %add3A_91 : vector<16xi32>
        %gather3A_93 = tpu.vector_load_idx %arg9[%add3A_92] : memref<384xf32, #tpu.memory_space<vmem>>[vector<16xi32>], vector<16xf32>,
        %add3A_94 = arith.constant 3 : i32
        %add3A_95 = vector.broadcast %add3A_94 : i32 to vector<16xi32>
        %add3A_96 = arith.addi %mul3A_85, %add3A_95 : vector<16xi32>
        %gather3A_97 = tpu.vector_load_idx %arg9[%add3A_96] : memref<384xf32, #tpu.memory_space<vmem>>[vector<16xi32>], vector<16xf32>,
        %add3A_98 = arith.constant 4 : i32
        %add3A_99 = vector.broadcast %add3A_98 : i32 to vector<16xi32>
        %add3A_100 = arith.addi %mul3A_85, %add3A_99 : vector<16xi32>
        %gather3A_101 = tpu.vector_load_idx %arg9[%add3A_100] : memref<384xf32, #tpu.memory_space<vmem>>[vector<16xi32>], vector<16xf32>,
        %add3A_102 = arith.constant 5 : i32
        %add3A_103 = vector.broadcast %add3A_102 : i32 to vector<16xi32>
        %add3A_104 = arith.addi %mul3A_85, %add3A_103 : vector<16xi32>
        %gather3A_105 = tpu.vector_load_idx %arg9[%add3A_104] : memref<384xf32, #tpu.memory_space<vmem>>[vector<16xi32>], vector<16xf32>,
        %parallel_loop3A_106 = arith.constant 0 : i32
        %parallel_loop3A_107 = arith.constant 28 : i32
        %parallel_loop3A_108 = arith.constant 1 : i32
        scf.for %parallel_loop3A_163 = %parallel_loop3A_106 to %parallel_loop3A_107 step %parallel_loop3A_108  : i32 {
          %parallel_loop3A_164 = arith.constant 16 : i32
          %parallel_loop3A_165 = arith.muli %parallel_loop3A_163, %parallel_loop3A_164 : i32
          %parallel_loop3A_166 = arith.index_cast %parallel_loop3A_165 : i32 to index
          %parallel_loop3A_167 = tpu.vector_load %arg6[%parallel_loop3A_166] {strides = array<i32>} : memref<448xf32, #tpu.memory_space<vmem>>, vector<16xf32>,
          %parallel_loop3A_168 = arith.index_cast %parallel_loop3A_165 : i32 to index
          %parallel_loop3A_169 = tpu.vector_load %arg7[%parallel_loop3A_168] {strides = array<i32>} : memref<448xf32, #tpu.memory_space<vmem>>, vector<16xf32>,
          %parallel_loop3A_170 = arith.index_cast %parallel_loop3A_165 : i32 to index
          %parallel_loop3A_171 = tpu.vector_load %arg8[%parallel_loop3A_170] {strides = array<i32>} : memref<448xf32, #tpu.memory_space<vmem>>, vector<16xf32>,
          %parallel_loop3A_172 = arith.mulf %parallel_loop3A_167, %gather3A : vector<16xf32>
          %parallel_loop3A_173 = arith.addf %parallel_loop3A_172, %gather3A_89 : vector<16xf32>
          %parallel_loop3A_174 = arith.mulf %parallel_loop3A_169, %gather3A_93 : vector<16xf32>
          %parallel_loop3A_175 = arith.addf %parallel_loop3A_174, %gather3A_97 : vector<16xf32>
          %parallel_loop3A_176 = arith.mulf %parallel_loop3A_171, %gather3A_101 : vector<16xf32>
          %parallel_loop3A_177 = arith.addf %parallel_loop3A_176, %gather3A_105 : vector<16xf32>
          %parallel_loop3A_178 = arith.fptosi %parallel_loop3A_173 : vector<16xf32> to vector<16xi32>
          %parallel_loop3A_179 = arith.sitofp %parallel_loop3A_178 : vector<16xi32> to vector<16xf32>
          %parallel_loop3A_180 = arith.cmpf ogt, %parallel_loop3A_179, %parallel_loop3A_173 : vector<16xf32>
          %parallel_loop3A_181 = arith.constant 1.000000e+00 : f32
          %parallel_loop3A_182 = vector.broadcast %parallel_loop3A_181 : f32 to vector<16xf32>
          %parallel_loop3A_183 = arith.subf %parallel_loop3A_179, %parallel_loop3A_182 : vector<16xf32>
          %parallel_loop3A_184 = arith.select %parallel_loop3A_180, %parallel_loop3A_183, %parallel_loop3A_179 : vector<16xi1>, vector<16xf32>
          %parallel_loop3A_185 = arith.subf %parallel_loop3A_173, %parallel_loop3A_184 : vector<16xf32>
          %parallel_loop3A_186 = arith.constant 0.000000e+00 : f32
          %parallel_loop3A_187 = arith.constant 6.300000e+01 : f32
          %parallel_loop3A_188 = vector.broadcast %parallel_loop3A_186 : f32 to vector<16xf32>
          %parallel_loop3A_189 = arith.maximumf %parallel_loop3A_188, %parallel_loop3A_184 : vector<16xf32>
          %parallel_loop3A_190 = vector.broadcast %parallel_loop3A_187 : f32 to vector<16xf32>
          %parallel_loop3A_191 = arith.minimumf %parallel_loop3A_190, %parallel_loop3A_189 : vector<16xf32>
          %parallel_loop3A_192 = arith.cmpf oeq, %parallel_loop3A_184, %parallel_loop3A_191 : vector<16xf32>
          %parallel_loop3A_193 = arith.constant 1.000000e+00 : f32
          %parallel_loop3A_194 = vector.broadcast %parallel_loop3A_193 : f32 to vector<16xf32>
          %parallel_loop3A_195 = arith.addf %parallel_loop3A_184, %parallel_loop3A_194 : vector<16xf32>
          %parallel_loop3A_196 = arith.constant 0.000000e+00 : f32
          %parallel_loop3A_197 = arith.constant 6.300000e+01 : f32
          %parallel_loop3A_198 = vector.broadcast %parallel_loop3A_196 : f32 to vector<16xf32>
          %parallel_loop3A_199 = arith.maximumf %parallel_loop3A_198, %parallel_loop3A_195 : vector<16xf32>
          %parallel_loop3A_200 = vector.broadcast %parallel_loop3A_197 : f32 to vector<16xf32>
          %parallel_loop3A_201 = arith.minimumf %parallel_loop3A_200, %parallel_loop3A_199 : vector<16xf32>
          %parallel_loop3A_202 = arith.cmpf oeq, %parallel_loop3A_195, %parallel_loop3A_201 : vector<16xf32>
          %parallel_loop3A_203 = arith.constant 1.000000e+00 : f32
          %parallel_loop3A_204 = vector.broadcast %parallel_loop3A_203 : f32 to vector<16xf32>
          %parallel_loop3A_205 = arith.subf %parallel_loop3A_204, %parallel_loop3A_185 : vector<16xf32>
          %parallel_loop3A_206 = arith.constant 0.000000e+00 : f32
          %parallel_loop3A_207 = vector.broadcast %parallel_loop3A_206 : f32 to vector<16xf32>
          %parallel_loop3A_208 = arith.select %parallel_loop3A_192, %parallel_loop3A_205, %parallel_loop3A_207 : vector<16xi1>, vector<16xf32>
          %parallel_loop3A_209 = arith.constant 0.000000e+00 : f32
          %parallel_loop3A_210 = vector.broadcast %parallel_loop3A_209 : f32 to vector<16xf32>
          %parallel_loop3A_211 = arith.select %parallel_loop3A_202, %parallel_loop3A_185, %parallel_loop3A_210 : vector<16xi1>, vector<16xf32>
          %parallel_loop3A_212 = arith.fptosi %parallel_loop3A_191 : vector<16xf32> to vector<16xi32>
          %parallel_loop3A_213 = arith.fptosi %parallel_loop3A_201 : vector<16xf32> to vector<16xi32>
          %parallel_loop3A_214 = arith.fptosi %parallel_loop3A_175 : vector<16xf32> to vector<16xi32>
          %parallel_loop3A_215 = arith.sitofp %parallel_loop3A_214 : vector<16xi32> to vector<16xf32>
          %parallel_loop3A_216 = arith.cmpf ogt, %parallel_loop3A_215, %parallel_loop3A_175 : vector<16xf32>
          %parallel_loop3A_217 = arith.constant 1.000000e+00 : f32
          %parallel_loop3A_218 = vector.broadcast %parallel_loop3A_217 : f32 to vector<16xf32>
          %parallel_loop3A_219 = arith.subf %parallel_loop3A_215, %parallel_loop3A_218 : vector<16xf32>
          %parallel_loop3A_220 = arith.select %parallel_loop3A_216, %parallel_loop3A_219, %parallel_loop3A_215 : vector<16xi1>, vector<16xf32>
          %parallel_loop3A_221 = arith.subf %parallel_loop3A_175, %parallel_loop3A_220 : vector<16xf32>
          %parallel_loop3A_222 = arith.constant 0.000000e+00 : f32
          %parallel_loop3A_223 = arith.constant 6.300000e+01 : f32
          %parallel_loop3A_224 = vector.broadcast %parallel_loop3A_222 : f32 to vector<16xf32>
          %parallel_loop3A_225 = arith.maximumf %parallel_loop3A_224, %parallel_loop3A_220 : vector<16xf32>
          %parallel_loop3A_226 = vector.broadcast %parallel_loop3A_223 : f32 to vector<16xf32>
          %parallel_loop3A_227 = arith.minimumf %parallel_loop3A_226, %parallel_loop3A_225 : vector<16xf32>
          %parallel_loop3A_228 = arith.cmpf oeq, %parallel_loop3A_220, %parallel_loop3A_227 : vector<16xf32>
          %parallel_loop3A_229 = arith.constant 1.000000e+00 : f32
          %parallel_loop3A_230 = vector.broadcast %parallel_loop3A_229 : f32 to vector<16xf32>
          %parallel_loop3A_231 = arith.addf %parallel_loop3A_220, %parallel_loop3A_230 : vector<16xf32>
          %parallel_loop3A_232 = arith.constant 0.000000e+00 : f32
          %parallel_loop3A_233 = arith.constant 6.300000e+01 : f32
          %parallel_loop3A_234 = vector.broadcast %parallel_loop3A_232 : f32 to vector<16xf32>
          %parallel_loop3A_235 = arith.maximumf %parallel_loop3A_234, %parallel_loop3A_231 : vector<16xf32>
          %parallel_loop3A_236 = vector.broadcast %parallel_loop3A_233 : f32 to vector<16xf32>
          %parallel_loop3A_237 = arith.minimumf %parallel_loop3A_236, %parallel_loop3A_235 : vector<16xf32>
          %parallel_loop3A_238 = arith.cmpf oeq, %parallel_loop3A_231, %parallel_loop3A_237 : vector<16xf32>
          %parallel_loop3A_239 = arith.constant 1.000000e+00 : f32
          %parallel_loop3A_240 = vector.broadcast %parallel_loop3A_239 : f32 to vector<16xf32>
          %parallel_loop3A_241 = arith.subf %parallel_loop3A_240, %parallel_loop3A_221 : vector<16xf32>
          %parallel_loop3A_242 = arith.constant 0.000000e+00 : f32
          %parallel_loop3A_243 = vector.broadcast %parallel_loop3A_242 : f32 to vector<16xf32>
          %parallel_loop3A_244 = arith.select %parallel_loop3A_228, %parallel_loop3A_241, %parallel_loop3A_243 : vector<16xi1>, vector<16xf32>
          %parallel_loop3A_245 = arith.constant 0.000000e+00 : f32
          %parallel_loop3A_246 = vector.broadcast %parallel_loop3A_245 : f32 to vector<16xf32>
          %parallel_loop3A_247 = arith.select %parallel_loop3A_238, %parallel_loop3A_221, %parallel_loop3A_246 : vector<16xi1>, vector<16xf32>
          %parallel_loop3A_248 = arith.fptosi %parallel_loop3A_227 : vector<16xf32> to vector<16xi32>
          %parallel_loop3A_249 = arith.fptosi %parallel_loop3A_237 : vector<16xf32> to vector<16xi32>
          %parallel_loop3A_250 = arith.fptosi %parallel_loop3A_177 : vector<16xf32> to vector<16xi32>
          %parallel_loop3A_251 = arith.sitofp %parallel_loop3A_250 : vector<16xi32> to vector<16xf32>
          %parallel_loop3A_252 = arith.cmpf ogt, %parallel_loop3A_251, %parallel_loop3A_177 : vector<16xf32>
          %parallel_loop3A_253 = arith.constant 1.000000e+00 : f32
          %parallel_loop3A_254 = vector.broadcast %parallel_loop3A_253 : f32 to vector<16xf32>
          %parallel_loop3A_255 = arith.subf %parallel_loop3A_251, %parallel_loop3A_254 : vector<16xf32>
          %parallel_loop3A_256 = arith.select %parallel_loop3A_252, %parallel_loop3A_255, %parallel_loop3A_251 : vector<16xi1>, vector<16xf32>
          %parallel_loop3A_257 = arith.subf %parallel_loop3A_177, %parallel_loop3A_256 : vector<16xf32>
          %parallel_loop3A_258 = arith.constant 0.000000e+00 : f32
          %parallel_loop3A_259 = arith.constant 6.300000e+01 : f32
          %parallel_loop3A_260 = vector.broadcast %parallel_loop3A_258 : f32 to vector<16xf32>
          %parallel_loop3A_261 = arith.maximumf %parallel_loop3A_260, %parallel_loop3A_256 : vector<16xf32>
          %parallel_loop3A_262 = vector.broadcast %parallel_loop3A_259 : f32 to vector<16xf32>
          %parallel_loop3A_263 = arith.minimumf %parallel_loop3A_262, %parallel_loop3A_261 : vector<16xf32>
          %parallel_loop3A_264 = arith.cmpf oeq, %parallel_loop3A_256, %parallel_loop3A_263 : vector<16xf32>
          %parallel_loop3A_265 = arith.constant 1.000000e+00 : f32
          %parallel_loop3A_266 = vector.broadcast %parallel_loop3A_265 : f32 to vector<16xf32>
          %parallel_loop3A_267 = arith.addf %parallel_loop3A_256, %parallel_loop3A_266 : vector<16xf32>
          %parallel_loop3A_268 = arith.constant 0.000000e+00 : f32
          %parallel_loop3A_269 = arith.constant 6.300000e+01 : f32
          %parallel_loop3A_270 = vector.broadcast %parallel_loop3A_268 : f32 to vector<16xf32>
          %parallel_loop3A_271 = arith.maximumf %parallel_loop3A_270, %parallel_loop3A_267 : vector<16xf32>
          %parallel_loop3A_272 = vector.broadcast %parallel_loop3A_269 : f32 to vector<16xf32>
          %parallel_loop3A_273 = arith.minimumf %parallel_loop3A_272, %parallel_loop3A_271 : vector<16xf32>
          %parallel_loop3A_274 = arith.cmpf oeq, %parallel_loop3A_267, %parallel_loop3A_273 : vector<16xf32>
          %parallel_loop3A_275 = arith.constant 1.000000e+00 : f32
          %parallel_loop3A_276 = vector.broadcast %parallel_loop3A_275 : f32 to vector<16xf32>
          %parallel_loop3A_277 = arith.subf %parallel_loop3A_276, %parallel_loop3A_257 : vector<16xf32>
          %parallel_loop3A_278 = arith.constant 0.000000e+00 : f32
          %parallel_loop3A_279 = vector.broadcast %parallel_loop3A_278 : f32 to vector<16xf32>
          %parallel_loop3A_280 = arith.select %parallel_loop3A_264, %parallel_loop3A_277, %parallel_loop3A_279 : vector<16xi1>, vector<16xf32>
          %parallel_loop3A_281 = arith.constant 0.000000e+00 : f32
          %parallel_loop3A_282 = vector.broadcast %parallel_loop3A_281 : f32 to vector<16xf32>
          %parallel_loop3A_283 = arith.select %parallel_loop3A_274, %parallel_loop3A_257, %parallel_loop3A_282 : vector<16xi1>, vector<16xf32>
          %parallel_loop3A_284 = arith.fptosi %parallel_loop3A_263 : vector<16xf32> to vector<16xi32>
          %parallel_loop3A_285 = arith.fptosi %parallel_loop3A_273 : vector<16xf32> to vector<16xi32>
          %parallel_loop3A_286 = arith.constant 16 : i32
          %parallel_loop3A_287 = arith.muli %parallel_loop3A_163, %parallel_loop3A_286 : i32
          %parallel_loop3A_288 = arith.constant 4096 : i32
          %parallel_loop3A_289 = vector.broadcast %parallel_loop3A_288 : i32 to vector<16xi32>
          %parallel_loop3A_290 = arith.muli %parallel_loop3A_284, %parallel_loop3A_289 : vector<16xi32>
          %parallel_loop3A_291 = arith.constant 64 : i32
          %parallel_loop3A_292 = vector.broadcast %parallel_loop3A_291 : i32 to vector<16xi32>
          %parallel_loop3A_293 = arith.muli %parallel_loop3A_248, %parallel_loop3A_292 : vector<16xi32>
          %parallel_loop3A_294 = arith.addi %parallel_loop3A_290, %parallel_loop3A_293 : vector<16xi32>
          %parallel_loop3A_295 = arith.mulf %parallel_loop3A_280, %parallel_loop3A_244 : vector<16xf32>
          %parallel_loop3A_296 = arith.mulf %parallel_loop3A_295, %parallel_loop3A_208 : vector<16xf32>
          %parallel_loop3A_297 = arith.addi %parallel_loop3A_294, %parallel_loop3A_212 : vector<16xi32>
          %parallel_loop3A_298 = arith.constant 0.000000e+00 : f32
          %parallel_loop3A_299 = vector.broadcast %parallel_loop3A_298 : f32 to vector<16xf32>
          %parallel_loop3A_300 = arith.cmpf ogt, %parallel_loop3A_296, %parallel_loop3A_299 : vector<16xf32>
          %parallel_loop3A_301 = arith.constant -1 : i32
          %parallel_loop3A_302 = vector.broadcast %parallel_loop3A_301 : i32 to vector<16xi32>
          %parallel_loop3A_303 = arith.select %parallel_loop3A_300, %parallel_loop3A_297, %parallel_loop3A_302 : vector<16xi1>, vector<16xi32>
          %parallel_loop3A_304 = arith.constant 0 : i32
          %parallel_loop3A_305 = arith.addi %parallel_loop3A_304, %parallel_loop3A_287 : i32
          %parallel_loop3A_306 = arith.index_cast %parallel_loop3A_305 : i32 to index
          %parallel_loop3A_307 = tpu.vector_load %arg10[%parallel_loop3A_306] {strides = array<i32>} : memref<3584xi32, #tpu.memory_space<vmem>>, vector<16xi32>,
          tpu.vector_store %arg10[%parallel_loop3A_306], %parallel_loop3A_303 {strides = array<i32>} : memref<3584xi32, #tpu.memory_space<vmem>>, vector<16xi32>,
          %parallel_loop3A_308 = arith.constant 0 : i32
          %parallel_loop3A_309 = arith.index_cast %parallel_loop3A_308 : i32 to index
          %parallel_loop3A_310 = arith.index_cast %parallel_loop3A_287 : i32 to index
          %parallel_loop3A_311 = tpu.vector_load %arg12[%parallel_loop3A_309, %parallel_loop3A_310] {strides = array<i32>} : memref<8x448xf32, #tpu.memory_space<vmem>>, vector<16xf32>,
          tpu.vector_store %arg12[%parallel_loop3A_309, %parallel_loop3A_310], %parallel_loop3A_296 {strides = array<i32>} : memref<8x448xf32, #tpu.memory_space<vmem>>, vector<16xf32>,
          %parallel_loop3A_312 = arith.mulf %parallel_loop3A_295, %parallel_loop3A_211 : vector<16xf32>
          %parallel_loop3A_313 = arith.addi %parallel_loop3A_294, %parallel_loop3A_213 : vector<16xi32>
          %parallel_loop3A_314 = arith.constant 0.000000e+00 : f32
          %parallel_loop3A_315 = vector.broadcast %parallel_loop3A_314 : f32 to vector<16xf32>
          %parallel_loop3A_316 = arith.cmpf ogt, %parallel_loop3A_312, %parallel_loop3A_315 : vector<16xf32>
          %parallel_loop3A_317 = arith.constant -1 : i32
          %parallel_loop3A_318 = vector.broadcast %parallel_loop3A_317 : i32 to vector<16xi32>
          %parallel_loop3A_319 = arith.select %parallel_loop3A_316, %parallel_loop3A_313, %parallel_loop3A_318 : vector<16xi1>, vector<16xi32>
          %parallel_loop3A_320 = arith.constant 448 : i32
          %parallel_loop3A_321 = arith.addi %parallel_loop3A_320, %parallel_loop3A_287 : i32
          %parallel_loop3A_322 = arith.index_cast %parallel_loop3A_321 : i32 to index
          %parallel_loop3A_323 = tpu.vector_load %arg10[%parallel_loop3A_322] {strides = array<i32>} : memref<3584xi32, #tpu.memory_space<vmem>>, vector<16xi32>,
          tpu.vector_store %arg10[%parallel_loop3A_322], %parallel_loop3A_319 {strides = array<i32>} : memref<3584xi32, #tpu.memory_space<vmem>>, vector<16xi32>,
          %parallel_loop3A_324 = arith.constant 1 : i32
          %parallel_loop3A_325 = arith.index_cast %parallel_loop3A_324 : i32 to index
          %parallel_loop3A_326 = arith.index_cast %parallel_loop3A_287 : i32 to index
          %parallel_loop3A_327 = tpu.vector_load %arg12[%parallel_loop3A_325, %parallel_loop3A_326] {strides = array<i32>} : memref<8x448xf32, #tpu.memory_space<vmem>>, vector<16xf32>,
          tpu.vector_store %arg12[%parallel_loop3A_325, %parallel_loop3A_326], %parallel_loop3A_312 {strides = array<i32>} : memref<8x448xf32, #tpu.memory_space<vmem>>, vector<16xf32>,
          %parallel_loop3A_328 = arith.constant 64 : i32
          %parallel_loop3A_329 = vector.broadcast %parallel_loop3A_328 : i32 to vector<16xi32>
          %parallel_loop3A_330 = arith.muli %parallel_loop3A_249, %parallel_loop3A_329 : vector<16xi32>
          %parallel_loop3A_331 = arith.addi %parallel_loop3A_290, %parallel_loop3A_330 : vector<16xi32>
          %parallel_loop3A_332 = arith.mulf %parallel_loop3A_280, %parallel_loop3A_247 : vector<16xf32>
          %parallel_loop3A_333 = arith.mulf %parallel_loop3A_332, %parallel_loop3A_208 : vector<16xf32>
          %parallel_loop3A_334 = arith.addi %parallel_loop3A_331, %parallel_loop3A_212 : vector<16xi32>
          %parallel_loop3A_335 = arith.constant 0.000000e+00 : f32
          %parallel_loop3A_336 = vector.broadcast %parallel_loop3A_335 : f32 to vector<16xf32>
          %parallel_loop3A_337 = arith.cmpf ogt, %parallel_loop3A_333, %parallel_loop3A_336 : vector<16xf32>
          %parallel_loop3A_338 = arith.constant -1 : i32
          %parallel_loop3A_339 = vector.broadcast %parallel_loop3A_338 : i32 to vector<16xi32>
          %parallel_loop3A_340 = arith.select %parallel_loop3A_337, %parallel_loop3A_334, %parallel_loop3A_339 : vector<16xi1>, vector<16xi32>
          %parallel_loop3A_341 = arith.constant 896 : i32
          %parallel_loop3A_342 = arith.addi %parallel_loop3A_341, %parallel_loop3A_287 : i32
          %parallel_loop3A_343 = arith.index_cast %parallel_loop3A_342 : i32 to index
          %parallel_loop3A_344 = tpu.vector_load %arg10[%parallel_loop3A_343] {strides = array<i32>} : memref<3584xi32, #tpu.memory_space<vmem>>, vector<16xi32>,
          tpu.vector_store %arg10[%parallel_loop3A_343], %parallel_loop3A_340 {strides = array<i32>} : memref<3584xi32, #tpu.memory_space<vmem>>, vector<16xi32>,
          %parallel_loop3A_345 = arith.constant 2 : i32
          %parallel_loop3A_346 = arith.index_cast %parallel_loop3A_345 : i32 to index
          %parallel_loop3A_347 = arith.index_cast %parallel_loop3A_287 : i32 to index
          %parallel_loop3A_348 = tpu.vector_load %arg12[%parallel_loop3A_346, %parallel_loop3A_347] {strides = array<i32>} : memref<8x448xf32, #tpu.memory_space<vmem>>, vector<16xf32>,
          tpu.vector_store %arg12[%parallel_loop3A_346, %parallel_loop3A_347], %parallel_loop3A_333 {strides = array<i32>} : memref<8x448xf32, #tpu.memory_space<vmem>>, vector<16xf32>,
          %parallel_loop3A_349 = arith.mulf %parallel_loop3A_332, %parallel_loop3A_211 : vector<16xf32>
          %parallel_loop3A_350 = arith.addi %parallel_loop3A_331, %parallel_loop3A_213 : vector<16xi32>
          %parallel_loop3A_351 = arith.constant 0.000000e+00 : f32
          %parallel_loop3A_352 = vector.broadcast %parallel_loop3A_351 : f32 to vector<16xf32>
          %parallel_loop3A_353 = arith.cmpf ogt, %parallel_loop3A_349, %parallel_loop3A_352 : vector<16xf32>
          %parallel_loop3A_354 = arith.constant -1 : i32
          %parallel_loop3A_355 = vector.broadcast %parallel_loop3A_354 : i32 to vector<16xi32>
          %parallel_loop3A_356 = arith.select %parallel_loop3A_353, %parallel_loop3A_350, %parallel_loop3A_355 : vector<16xi1>, vector<16xi32>
          %parallel_loop3A_357 = arith.constant 1344 : i32
          %parallel_loop3A_358 = arith.addi %parallel_loop3A_357, %parallel_loop3A_287 : i32
          %parallel_loop3A_359 = arith.index_cast %parallel_loop3A_358 : i32 to index
          %parallel_loop3A_360 = tpu.vector_load %arg10[%parallel_loop3A_359] {strides = array<i32>} : memref<3584xi32, #tpu.memory_space<vmem>>, vector<16xi32>,
          tpu.vector_store %arg10[%parallel_loop3A_359], %parallel_loop3A_356 {strides = array<i32>} : memref<3584xi32, #tpu.memory_space<vmem>>, vector<16xi32>,
          %parallel_loop3A_361 = arith.constant 3 : i32
          %parallel_loop3A_362 = arith.index_cast %parallel_loop3A_361 : i32 to index
          %parallel_loop3A_363 = arith.index_cast %parallel_loop3A_287 : i32 to index
          %parallel_loop3A_364 = tpu.vector_load %arg12[%parallel_loop3A_362, %parallel_loop3A_363] {strides = array<i32>} : memref<8x448xf32, #tpu.memory_space<vmem>>, vector<16xf32>,
          tpu.vector_store %arg12[%parallel_loop3A_362, %parallel_loop3A_363], %parallel_loop3A_349 {strides = array<i32>} : memref<8x448xf32, #tpu.memory_space<vmem>>, vector<16xf32>,
          %parallel_loop3A_365 = arith.constant 4096 : i32
          %parallel_loop3A_366 = vector.broadcast %parallel_loop3A_365 : i32 to vector<16xi32>
          %parallel_loop3A_367 = arith.muli %parallel_loop3A_285, %parallel_loop3A_366 : vector<16xi32>
          %parallel_loop3A_368 = arith.constant 64 : i32
          %parallel_loop3A_369 = vector.broadcast %parallel_loop3A_368 : i32 to vector<16xi32>
          %parallel_loop3A_370 = arith.muli %parallel_loop3A_248, %parallel_loop3A_369 : vector<16xi32>
          %parallel_loop3A_371 = arith.addi %parallel_loop3A_367, %parallel_loop3A_370 : vector<16xi32>
          %parallel_loop3A_372 = arith.mulf %parallel_loop3A_283, %parallel_loop3A_244 : vector<16xf32>
          %parallel_loop3A_373 = arith.mulf %parallel_loop3A_372, %parallel_loop3A_208 : vector<16xf32>
          %parallel_loop3A_374 = arith.addi %parallel_loop3A_371, %parallel_loop3A_212 : vector<16xi32>
          %parallel_loop3A_375 = arith.constant 0.000000e+00 : f32
          %parallel_loop3A_376 = vector.broadcast %parallel_loop3A_375 : f32 to vector<16xf32>
          %parallel_loop3A_377 = arith.cmpf ogt, %parallel_loop3A_373, %parallel_loop3A_376 : vector<16xf32>
          %parallel_loop3A_378 = arith.constant -1 : i32
          %parallel_loop3A_379 = vector.broadcast %parallel_loop3A_378 : i32 to vector<16xi32>
          %parallel_loop3A_380 = arith.select %parallel_loop3A_377, %parallel_loop3A_374, %parallel_loop3A_379 : vector<16xi1>, vector<16xi32>
          %parallel_loop3A_381 = arith.constant 1792 : i32
          %parallel_loop3A_382 = arith.addi %parallel_loop3A_381, %parallel_loop3A_287 : i32
          %parallel_loop3A_383 = arith.index_cast %parallel_loop3A_382 : i32 to index
          %parallel_loop3A_384 = tpu.vector_load %arg10[%parallel_loop3A_383] {strides = array<i32>} : memref<3584xi32, #tpu.memory_space<vmem>>, vector<16xi32>,
          tpu.vector_store %arg10[%parallel_loop3A_383], %parallel_loop3A_380 {strides = array<i32>} : memref<3584xi32, #tpu.memory_space<vmem>>, vector<16xi32>,
          %parallel_loop3A_385 = arith.constant 4 : i32
          %parallel_loop3A_386 = arith.index_cast %parallel_loop3A_385 : i32 to index
          %parallel_loop3A_387 = arith.index_cast %parallel_loop3A_287 : i32 to index
          %parallel_loop3A_388 = tpu.vector_load %arg12[%parallel_loop3A_386, %parallel_loop3A_387] {strides = array<i32>} : memref<8x448xf32, #tpu.memory_space<vmem>>, vector<16xf32>,
          tpu.vector_store %arg12[%parallel_loop3A_386, %parallel_loop3A_387], %parallel_loop3A_373 {strides = array<i32>} : memref<8x448xf32, #tpu.memory_space<vmem>>, vector<16xf32>,
          %parallel_loop3A_389 = arith.mulf %parallel_loop3A_372, %parallel_loop3A_211 : vector<16xf32>
          %parallel_loop3A_390 = arith.addi %parallel_loop3A_371, %parallel_loop3A_213 : vector<16xi32>
          %parallel_loop3A_391 = arith.constant 0.000000e+00 : f32
          %parallel_loop3A_392 = vector.broadcast %parallel_loop3A_391 : f32 to vector<16xf32>
          %parallel_loop3A_393 = arith.cmpf ogt, %parallel_loop3A_389, %parallel_loop3A_392 : vector<16xf32>
          %parallel_loop3A_394 = arith.constant -1 : i32
          %parallel_loop3A_395 = vector.broadcast %parallel_loop3A_394 : i32 to vector<16xi32>
          %parallel_loop3A_396 = arith.select %parallel_loop3A_393, %parallel_loop3A_390, %parallel_loop3A_395 : vector<16xi1>, vector<16xi32>
          %parallel_loop3A_397 = arith.constant 2240 : i32
          %parallel_loop3A_398 = arith.addi %parallel_loop3A_397, %parallel_loop3A_287 : i32
          %parallel_loop3A_399 = arith.index_cast %parallel_loop3A_398 : i32 to index
          %parallel_loop3A_400 = tpu.vector_load %arg10[%parallel_loop3A_399] {strides = array<i32>} : memref<3584xi32, #tpu.memory_space<vmem>>, vector<16xi32>,
          tpu.vector_store %arg10[%parallel_loop3A_399], %parallel_loop3A_396 {strides = array<i32>} : memref<3584xi32, #tpu.memory_space<vmem>>, vector<16xi32>,
          %parallel_loop3A_401 = arith.constant 5 : i32
          %parallel_loop3A_402 = arith.index_cast %parallel_loop3A_401 : i32 to index
          %parallel_loop3A_403 = arith.index_cast %parallel_loop3A_287 : i32 to index
          %parallel_loop3A_404 = tpu.vector_load %arg12[%parallel_loop3A_402, %parallel_loop3A_403] {strides = array<i32>} : memref<8x448xf32, #tpu.memory_space<vmem>>, vector<16xf32>,
          tpu.vector_store %arg12[%parallel_loop3A_402, %parallel_loop3A_403], %parallel_loop3A_389 {strides = array<i32>} : memref<8x448xf32, #tpu.memory_space<vmem>>, vector<16xf32>,
          %parallel_loop3A_405 = arith.constant 64 : i32
          %parallel_loop3A_406 = vector.broadcast %parallel_loop3A_405 : i32 to vector<16xi32>
          %parallel_loop3A_407 = arith.muli %parallel_loop3A_249, %parallel_loop3A_406 : vector<16xi32>
          %parallel_loop3A_408 = arith.addi %parallel_loop3A_367, %parallel_loop3A_407 : vector<16xi32>
          %parallel_loop3A_409 = arith.mulf %parallel_loop3A_283, %parallel_loop3A_247 : vector<16xf32>
          %parallel_loop3A_410 = arith.mulf %parallel_loop3A_409, %parallel_loop3A_208 : vector<16xf32>
          %parallel_loop3A_411 = arith.addi %parallel_loop3A_408, %parallel_loop3A_212 : vector<16xi32>
          %parallel_loop3A_412 = arith.constant 0.000000e+00 : f32
          %parallel_loop3A_413 = vector.broadcast %parallel_loop3A_412 : f32 to vector<16xf32>
          %parallel_loop3A_414 = arith.cmpf ogt, %parallel_loop3A_410, %parallel_loop3A_413 : vector<16xf32>
          %parallel_loop3A_415 = arith.constant -1 : i32
          %parallel_loop3A_416 = vector.broadcast %parallel_loop3A_415 : i32 to vector<16xi32>
          %parallel_loop3A_417 = arith.select %parallel_loop3A_414, %parallel_loop3A_411, %parallel_loop3A_416 : vector<16xi1>, vector<16xi32>
          %parallel_loop3A_418 = arith.constant 2688 : i32
          %parallel_loop3A_419 = arith.addi %parallel_loop3A_418, %parallel_loop3A_287 : i32
          %parallel_loop3A_420 = arith.index_cast %parallel_loop3A_419 : i32 to index
          %parallel_loop3A_421 = tpu.vector_load %arg10[%parallel_loop3A_420] {strides = array<i32>} : memref<3584xi32, #tpu.memory_space<vmem>>, vector<16xi32>,
          tpu.vector_store %arg10[%parallel_loop3A_420], %parallel_loop3A_417 {strides = array<i32>} : memref<3584xi32, #tpu.memory_space<vmem>>, vector<16xi32>,
          %parallel_loop3A_422 = arith.constant 6 : i32
          %parallel_loop3A_423 = arith.index_cast %parallel_loop3A_422 : i32 to index
          %parallel_loop3A_424 = arith.index_cast %parallel_loop3A_287 : i32 to index
          %parallel_loop3A_425 = tpu.vector_load %arg12[%parallel_loop3A_423, %parallel_loop3A_424] {strides = array<i32>} : memref<8x448xf32, #tpu.memory_space<vmem>>, vector<16xf32>,
          tpu.vector_store %arg12[%parallel_loop3A_423, %parallel_loop3A_424], %parallel_loop3A_410 {strides = array<i32>} : memref<8x448xf32, #tpu.memory_space<vmem>>, vector<16xf32>,
          %parallel_loop3A_426 = arith.mulf %parallel_loop3A_409, %parallel_loop3A_211 : vector<16xf32>
          %parallel_loop3A_427 = arith.addi %parallel_loop3A_408, %parallel_loop3A_213 : vector<16xi32>
          %parallel_loop3A_428 = arith.constant 0.000000e+00 : f32
          %parallel_loop3A_429 = vector.broadcast %parallel_loop3A_428 : f32 to vector<16xf32>
          %parallel_loop3A_430 = arith.cmpf ogt, %parallel_loop3A_426, %parallel_loop3A_429 : vector<16xf32>
          %parallel_loop3A_431 = arith.constant -1 : i32
          %parallel_loop3A_432 = vector.broadcast %parallel_loop3A_431 : i32 to vector<16xi32>
          %parallel_loop3A_433 = arith.select %parallel_loop3A_430, %parallel_loop3A_427, %parallel_loop3A_432 : vector<16xi1>, vector<16xi32>
          %parallel_loop3A_434 = arith.constant 3136 : i32
          %parallel_loop3A_435 = arith.addi %parallel_loop3A_434, %parallel_loop3A_287 : i32
          %parallel_loop3A_436 = arith.index_cast %parallel_loop3A_435 : i32 to index
          %parallel_loop3A_437 = tpu.vector_load %arg10[%parallel_loop3A_436] {strides = array<i32>} : memref<3584xi32, #tpu.memory_space<vmem>>, vector<16xi32>,
          tpu.vector_store %arg10[%parallel_loop3A_436], %parallel_loop3A_433 {strides = array<i32>} : memref<3584xi32, #tpu.memory_space<vmem>>, vector<16xi32>,
          %parallel_loop3A_438 = arith.constant 7 : i32
          %parallel_loop3A_439 = arith.index_cast %parallel_loop3A_438 : i32 to index
          %parallel_loop3A_440 = arith.index_cast %parallel_loop3A_287 : i32 to index
          %parallel_loop3A_441 = tpu.vector_load %arg12[%parallel_loop3A_439, %parallel_loop3A_440] {strides = array<i32>} : memref<8x448xf32, #tpu.memory_space<vmem>>, vector<16xf32>,
          tpu.vector_store %arg12[%parallel_loop3A_439, %parallel_loop3A_440], %parallel_loop3A_426 {strides = array<i32>} : memref<8x448xf32, #tpu.memory_space<vmem>>, vector<16xf32>,
        } {sc.loop_unroll_factor = 2 : i64, sc.parallel_access}
        %mul3A_109 = arith.constant 262144 : i32
        %mul3A_110 = arith.muli %rem3A_65, %mul3A_109 : i32
        %dma_start3A_111 = tpu.memref_slice %arg2[%mul3A_110] : memref<16777216xi32, #tpu.memory_space<hbm>> -> memref<262144xi32, #tpu.memory_space<hbm>>
        %dma_start3A_112 = arith.constant 0 : i32
        %dma_start3A_113 = tpu.memref_slice %dma_start3A_111[%dma_start3A_112] : memref<262144xi32, #tpu.memory_space<hbm>> -> memref<262144xi32, #tpu.memory_space<hbm>>
        %dma_start3A_114 = arith.constant -1 : i32
        tpu.enqueue_indirect_dma source(%dma_start3A_113 : memref<262144xi32, #tpu.memory_space<hbm>>) target(%arg14 : memref<3584xi32, #tpu.memory_space<vmem>>) offsets(%arg10 : memref<3584xi32, #tpu.memory_space<vmem>>) offset_filter(%dma_start3A_114) semaphore(%arg17 : memref<!tpu.dma_semaphore, #tpu.memory_space<semaphore_mem>>)
        %max3A_115 = arith.constant 0 : i32
        %max3A_116 = arith.maxsi %sub3A_62, %max3A_115 : i32
        %mul3A_117 = arith.constant 262144 : i32
        %mul3A_118 = arith.muli %max3A_116, %mul3A_117 : i32
        %dma_wait3A_119 = tpu.memref_slice %arg2[%mul3A_118] : memref<16777216xi32, #tpu.memory_space<hbm>> -> memref<262144xi32, #tpu.memory_space<hbm>>
        %dma_wait3A_120 = arith.constant 0 : i32
        %dma_wait3A_121 = tpu.memref_slice %dma_wait3A_119[%dma_wait3A_120] : memref<262144xi32, #tpu.memory_space<hbm>> -> memref<262144xi32, #tpu.memory_space<hbm>>
        tpu.wait_indirect_dma semaphore(%arg18 : memref<!tpu.dma_semaphore, #tpu.memory_space<semaphore_mem>>) src(%dma_wait3A_121 : memref<262144xi32, #tpu.memory_space<hbm>>) dst(%arg15 : memref<3584xi32, #tpu.memory_space<vmem>>)
        %lt3A_122 = arith.constant 0 : i32
        %lt3A_123 = arith.cmpi slt, %sub3A_62, %lt3A_122 : i32
        %max3A_124 = arith.constant 0 : i32
        %max3A_125 = arith.maxsi %sub3A_62, %max3A_124 : i32
        %parallel_loop3A_126 = arith.constant 0 : i32
        %parallel_loop3A_127 = arith.constant 28 : i32
        %parallel_loop3A_128 = arith.constant 1 : i32
        scf.for %parallel_loop3A_163 = %parallel_loop3A_126 to %parallel_loop3A_127 step %parallel_loop3A_128  : i32 {
          %parallel_loop3A_164 = arith.constant 16 : i32
          %parallel_loop3A_165 = arith.muli %parallel_loop3A_163, %parallel_loop3A_164 : i32
          %parallel_loop3A_166 = vector.broadcast %parallel_loop3A_165 : i32 to vector<16xi32>
          %parallel_loop3A_167 = arith.addi %iota3A, %parallel_loop3A_166 : vector<16xi32>
          %parallel_loop3A_168 = arith.constant 0.000000e+00 : f32
          %parallel_loop3A_169 = vector.broadcast %parallel_loop3A_168 : f32 to vector<16xf32>
          %parallel_loop3A_170 = arith.constant 0.000000e+00 : f32
          %parallel_loop3A_171 = vector.broadcast %parallel_loop3A_170 : f32 to vector<16xf32>
          %parallel_loop3A_172 = arith.constant 0 : i32
          %parallel_loop3A_173 = arith.index_cast %parallel_loop3A_172 : i32 to index
          %parallel_loop3A_174 = arith.index_cast %parallel_loop3A_165 : i32 to index
          %parallel_loop3A_175 = tpu.vector_load %arg13[%parallel_loop3A_173, %parallel_loop3A_174] {strides = array<i32>} : memref<8x448xf32, #tpu.memory_space<vmem>>, vector<16xf32>,
          %parallel_loop3A_176 = arith.constant 0 : i32
          %parallel_loop3A_177 = arith.addi %parallel_loop3A_176, %parallel_loop3A_165 : i32
          %parallel_loop3A_178 = arith.index_cast %parallel_loop3A_177 : i32 to index
          %parallel_loop3A_179 = tpu.vector_load %arg15[%parallel_loop3A_178] {strides = array<i32>} : memref<3584xi32, #tpu.memory_space<vmem>>, vector<16xi32>,
          %parallel_loop3A_180 = vector.bitcast %parallel_loop3A_179 : vector<16xi32> to vector<32xbf16>
          %parallel_loop3A_181 = tpu.unpack_subelements %parallel_loop3A_180, 0 {pack_format = #tpu.pack_format<interleaved>} : vector<32xbf16> -> vector<16xf32>
          %parallel_loop3A_182 = tpu.unpack_subelements %parallel_loop3A_180, 1 {pack_format = #tpu.pack_format<interleaved>} : vector<32xbf16> -> vector<16xf32>
          %parallel_loop3A_183 = arith.mulf %parallel_loop3A_175, %parallel_loop3A_181 : vector<16xf32>
          %parallel_loop3A_184 = arith.addf %parallel_loop3A_169, %parallel_loop3A_183 : vector<16xf32>
          %parallel_loop3A_185 = arith.mulf %parallel_loop3A_175, %parallel_loop3A_182 : vector<16xf32>
          %parallel_loop3A_186 = arith.addf %parallel_loop3A_171, %parallel_loop3A_185 : vector<16xf32>
          %parallel_loop3A_187 = arith.constant 1 : i32
          %parallel_loop3A_188 = arith.index_cast %parallel_loop3A_187 : i32 to index
          %parallel_loop3A_189 = arith.index_cast %parallel_loop3A_165 : i32 to index
          %parallel_loop3A_190 = tpu.vector_load %arg13[%parallel_loop3A_188, %parallel_loop3A_189] {strides = array<i32>} : memref<8x448xf32, #tpu.memory_space<vmem>>, vector<16xf32>,
          %parallel_loop3A_191 = arith.constant 448 : i32
          %parallel_loop3A_192 = arith.addi %parallel_loop3A_191, %parallel_loop3A_165 : i32
          %parallel_loop3A_193 = arith.index_cast %parallel_loop3A_192 : i32 to index
          %parallel_loop3A_194 = tpu.vector_load %arg15[%parallel_loop3A_193] {strides = array<i32>} : memref<3584xi32, #tpu.memory_space<vmem>>, vector<16xi32>,
          %parallel_loop3A_195 = vector.bitcast %parallel_loop3A_194 : vector<16xi32> to vector<32xbf16>
          %parallel_loop3A_196 = tpu.unpack_subelements %parallel_loop3A_195, 0 {pack_format = #tpu.pack_format<interleaved>} : vector<32xbf16> -> vector<16xf32>
          %parallel_loop3A_197 = tpu.unpack_subelements %parallel_loop3A_195, 1 {pack_format = #tpu.pack_format<interleaved>} : vector<32xbf16> -> vector<16xf32>
          %parallel_loop3A_198 = arith.mulf %parallel_loop3A_190, %parallel_loop3A_196 : vector<16xf32>
          %parallel_loop3A_199 = arith.addf %parallel_loop3A_184, %parallel_loop3A_198 : vector<16xf32>
          %parallel_loop3A_200 = arith.mulf %parallel_loop3A_190, %parallel_loop3A_197 : vector<16xf32>
          %parallel_loop3A_201 = arith.addf %parallel_loop3A_186, %parallel_loop3A_200 : vector<16xf32>
          %parallel_loop3A_202 = arith.constant 2 : i32
          %parallel_loop3A_203 = arith.index_cast %parallel_loop3A_202 : i32 to index
          %parallel_loop3A_204 = arith.index_cast %parallel_loop3A_165 : i32 to index
          %parallel_loop3A_205 = tpu.vector_load %arg13[%parallel_loop3A_203, %parallel_loop3A_204] {strides = array<i32>} : memref<8x448xf32, #tpu.memory_space<vmem>>, vector<16xf32>,
          %parallel_loop3A_206 = arith.constant 896 : i32
          %parallel_loop3A_207 = arith.addi %parallel_loop3A_206, %parallel_loop3A_165 : i32
          %parallel_loop3A_208 = arith.index_cast %parallel_loop3A_207 : i32 to index
          %parallel_loop3A_209 = tpu.vector_load %arg15[%parallel_loop3A_208] {strides = array<i32>} : memref<3584xi32, #tpu.memory_space<vmem>>, vector<16xi32>,
          %parallel_loop3A_210 = vector.bitcast %parallel_loop3A_209 : vector<16xi32> to vector<32xbf16>
          %parallel_loop3A_211 = tpu.unpack_subelements %parallel_loop3A_210, 0 {pack_format = #tpu.pack_format<interleaved>} : vector<32xbf16> -> vector<16xf32>
          %parallel_loop3A_212 = tpu.unpack_subelements %parallel_loop3A_210, 1 {pack_format = #tpu.pack_format<interleaved>} : vector<32xbf16> -> vector<16xf32>
          %parallel_loop3A_213 = arith.mulf %parallel_loop3A_205, %parallel_loop3A_211 : vector<16xf32>
          %parallel_loop3A_214 = arith.addf %parallel_loop3A_199, %parallel_loop3A_213 : vector<16xf32>
          %parallel_loop3A_215 = arith.mulf %parallel_loop3A_205, %parallel_loop3A_212 : vector<16xf32>
          %parallel_loop3A_216 = arith.addf %parallel_loop3A_201, %parallel_loop3A_215 : vector<16xf32>
          %parallel_loop3A_217 = arith.constant 3 : i32
          %parallel_loop3A_218 = arith.index_cast %parallel_loop3A_217 : i32 to index
          %parallel_loop3A_219 = arith.index_cast %parallel_loop3A_165 : i32 to index
          %parallel_loop3A_220 = tpu.vector_load %arg13[%parallel_loop3A_218, %parallel_loop3A_219] {strides = array<i32>} : memref<8x448xf32, #tpu.memory_space<vmem>>, vector<16xf32>,
          %parallel_loop3A_221 = arith.constant 1344 : i32
          %parallel_loop3A_222 = arith.addi %parallel_loop3A_221, %parallel_loop3A_165 : i32
          %parallel_loop3A_223 = arith.index_cast %parallel_loop3A_222 : i32 to index
          %parallel_loop3A_224 = tpu.vector_load %arg15[%parallel_loop3A_223] {strides = array<i32>} : memref<3584xi32, #tpu.memory_space<vmem>>, vector<16xi32>,
          %parallel_loop3A_225 = vector.bitcast %parallel_loop3A_224 : vector<16xi32> to vector<32xbf16>
          %parallel_loop3A_226 = tpu.unpack_subelements %parallel_loop3A_225, 0 {pack_format = #tpu.pack_format<interleaved>} : vector<32xbf16> -> vector<16xf32>
          %parallel_loop3A_227 = tpu.unpack_subelements %parallel_loop3A_225, 1 {pack_format = #tpu.pack_format<interleaved>} : vector<32xbf16> -> vector<16xf32>
          %parallel_loop3A_228 = arith.mulf %parallel_loop3A_220, %parallel_loop3A_226 : vector<16xf32>
          %parallel_loop3A_229 = arith.addf %parallel_loop3A_214, %parallel_loop3A_228 : vector<16xf32>
          %parallel_loop3A_230 = arith.mulf %parallel_loop3A_220, %parallel_loop3A_227 : vector<16xf32>
          %parallel_loop3A_231 = arith.addf %parallel_loop3A_216, %parallel_loop3A_230 : vector<16xf32>
          %parallel_loop3A_232 = arith.constant 4 : i32
          %parallel_loop3A_233 = arith.index_cast %parallel_loop3A_232 : i32 to index
          %parallel_loop3A_234 = arith.index_cast %parallel_loop3A_165 : i32 to index
          %parallel_loop3A_235 = tpu.vector_load %arg13[%parallel_loop3A_233, %parallel_loop3A_234] {strides = array<i32>} : memref<8x448xf32, #tpu.memory_space<vmem>>, vector<16xf32>,
          %parallel_loop3A_236 = arith.constant 1792 : i32
          %parallel_loop3A_237 = arith.addi %parallel_loop3A_236, %parallel_loop3A_165 : i32
          %parallel_loop3A_238 = arith.index_cast %parallel_loop3A_237 : i32 to index
          %parallel_loop3A_239 = tpu.vector_load %arg15[%parallel_loop3A_238] {strides = array<i32>} : memref<3584xi32, #tpu.memory_space<vmem>>, vector<16xi32>,
          %parallel_loop3A_240 = vector.bitcast %parallel_loop3A_239 : vector<16xi32> to vector<32xbf16>
          %parallel_loop3A_241 = tpu.unpack_subelements %parallel_loop3A_240, 0 {pack_format = #tpu.pack_format<interleaved>} : vector<32xbf16> -> vector<16xf32>
          %parallel_loop3A_242 = tpu.unpack_subelements %parallel_loop3A_240, 1 {pack_format = #tpu.pack_format<interleaved>} : vector<32xbf16> -> vector<16xf32>
          %parallel_loop3A_243 = arith.mulf %parallel_loop3A_235, %parallel_loop3A_241 : vector<16xf32>
          %parallel_loop3A_244 = arith.addf %parallel_loop3A_229, %parallel_loop3A_243 : vector<16xf32>
          %parallel_loop3A_245 = arith.mulf %parallel_loop3A_235, %parallel_loop3A_242 : vector<16xf32>
          %parallel_loop3A_246 = arith.addf %parallel_loop3A_231, %parallel_loop3A_245 : vector<16xf32>
          %parallel_loop3A_247 = arith.constant 5 : i32
          %parallel_loop3A_248 = arith.index_cast %parallel_loop3A_247 : i32 to index
          %parallel_loop3A_249 = arith.index_cast %parallel_loop3A_165 : i32 to index
          %parallel_loop3A_250 = tpu.vector_load %arg13[%parallel_loop3A_248, %parallel_loop3A_249] {strides = array<i32>} : memref<8x448xf32, #tpu.memory_space<vmem>>, vector<16xf32>,
          %parallel_loop3A_251 = arith.constant 2240 : i32
          %parallel_loop3A_252 = arith.addi %parallel_loop3A_251, %parallel_loop3A_165 : i32
          %parallel_loop3A_253 = arith.index_cast %parallel_loop3A_252 : i32 to index
          %parallel_loop3A_254 = tpu.vector_load %arg15[%parallel_loop3A_253] {strides = array<i32>} : memref<3584xi32, #tpu.memory_space<vmem>>, vector<16xi32>,
          %parallel_loop3A_255 = vector.bitcast %parallel_loop3A_254 : vector<16xi32> to vector<32xbf16>
          %parallel_loop3A_256 = tpu.unpack_subelements %parallel_loop3A_255, 0 {pack_format = #tpu.pack_format<interleaved>} : vector<32xbf16> -> vector<16xf32>
          %parallel_loop3A_257 = tpu.unpack_subelements %parallel_loop3A_255, 1 {pack_format = #tpu.pack_format<interleaved>} : vector<32xbf16> -> vector<16xf32>
          %parallel_loop3A_258 = arith.mulf %parallel_loop3A_250, %parallel_loop3A_256 : vector<16xf32>
          %parallel_loop3A_259 = arith.addf %parallel_loop3A_244, %parallel_loop3A_258 : vector<16xf32>
          %parallel_loop3A_260 = arith.mulf %parallel_loop3A_250, %parallel_loop3A_257 : vector<16xf32>
          %parallel_loop3A_261 = arith.addf %parallel_loop3A_246, %parallel_loop3A_260 : vector<16xf32>
          %parallel_loop3A_262 = arith.constant 6 : i32
          %parallel_loop3A_263 = arith.index_cast %parallel_loop3A_262 : i32 to index
          %parallel_loop3A_264 = arith.index_cast %parallel_loop3A_165 : i32 to index
          %parallel_loop3A_265 = tpu.vector_load %arg13[%parallel_loop3A_263, %parallel_loop3A_264] {strides = array<i32>} : memref<8x448xf32, #tpu.memory_space<vmem>>, vector<16xf32>,
          %parallel_loop3A_266 = arith.constant 2688 : i32
          %parallel_loop3A_267 = arith.addi %parallel_loop3A_266, %parallel_loop3A_165 : i32
          %parallel_loop3A_268 = arith.index_cast %parallel_loop3A_267 : i32 to index
          %parallel_loop3A_269 = tpu.vector_load %arg15[%parallel_loop3A_268] {strides = array<i32>} : memref<3584xi32, #tpu.memory_space<vmem>>, vector<16xi32>,
          %parallel_loop3A_270 = vector.bitcast %parallel_loop3A_269 : vector<16xi32> to vector<32xbf16>
          %parallel_loop3A_271 = tpu.unpack_subelements %parallel_loop3A_270, 0 {pack_format = #tpu.pack_format<interleaved>} : vector<32xbf16> -> vector<16xf32>
          %parallel_loop3A_272 = tpu.unpack_subelements %parallel_loop3A_270, 1 {pack_format = #tpu.pack_format<interleaved>} : vector<32xbf16> -> vector<16xf32>
          %parallel_loop3A_273 = arith.mulf %parallel_loop3A_265, %parallel_loop3A_271 : vector<16xf32>
          %parallel_loop3A_274 = arith.addf %parallel_loop3A_259, %parallel_loop3A_273 : vector<16xf32>
          %parallel_loop3A_275 = arith.mulf %parallel_loop3A_265, %parallel_loop3A_272 : vector<16xf32>
          %parallel_loop3A_276 = arith.addf %parallel_loop3A_261, %parallel_loop3A_275 : vector<16xf32>
          %parallel_loop3A_277 = arith.constant 7 : i32
          %parallel_loop3A_278 = arith.index_cast %parallel_loop3A_277 : i32 to index
          %parallel_loop3A_279 = arith.index_cast %parallel_loop3A_165 : i32 to index
          %parallel_loop3A_280 = tpu.vector_load %arg13[%parallel_loop3A_278, %parallel_loop3A_279] {strides = array<i32>} : memref<8x448xf32, #tpu.memory_space<vmem>>, vector<16xf32>,
          %parallel_loop3A_281 = arith.constant 3136 : i32
          %parallel_loop3A_282 = arith.addi %parallel_loop3A_281, %parallel_loop3A_165 : i32
          %parallel_loop3A_283 = arith.index_cast %parallel_loop3A_282 : i32 to index
          %parallel_loop3A_284 = tpu.vector_load %arg15[%parallel_loop3A_283] {strides = array<i32>} : memref<3584xi32, #tpu.memory_space<vmem>>, vector<16xi32>,
          %parallel_loop3A_285 = vector.bitcast %parallel_loop3A_284 : vector<16xi32> to vector<32xbf16>
          %parallel_loop3A_286 = tpu.unpack_subelements %parallel_loop3A_285, 0 {pack_format = #tpu.pack_format<interleaved>} : vector<32xbf16> -> vector<16xf32>
          %parallel_loop3A_287 = tpu.unpack_subelements %parallel_loop3A_285, 1 {pack_format = #tpu.pack_format<interleaved>} : vector<32xbf16> -> vector<16xf32>
          %parallel_loop3A_288 = arith.mulf %parallel_loop3A_280, %parallel_loop3A_286 : vector<16xf32>
          %parallel_loop3A_289 = arith.addf %parallel_loop3A_274, %parallel_loop3A_288 : vector<16xf32>
          %parallel_loop3A_290 = arith.mulf %parallel_loop3A_280, %parallel_loop3A_287 : vector<16xf32>
          %parallel_loop3A_291 = arith.addf %parallel_loop3A_276, %parallel_loop3A_290 : vector<16xf32>
          %parallel_loop3A_292 = arith.constant 448 : i32
          %parallel_loop3A_293 = vector.broadcast %parallel_loop3A_292 : i32 to vector<16xi32>
          %parallel_loop3A_294 = arith.select %lt3A_123, %parallel_loop3A_293, %parallel_loop3A_167 : vector<16xi32>
          %parallel_loop3A_295 = arith.constant 2 : i32
          %parallel_loop3A_296 = vector.broadcast %parallel_loop3A_295 : i32 to vector<16xi32>
          %parallel_loop3A_297 = vector.broadcast %max3A_125 : i32 to vector<16xi32>
          %parallel_loop3A_298 = arith.muli %parallel_loop3A_296, %parallel_loop3A_297 : vector<16xi32>
          tpu.vector_store_idx %arg16[%parallel_loop3A_294, %parallel_loop3A_298], %parallel_loop3A_289 : memref<456x128xf32, #tpu.memory_space<vmem>>[vector<16xi32>, vector<16xi32>], vector<16xf32>,
          %parallel_loop3A_299 = arith.constant 1 : i32
          %parallel_loop3A_300 = vector.broadcast %parallel_loop3A_299 : i32 to vector<16xi32>
          %parallel_loop3A_301 = arith.addi %parallel_loop3A_298, %parallel_loop3A_300 : vector<16xi32>
          tpu.vector_store_idx %arg16[%parallel_loop3A_294, %parallel_loop3A_301], %parallel_loop3A_291 : memref<456x128xf32, #tpu.memory_space<vmem>>[vector<16xi32>, vector<16xi32>], vector<16xf32>,
        } {sc.loop_unroll_factor = 2 : i64, sc.parallel_access}
        %broadcast_in_dim3A_129 = arith.constant 6 : i32
        %broadcast_in_dim3A_130 = vector.broadcast %broadcast_in_dim3A_129 : i32 to vector<16xi32>
        %mul3A_131 = vector.broadcast %rem3A_71 : i32 to vector<16xi32>
        %mul3A_132 = arith.muli %broadcast_in_dim3A_130, %mul3A_131 : vector<16xi32>
        %gather3A_133 = tpu.vector_load_idx %arg9[%mul3A_132] : memref<384xf32, #tpu.memory_space<vmem>>[vector<16xi32>], vector<16xf32>,
        %add3A_134 = arith.constant 1 : i32
        %add3A_135 = vector.broadcast %add3A_134 : i32 to vector<16xi32>
        %add3A_136 = arith.addi %mul3A_132, %add3A_135 : vector<16xi32>
        %gather3A_137 = tpu.vector_load_idx %arg9[%add3A_136] : memref<384xf32, #tpu.memory_space<vmem>>[vector<16xi32>], vector<16xf32>,
        %add3A_138 = arith.constant 2 : i32
        %add3A_139 = vector.broadcast %add3A_138 : i32 to vector<16xi32>
        %add3A_140 = arith.addi %mul3A_132, %add3A_139 : vector<16xi32>
        %gather3A_141 = tpu.vector_load_idx %arg9[%add3A_140] : memref<384xf32, #tpu.memory_space<vmem>>[vector<16xi32>], vector<16xf32>,
        %add3A_142 = arith.constant 3 : i32
        %add3A_143 = vector.broadcast %add3A_142 : i32 to vector<16xi32>
        %add3A_144 = arith.addi %mul3A_132, %add3A_143 : vector<16xi32>
        %gather3A_145 = tpu.vector_load_idx %arg9[%add3A_144] : memref<384xf32, #tpu.memory_space<vmem>>[vector<16xi32>], vector<16xf32>,
        %add3A_146 = arith.constant 4 : i32
        %add3A_147 = vector.broadcast %add3A_146 : i32 to vector<16xi32>
        %add3A_148 = arith.addi %mul3A_132, %add3A_147 : vector<16xi32>
        %gather3A_149 = tpu.vector_load_idx %arg9[%add3A_148] : memref<384xf32, #tpu.memory_space<vmem>>[vector<16xi32>], vector<16xf32>,
        %add3A_150 = arith.constant 5 : i32
        %add3A_151 = vector.broadcast %add3A_150 : i32 to vector<16xi32>
        %add3A_152 = arith.addi %mul3A_132, %add3A_151 : vector<16xi32>
        %gather3A_153 = tpu.vector_load_idx %arg9[%add3A_152] : memref<384xf32, #tpu.memory_space<vmem>>[vector<16xi32>], vector<16xf32>,
        %parallel_loop3A_154 = arith.constant 0 : i32
        %parallel_loop3A_155 = arith.constant 28 : i32
        %parallel_loop3A_156 = arith.constant 1 : i32
        scf.for %parallel_loop3A_163 = %parallel_loop3A_154 to %parallel_loop3A_155 step %parallel_loop3A_156  : i32 {
          %parallel_loop3A_164 = arith.constant 16 : i32
          %parallel_loop3A_165 = arith.muli %parallel_loop3A_163, %parallel_loop3A_164 : i32
          %parallel_loop3A_166 = arith.index_cast %parallel_loop3A_165 : i32 to index
          %parallel_loop3A_167 = tpu.vector_load %arg6[%parallel_loop3A_166] {strides = array<i32>} : memref<448xf32, #tpu.memory_space<vmem>>, vector<16xf32>,
          %parallel_loop3A_168 = arith.index_cast %parallel_loop3A_165 : i32 to index
          %parallel_loop3A_169 = tpu.vector_load %arg7[%parallel_loop3A_168] {strides = array<i32>} : memref<448xf32, #tpu.memory_space<vmem>>, vector<16xf32>,
          %parallel_loop3A_170 = arith.index_cast %parallel_loop3A_165 : i32 to index
          %parallel_loop3A_171 = tpu.vector_load %arg8[%parallel_loop3A_170] {strides = array<i32>} : memref<448xf32, #tpu.memory_space<vmem>>, vector<16xf32>,
          %parallel_loop3A_172 = arith.mulf %parallel_loop3A_167, %gather3A_133 : vector<16xf32>
          %parallel_loop3A_173 = arith.addf %parallel_loop3A_172, %gather3A_137 : vector<16xf32>
          %parallel_loop3A_174 = arith.mulf %parallel_loop3A_169, %gather3A_141 : vector<16xf32>
          %parallel_loop3A_175 = arith.addf %parallel_loop3A_174, %gather3A_145 : vector<16xf32>
          %parallel_loop3A_176 = arith.mulf %parallel_loop3A_171, %gather3A_149 : vector<16xf32>
          %parallel_loop3A_177 = arith.addf %parallel_loop3A_176, %gather3A_153 : vector<16xf32>
          %parallel_loop3A_178 = arith.fptosi %parallel_loop3A_173 : vector<16xf32> to vector<16xi32>
          %parallel_loop3A_179 = arith.sitofp %parallel_loop3A_178 : vector<16xi32> to vector<16xf32>
          %parallel_loop3A_180 = arith.cmpf ogt, %parallel_loop3A_179, %parallel_loop3A_173 : vector<16xf32>
          %parallel_loop3A_181 = arith.constant 1.000000e+00 : f32
          %parallel_loop3A_182 = vector.broadcast %parallel_loop3A_181 : f32 to vector<16xf32>
          %parallel_loop3A_183 = arith.subf %parallel_loop3A_179, %parallel_loop3A_182 : vector<16xf32>
          %parallel_loop3A_184 = arith.select %parallel_loop3A_180, %parallel_loop3A_183, %parallel_loop3A_179 : vector<16xi1>, vector<16xf32>
          %parallel_loop3A_185 = arith.subf %parallel_loop3A_173, %parallel_loop3A_184 : vector<16xf32>
          %parallel_loop3A_186 = arith.constant 0.000000e+00 : f32
          %parallel_loop3A_187 = arith.constant 6.300000e+01 : f32
          %parallel_loop3A_188 = vector.broadcast %parallel_loop3A_186 : f32 to vector<16xf32>
          %parallel_loop3A_189 = arith.maximumf %parallel_loop3A_188, %parallel_loop3A_184 : vector<16xf32>
          %parallel_loop3A_190 = vector.broadcast %parallel_loop3A_187 : f32 to vector<16xf32>
          %parallel_loop3A_191 = arith.minimumf %parallel_loop3A_190, %parallel_loop3A_189 : vector<16xf32>
          %parallel_loop3A_192 = arith.cmpf oeq, %parallel_loop3A_184, %parallel_loop3A_191 : vector<16xf32>
          %parallel_loop3A_193 = arith.constant 1.000000e+00 : f32
          %parallel_loop3A_194 = vector.broadcast %parallel_loop3A_193 : f32 to vector<16xf32>
          %parallel_loop3A_195 = arith.addf %parallel_loop3A_184, %parallel_loop3A_194 : vector<16xf32>
          %parallel_loop3A_196 = arith.constant 0.000000e+00 : f32
          %parallel_loop3A_197 = arith.constant 6.300000e+01 : f32
          %parallel_loop3A_198 = vector.broadcast %parallel_loop3A_196 : f32 to vector<16xf32>
          %parallel_loop3A_199 = arith.maximumf %parallel_loop3A_198, %parallel_loop3A_195 : vector<16xf32>
          %parallel_loop3A_200 = vector.broadcast %parallel_loop3A_197 : f32 to vector<16xf32>
          %parallel_loop3A_201 = arith.minimumf %parallel_loop3A_200, %parallel_loop3A_199 : vector<16xf32>
          %parallel_loop3A_202 = arith.cmpf oeq, %parallel_loop3A_195, %parallel_loop3A_201 : vector<16xf32>
          %parallel_loop3A_203 = arith.constant 1.000000e+00 : f32
          %parallel_loop3A_204 = vector.broadcast %parallel_loop3A_203 : f32 to vector<16xf32>
          %parallel_loop3A_205 = arith.subf %parallel_loop3A_204, %parallel_loop3A_185 : vector<16xf32>
          %parallel_loop3A_206 = arith.constant 0.000000e+00 : f32
          %parallel_loop3A_207 = vector.broadcast %parallel_loop3A_206 : f32 to vector<16xf32>
          %parallel_loop3A_208 = arith.select %parallel_loop3A_192, %parallel_loop3A_205, %parallel_loop3A_207 : vector<16xi1>, vector<16xf32>
          %parallel_loop3A_209 = arith.constant 0.000000e+00 : f32
          %parallel_loop3A_210 = vector.broadcast %parallel_loop3A_209 : f32 to vector<16xf32>
          %parallel_loop3A_211 = arith.select %parallel_loop3A_202, %parallel_loop3A_185, %parallel_loop3A_210 : vector<16xi1>, vector<16xf32>
          %parallel_loop3A_212 = arith.fptosi %parallel_loop3A_191 : vector<16xf32> to vector<16xi32>
          %parallel_loop3A_213 = arith.fptosi %parallel_loop3A_201 : vector<16xf32> to vector<16xi32>
          %parallel_loop3A_214 = arith.fptosi %parallel_loop3A_175 : vector<16xf32> to vector<16xi32>
          %parallel_loop3A_215 = arith.sitofp %parallel_loop3A_214 : vector<16xi32> to vector<16xf32>
          %parallel_loop3A_216 = arith.cmpf ogt, %parallel_loop3A_215, %parallel_loop3A_175 : vector<16xf32>
          %parallel_loop3A_217 = arith.constant 1.000000e+00 : f32
          %parallel_loop3A_218 = vector.broadcast %parallel_loop3A_217 : f32 to vector<16xf32>
          %parallel_loop3A_219 = arith.subf %parallel_loop3A_215, %parallel_loop3A_218 : vector<16xf32>
          %parallel_loop3A_220 = arith.select %parallel_loop3A_216, %parallel_loop3A_219, %parallel_loop3A_215 : vector<16xi1>, vector<16xf32>
          %parallel_loop3A_221 = arith.subf %parallel_loop3A_175, %parallel_loop3A_220 : vector<16xf32>
          %parallel_loop3A_222 = arith.constant 0.000000e+00 : f32
          %parallel_loop3A_223 = arith.constant 6.300000e+01 : f32
          %parallel_loop3A_224 = vector.broadcast %parallel_loop3A_222 : f32 to vector<16xf32>
          %parallel_loop3A_225 = arith.maximumf %parallel_loop3A_224, %parallel_loop3A_220 : vector<16xf32>
          %parallel_loop3A_226 = vector.broadcast %parallel_loop3A_223 : f32 to vector<16xf32>
          %parallel_loop3A_227 = arith.minimumf %parallel_loop3A_226, %parallel_loop3A_225 : vector<16xf32>
          %parallel_loop3A_228 = arith.cmpf oeq, %parallel_loop3A_220, %parallel_loop3A_227 : vector<16xf32>
          %parallel_loop3A_229 = arith.constant 1.000000e+00 : f32
          %parallel_loop3A_230 = vector.broadcast %parallel_loop3A_229 : f32 to vector<16xf32>
          %parallel_loop3A_231 = arith.addf %parallel_loop3A_220, %parallel_loop3A_230 : vector<16xf32>
          %parallel_loop3A_232 = arith.constant 0.000000e+00 : f32
          %parallel_loop3A_233 = arith.constant 6.300000e+01 : f32
          %parallel_loop3A_234 = vector.broadcast %parallel_loop3A_232 : f32 to vector<16xf32>
          %parallel_loop3A_235 = arith.maximumf %parallel_loop3A_234, %parallel_loop3A_231 : vector<16xf32>
          %parallel_loop3A_236 = vector.broadcast %parallel_loop3A_233 : f32 to vector<16xf32>
          %parallel_loop3A_237 = arith.minimumf %parallel_loop3A_236, %parallel_loop3A_235 : vector<16xf32>
          %parallel_loop3A_238 = arith.cmpf oeq, %parallel_loop3A_231, %parallel_loop3A_237 : vector<16xf32>
          %parallel_loop3A_239 = arith.constant 1.000000e+00 : f32
          %parallel_loop3A_240 = vector.broadcast %parallel_loop3A_239 : f32 to vector<16xf32>
          %parallel_loop3A_241 = arith.subf %parallel_loop3A_240, %parallel_loop3A_221 : vector<16xf32>
          %parallel_loop3A_242 = arith.constant 0.000000e+00 : f32
          %parallel_loop3A_243 = vector.broadcast %parallel_loop3A_242 : f32 to vector<16xf32>
          %parallel_loop3A_244 = arith.select %parallel_loop3A_228, %parallel_loop3A_241, %parallel_loop3A_243 : vector<16xi1>, vector<16xf32>
          %parallel_loop3A_245 = arith.constant 0.000000e+00 : f32
          %parallel_loop3A_246 = vector.broadcast %parallel_loop3A_245 : f32 to vector<16xf32>
          %parallel_loop3A_247 = arith.select %parallel_loop3A_238, %parallel_loop3A_221, %parallel_loop3A_246 : vector<16xi1>, vector<16xf32>
          %parallel_loop3A_248 = arith.fptosi %parallel_loop3A_227 : vector<16xf32> to vector<16xi32>
          %parallel_loop3A_249 = arith.fptosi %parallel_loop3A_237 : vector<16xf32> to vector<16xi32>
          %parallel_loop3A_250 = arith.fptosi %parallel_loop3A_177 : vector<16xf32> to vector<16xi32>
          %parallel_loop3A_251 = arith.sitofp %parallel_loop3A_250 : vector<16xi32> to vector<16xf32>
          %parallel_loop3A_252 = arith.cmpf ogt, %parallel_loop3A_251, %parallel_loop3A_177 : vector<16xf32>
          %parallel_loop3A_253 = arith.constant 1.000000e+00 : f32
          %parallel_loop3A_254 = vector.broadcast %parallel_loop3A_253 : f32 to vector<16xf32>
          %parallel_loop3A_255 = arith.subf %parallel_loop3A_251, %parallel_loop3A_254 : vector<16xf32>
          %parallel_loop3A_256 = arith.select %parallel_loop3A_252, %parallel_loop3A_255, %parallel_loop3A_251 : vector<16xi1>, vector<16xf32>
          %parallel_loop3A_257 = arith.subf %parallel_loop3A_177, %parallel_loop3A_256 : vector<16xf32>
          %parallel_loop3A_258 = arith.constant 0.000000e+00 : f32
          %parallel_loop3A_259 = arith.constant 6.300000e+01 : f32
          %parallel_loop3A_260 = vector.broadcast %parallel_loop3A_258 : f32 to vector<16xf32>
          %parallel_loop3A_261 = arith.maximumf %parallel_loop3A_260, %parallel_loop3A_256 : vector<16xf32>
          %parallel_loop3A_262 = vector.broadcast %parallel_loop3A_259 : f32 to vector<16xf32>
          %parallel_loop3A_263 = arith.minimumf %parallel_loop3A_262, %parallel_loop3A_261 : vector<16xf32>
          %parallel_loop3A_264 = arith.cmpf oeq, %parallel_loop3A_256, %parallel_loop3A_263 : vector<16xf32>
          %parallel_loop3A_265 = arith.constant 1.000000e+00 : f32
          %parallel_loop3A_266 = vector.broadcast %parallel_loop3A_265 : f32 to vector<16xf32>
          %parallel_loop3A_267 = arith.addf %parallel_loop3A_256, %parallel_loop3A_266 : vector<16xf32>
          %parallel_loop3A_268 = arith.constant 0.000000e+00 : f32
          %parallel_loop3A_269 = arith.constant 6.300000e+01 : f32
          %parallel_loop3A_270 = vector.broadcast %parallel_loop3A_268 : f32 to vector<16xf32>
          %parallel_loop3A_271 = arith.maximumf %parallel_loop3A_270, %parallel_loop3A_267 : vector<16xf32>
          %parallel_loop3A_272 = vector.broadcast %parallel_loop3A_269 : f32 to vector<16xf32>
          %parallel_loop3A_273 = arith.minimumf %parallel_loop3A_272, %parallel_loop3A_271 : vector<16xf32>
          %parallel_loop3A_274 = arith.cmpf oeq, %parallel_loop3A_267, %parallel_loop3A_273 : vector<16xf32>
          %parallel_loop3A_275 = arith.constant 1.000000e+00 : f32
          %parallel_loop3A_276 = vector.broadcast %parallel_loop3A_275 : f32 to vector<16xf32>
          %parallel_loop3A_277 = arith.subf %parallel_loop3A_276, %parallel_loop3A_257 : vector<16xf32>
          %parallel_loop3A_278 = arith.constant 0.000000e+00 : f32
          %parallel_loop3A_279 = vector.broadcast %parallel_loop3A_278 : f32 to vector<16xf32>
          %parallel_loop3A_280 = arith.select %parallel_loop3A_264, %parallel_loop3A_277, %parallel_loop3A_279 : vector<16xi1>, vector<16xf32>
          %parallel_loop3A_281 = arith.constant 0.000000e+00 : f32
          %parallel_loop3A_282 = vector.broadcast %parallel_loop3A_281 : f32 to vector<16xf32>
          %parallel_loop3A_283 = arith.select %parallel_loop3A_274, %parallel_loop3A_257, %parallel_loop3A_282 : vector<16xi1>, vector<16xf32>
          %parallel_loop3A_284 = arith.fptosi %parallel_loop3A_263 : vector<16xf32> to vector<16xi32>
          %parallel_loop3A_285 = arith.fptosi %parallel_loop3A_273 : vector<16xf32> to vector<16xi32>
          %parallel_loop3A_286 = arith.constant 16 : i32
          %parallel_loop3A_287 = arith.muli %parallel_loop3A_163, %parallel_loop3A_286 : i32
          %parallel_loop3A_288 = arith.constant 4096 : i32
          %parallel_loop3A_289 = vector.broadcast %parallel_loop3A_288 : i32 to vector<16xi32>
          %parallel_loop3A_290 = arith.muli %parallel_loop3A_284, %parallel_loop3A_289 : vector<16xi32>
          %parallel_loop3A_291 = arith.constant 64 : i32
          %parallel_loop3A_292 = vector.broadcast %parallel_loop3A_291 : i32 to vector<16xi32>
          %parallel_loop3A_293 = arith.muli %parallel_loop3A_248, %parallel_loop3A_292 : vector<16xi32>
          %parallel_loop3A_294 = arith.addi %parallel_loop3A_290, %parallel_loop3A_293 : vector<16xi32>
          %parallel_loop3A_295 = arith.mulf %parallel_loop3A_280, %parallel_loop3A_244 : vector<16xf32>
          %parallel_loop3A_296 = arith.mulf %parallel_loop3A_295, %parallel_loop3A_208 : vector<16xf32>
          %parallel_loop3A_297 = arith.addi %parallel_loop3A_294, %parallel_loop3A_212 : vector<16xi32>
          %parallel_loop3A_298 = arith.constant 0.000000e+00 : f32
          %parallel_loop3A_299 = vector.broadcast %parallel_loop3A_298 : f32 to vector<16xf32>
          %parallel_loop3A_300 = arith.cmpf ogt, %parallel_loop3A_296, %parallel_loop3A_299 : vector<16xf32>
          %parallel_loop3A_301 = arith.constant -1 : i32
          %parallel_loop3A_302 = vector.broadcast %parallel_loop3A_301 : i32 to vector<16xi32>
          %parallel_loop3A_303 = arith.select %parallel_loop3A_300, %parallel_loop3A_297, %parallel_loop3A_302 : vector<16xi1>, vector<16xi32>
          %parallel_loop3A_304 = arith.constant 0 : i32
          %parallel_loop3A_305 = arith.addi %parallel_loop3A_304, %parallel_loop3A_287 : i32
          %parallel_loop3A_306 = arith.index_cast %parallel_loop3A_305 : i32 to index
          %parallel_loop3A_307 = tpu.vector_load %arg11[%parallel_loop3A_306] {strides = array<i32>} : memref<3584xi32, #tpu.memory_space<vmem>>, vector<16xi32>,
          tpu.vector_store %arg11[%parallel_loop3A_306], %parallel_loop3A_303 {strides = array<i32>} : memref<3584xi32, #tpu.memory_space<vmem>>, vector<16xi32>,
          %parallel_loop3A_308 = arith.constant 0 : i32
          %parallel_loop3A_309 = arith.index_cast %parallel_loop3A_308 : i32 to index
          %parallel_loop3A_310 = arith.index_cast %parallel_loop3A_287 : i32 to index
          %parallel_loop3A_311 = tpu.vector_load %arg13[%parallel_loop3A_309, %parallel_loop3A_310] {strides = array<i32>} : memref<8x448xf32, #tpu.memory_space<vmem>>, vector<16xf32>,
          tpu.vector_store %arg13[%parallel_loop3A_309, %parallel_loop3A_310], %parallel_loop3A_296 {strides = array<i32>} : memref<8x448xf32, #tpu.memory_space<vmem>>, vector<16xf32>,
          %parallel_loop3A_312 = arith.mulf %parallel_loop3A_295, %parallel_loop3A_211 : vector<16xf32>
          %parallel_loop3A_313 = arith.addi %parallel_loop3A_294, %parallel_loop3A_213 : vector<16xi32>
          %parallel_loop3A_314 = arith.constant 0.000000e+00 : f32
          %parallel_loop3A_315 = vector.broadcast %parallel_loop3A_314 : f32 to vector<16xf32>
          %parallel_loop3A_316 = arith.cmpf ogt, %parallel_loop3A_312, %parallel_loop3A_315 : vector<16xf32>
          %parallel_loop3A_317 = arith.constant -1 : i32
          %parallel_loop3A_318 = vector.broadcast %parallel_loop3A_317 : i32 to vector<16xi32>
          %parallel_loop3A_319 = arith.select %parallel_loop3A_316, %parallel_loop3A_313, %parallel_loop3A_318 : vector<16xi1>, vector<16xi32>
          %parallel_loop3A_320 = arith.constant 448 : i32
          %parallel_loop3A_321 = arith.addi %parallel_loop3A_320, %parallel_loop3A_287 : i32
          %parallel_loop3A_322 = arith.index_cast %parallel_loop3A_321 : i32 to index
          %parallel_loop3A_323 = tpu.vector_load %arg11[%parallel_loop3A_322] {strides = array<i32>} : memref<3584xi32, #tpu.memory_space<vmem>>, vector<16xi32>,
          tpu.vector_store %arg11[%parallel_loop3A_322], %parallel_loop3A_319 {strides = array<i32>} : memref<3584xi32, #tpu.memory_space<vmem>>, vector<16xi32>,
          %parallel_loop3A_324 = arith.constant 1 : i32
          %parallel_loop3A_325 = arith.index_cast %parallel_loop3A_324 : i32 to index
          %parallel_loop3A_326 = arith.index_cast %parallel_loop3A_287 : i32 to index
          %parallel_loop3A_327 = tpu.vector_load %arg13[%parallel_loop3A_325, %parallel_loop3A_326] {strides = array<i32>} : memref<8x448xf32, #tpu.memory_space<vmem>>, vector<16xf32>,
          tpu.vector_store %arg13[%parallel_loop3A_325, %parallel_loop3A_326], %parallel_loop3A_312 {strides = array<i32>} : memref<8x448xf32, #tpu.memory_space<vmem>>, vector<16xf32>,
          %parallel_loop3A_328 = arith.constant 64 : i32
          %parallel_loop3A_329 = vector.broadcast %parallel_loop3A_328 : i32 to vector<16xi32>
          %parallel_loop3A_330 = arith.muli %parallel_loop3A_249, %parallel_loop3A_329 : vector<16xi32>
          %parallel_loop3A_331 = arith.addi %parallel_loop3A_290, %parallel_loop3A_330 : vector<16xi32>
          %parallel_loop3A_332 = arith.mulf %parallel_loop3A_280, %parallel_loop3A_247 : vector<16xf32>
          %parallel_loop3A_333 = arith.mulf %parallel_loop3A_332, %parallel_loop3A_208 : vector<16xf32>
          %parallel_loop3A_334 = arith.addi %parallel_loop3A_331, %parallel_loop3A_212 : vector<16xi32>
          %parallel_loop3A_335 = arith.constant 0.000000e+00 : f32
          %parallel_loop3A_336 = vector.broadcast %parallel_loop3A_335 : f32 to vector<16xf32>
          %parallel_loop3A_337 = arith.cmpf ogt, %parallel_loop3A_333, %parallel_loop3A_336 : vector<16xf32>
          %parallel_loop3A_338 = arith.constant -1 : i32
          %parallel_loop3A_339 = vector.broadcast %parallel_loop3A_338 : i32 to vector<16xi32>
          %parallel_loop3A_340 = arith.select %parallel_loop3A_337, %parallel_loop3A_334, %parallel_loop3A_339 : vector<16xi1>, vector<16xi32>
          %parallel_loop3A_341 = arith.constant 896 : i32
          %parallel_loop3A_342 = arith.addi %parallel_loop3A_341, %parallel_loop3A_287 : i32
          %parallel_loop3A_343 = arith.index_cast %parallel_loop3A_342 : i32 to index
          %parallel_loop3A_344 = tpu.vector_load %arg11[%parallel_loop3A_343] {strides = array<i32>} : memref<3584xi32, #tpu.memory_space<vmem>>, vector<16xi32>,
          tpu.vector_store %arg11[%parallel_loop3A_343], %parallel_loop3A_340 {strides = array<i32>} : memref<3584xi32, #tpu.memory_space<vmem>>, vector<16xi32>,
          %parallel_loop3A_345 = arith.constant 2 : i32
          %parallel_loop3A_346 = arith.index_cast %parallel_loop3A_345 : i32 to index
          %parallel_loop3A_347 = arith.index_cast %parallel_loop3A_287 : i32 to index
          %parallel_loop3A_348 = tpu.vector_load %arg13[%parallel_loop3A_346, %parallel_loop3A_347] {strides = array<i32>} : memref<8x448xf32, #tpu.memory_space<vmem>>, vector<16xf32>,
          tpu.vector_store %arg13[%parallel_loop3A_346, %parallel_loop3A_347], %parallel_loop3A_333 {strides = array<i32>} : memref<8x448xf32, #tpu.memory_space<vmem>>, vector<16xf32>,
          %parallel_loop3A_349 = arith.mulf %parallel_loop3A_332, %parallel_loop3A_211 : vector<16xf32>
          %parallel_loop3A_350 = arith.addi %parallel_loop3A_331, %parallel_loop3A_213 : vector<16xi32>
          %parallel_loop3A_351 = arith.constant 0.000000e+00 : f32
          %parallel_loop3A_352 = vector.broadcast %parallel_loop3A_351 : f32 to vector<16xf32>
          %parallel_loop3A_353 = arith.cmpf ogt, %parallel_loop3A_349, %parallel_loop3A_352 : vector<16xf32>
          %parallel_loop3A_354 = arith.constant -1 : i32
          %parallel_loop3A_355 = vector.broadcast %parallel_loop3A_354 : i32 to vector<16xi32>
          %parallel_loop3A_356 = arith.select %parallel_loop3A_353, %parallel_loop3A_350, %parallel_loop3A_355 : vector<16xi1>, vector<16xi32>
          %parallel_loop3A_357 = arith.constant 1344 : i32
          %parallel_loop3A_358 = arith.addi %parallel_loop3A_357, %parallel_loop3A_287 : i32
          %parallel_loop3A_359 = arith.index_cast %parallel_loop3A_358 : i32 to index
          %parallel_loop3A_360 = tpu.vector_load %arg11[%parallel_loop3A_359] {strides = array<i32>} : memref<3584xi32, #tpu.memory_space<vmem>>, vector<16xi32>,
          tpu.vector_store %arg11[%parallel_loop3A_359], %parallel_loop3A_356 {strides = array<i32>} : memref<3584xi32, #tpu.memory_space<vmem>>, vector<16xi32>,
          %parallel_loop3A_361 = arith.constant 3 : i32
          %parallel_loop3A_362 = arith.index_cast %parallel_loop3A_361 : i32 to index
          %parallel_loop3A_363 = arith.index_cast %parallel_loop3A_287 : i32 to index
          %parallel_loop3A_364 = tpu.vector_load %arg13[%parallel_loop3A_362, %parallel_loop3A_363] {strides = array<i32>} : memref<8x448xf32, #tpu.memory_space<vmem>>, vector<16xf32>,
          tpu.vector_store %arg13[%parallel_loop3A_362, %parallel_loop3A_363], %parallel_loop3A_349 {strides = array<i32>} : memref<8x448xf32, #tpu.memory_space<vmem>>, vector<16xf32>,
          %parallel_loop3A_365 = arith.constant 4096 : i32
          %parallel_loop3A_366 = vector.broadcast %parallel_loop3A_365 : i32 to vector<16xi32>
          %parallel_loop3A_367 = arith.muli %parallel_loop3A_285, %parallel_loop3A_366 : vector<16xi32>
          %parallel_loop3A_368 = arith.constant 64 : i32
          %parallel_loop3A_369 = vector.broadcast %parallel_loop3A_368 : i32 to vector<16xi32>
          %parallel_loop3A_370 = arith.muli %parallel_loop3A_248, %parallel_loop3A_369 : vector<16xi32>
          %parallel_loop3A_371 = arith.addi %parallel_loop3A_367, %parallel_loop3A_370 : vector<16xi32>
          %parallel_loop3A_372 = arith.mulf %parallel_loop3A_283, %parallel_loop3A_244 : vector<16xf32>
          %parallel_loop3A_373 = arith.mulf %parallel_loop3A_372, %parallel_loop3A_208 : vector<16xf32>
          %parallel_loop3A_374 = arith.addi %parallel_loop3A_371, %parallel_loop3A_212 : vector<16xi32>
          %parallel_loop3A_375 = arith.constant 0.000000e+00 : f32
          %parallel_loop3A_376 = vector.broadcast %parallel_loop3A_375 : f32 to vector<16xf32>
          %parallel_loop3A_377 = arith.cmpf ogt, %parallel_loop3A_373, %parallel_loop3A_376 : vector<16xf32>
          %parallel_loop3A_378 = arith.constant -1 : i32
          %parallel_loop3A_379 = vector.broadcast %parallel_loop3A_378 : i32 to vector<16xi32>
          %parallel_loop3A_380 = arith.select %parallel_loop3A_377, %parallel_loop3A_374, %parallel_loop3A_379 : vector<16xi1>, vector<16xi32>
          %parallel_loop3A_381 = arith.constant 1792 : i32
          %parallel_loop3A_382 = arith.addi %parallel_loop3A_381, %parallel_loop3A_287 : i32
          %parallel_loop3A_383 = arith.index_cast %parallel_loop3A_382 : i32 to index
          %parallel_loop3A_384 = tpu.vector_load %arg11[%parallel_loop3A_383] {strides = array<i32>} : memref<3584xi32, #tpu.memory_space<vmem>>, vector<16xi32>,
          tpu.vector_store %arg11[%parallel_loop3A_383], %parallel_loop3A_380 {strides = array<i32>} : memref<3584xi32, #tpu.memory_space<vmem>>, vector<16xi32>,
          %parallel_loop3A_385 = arith.constant 4 : i32
          %parallel_loop3A_386 = arith.index_cast %parallel_loop3A_385 : i32 to index
          %parallel_loop3A_387 = arith.index_cast %parallel_loop3A_287 : i32 to index
          %parallel_loop3A_388 = tpu.vector_load %arg13[%parallel_loop3A_386, %parallel_loop3A_387] {strides = array<i32>} : memref<8x448xf32, #tpu.memory_space<vmem>>, vector<16xf32>,
          tpu.vector_store %arg13[%parallel_loop3A_386, %parallel_loop3A_387], %parallel_loop3A_373 {strides = array<i32>} : memref<8x448xf32, #tpu.memory_space<vmem>>, vector<16xf32>,
          %parallel_loop3A_389 = arith.mulf %parallel_loop3A_372, %parallel_loop3A_211 : vector<16xf32>
          %parallel_loop3A_390 = arith.addi %parallel_loop3A_371, %parallel_loop3A_213 : vector<16xi32>
          %parallel_loop3A_391 = arith.constant 0.000000e+00 : f32
          %parallel_loop3A_392 = vector.broadcast %parallel_loop3A_391 : f32 to vector<16xf32>
          %parallel_loop3A_393 = arith.cmpf ogt, %parallel_loop3A_389, %parallel_loop3A_392 : vector<16xf32>
          %parallel_loop3A_394 = arith.constant -1 : i32
          %parallel_loop3A_395 = vector.broadcast %parallel_loop3A_394 : i32 to vector<16xi32>
          %parallel_loop3A_396 = arith.select %parallel_loop3A_393, %parallel_loop3A_390, %parallel_loop3A_395 : vector<16xi1>, vector<16xi32>
          %parallel_loop3A_397 = arith.constant 2240 : i32
          %parallel_loop3A_398 = arith.addi %parallel_loop3A_397, %parallel_loop3A_287 : i32
          %parallel_loop3A_399 = arith.index_cast %parallel_loop3A_398 : i32 to index
          %parallel_loop3A_400 = tpu.vector_load %arg11[%parallel_loop3A_399] {strides = array<i32>} : memref<3584xi32, #tpu.memory_space<vmem>>, vector<16xi32>,
          tpu.vector_store %arg11[%parallel_loop3A_399], %parallel_loop3A_396 {strides = array<i32>} : memref<3584xi32, #tpu.memory_space<vmem>>, vector<16xi32>,
          %parallel_loop3A_401 = arith.constant 5 : i32
          %parallel_loop3A_402 = arith.index_cast %parallel_loop3A_401 : i32 to index
          %parallel_loop3A_403 = arith.index_cast %parallel_loop3A_287 : i32 to index
          %parallel_loop3A_404 = tpu.vector_load %arg13[%parallel_loop3A_402, %parallel_loop3A_403] {strides = array<i32>} : memref<8x448xf32, #tpu.memory_space<vmem>>, vector<16xf32>,
          tpu.vector_store %arg13[%parallel_loop3A_402, %parallel_loop3A_403], %parallel_loop3A_389 {strides = array<i32>} : memref<8x448xf32, #tpu.memory_space<vmem>>, vector<16xf32>,
          %parallel_loop3A_405 = arith.constant 64 : i32
          %parallel_loop3A_406 = vector.broadcast %parallel_loop3A_405 : i32 to vector<16xi32>
          %parallel_loop3A_407 = arith.muli %parallel_loop3A_249, %parallel_loop3A_406 : vector<16xi32>
          %parallel_loop3A_408 = arith.addi %parallel_loop3A_367, %parallel_loop3A_407 : vector<16xi32>
          %parallel_loop3A_409 = arith.mulf %parallel_loop3A_283, %parallel_loop3A_247 : vector<16xf32>
          %parallel_loop3A_410 = arith.mulf %parallel_loop3A_409, %parallel_loop3A_208 : vector<16xf32>
          %parallel_loop3A_411 = arith.addi %parallel_loop3A_408, %parallel_loop3A_212 : vector<16xi32>
          %parallel_loop3A_412 = arith.constant 0.000000e+00 : f32
          %parallel_loop3A_413 = vector.broadcast %parallel_loop3A_412 : f32 to vector<16xf32>
          %parallel_loop3A_414 = arith.cmpf ogt, %parallel_loop3A_410, %parallel_loop3A_413 : vector<16xf32>
          %parallel_loop3A_415 = arith.constant -1 : i32
          %parallel_loop3A_416 = vector.broadcast %parallel_loop3A_415 : i32 to vector<16xi32>
          %parallel_loop3A_417 = arith.select %parallel_loop3A_414, %parallel_loop3A_411, %parallel_loop3A_416 : vector<16xi1>, vector<16xi32>
          %parallel_loop3A_418 = arith.constant 2688 : i32
          %parallel_loop3A_419 = arith.addi %parallel_loop3A_418, %parallel_loop3A_287 : i32
          %parallel_loop3A_420 = arith.index_cast %parallel_loop3A_419 : i32 to index
          %parallel_loop3A_421 = tpu.vector_load %arg11[%parallel_loop3A_420] {strides = array<i32>} : memref<3584xi32, #tpu.memory_space<vmem>>, vector<16xi32>,
          tpu.vector_store %arg11[%parallel_loop3A_420], %parallel_loop3A_417 {strides = array<i32>} : memref<3584xi32, #tpu.memory_space<vmem>>, vector<16xi32>,
          %parallel_loop3A_422 = arith.constant 6 : i32
          %parallel_loop3A_423 = arith.index_cast %parallel_loop3A_422 : i32 to index
          %parallel_loop3A_424 = arith.index_cast %parallel_loop3A_287 : i32 to index
          %parallel_loop3A_425 = tpu.vector_load %arg13[%parallel_loop3A_423, %parallel_loop3A_424] {strides = array<i32>} : memref<8x448xf32, #tpu.memory_space<vmem>>, vector<16xf32>,
          tpu.vector_store %arg13[%parallel_loop3A_423, %parallel_loop3A_424], %parallel_loop3A_410 {strides = array<i32>} : memref<8x448xf32, #tpu.memory_space<vmem>>, vector<16xf32>,
          %parallel_loop3A_426 = arith.mulf %parallel_loop3A_409, %parallel_loop3A_211 : vector<16xf32>
          %parallel_loop3A_427 = arith.addi %parallel_loop3A_408, %parallel_loop3A_213 : vector<16xi32>
          %parallel_loop3A_428 = arith.constant 0.000000e+00 : f32
          %parallel_loop3A_429 = vector.broadcast %parallel_loop3A_428 : f32 to vector<16xf32>
          %parallel_loop3A_430 = arith.cmpf ogt, %parallel_loop3A_426, %parallel_loop3A_429 : vector<16xf32>
          %parallel_loop3A_431 = arith.constant -1 : i32
          %parallel_loop3A_432 = vector.broadcast %parallel_loop3A_431 : i32 to vector<16xi32>
          %parallel_loop3A_433 = arith.select %parallel_loop3A_430, %parallel_loop3A_427, %parallel_loop3A_432 : vector<16xi1>, vector<16xi32>
          %parallel_loop3A_434 = arith.constant 3136 : i32
          %parallel_loop3A_435 = arith.addi %parallel_loop3A_434, %parallel_loop3A_287 : i32
          %parallel_loop3A_436 = arith.index_cast %parallel_loop3A_435 : i32 to index
          %parallel_loop3A_437 = tpu.vector_load %arg11[%parallel_loop3A_436] {strides = array<i32>} : memref<3584xi32, #tpu.memory_space<vmem>>, vector<16xi32>,
          tpu.vector_store %arg11[%parallel_loop3A_436], %parallel_loop3A_433 {strides = array<i32>} : memref<3584xi32, #tpu.memory_space<vmem>>, vector<16xi32>,
          %parallel_loop3A_438 = arith.constant 7 : i32
          %parallel_loop3A_439 = arith.index_cast %parallel_loop3A_438 : i32 to index
          %parallel_loop3A_440 = arith.index_cast %parallel_loop3A_287 : i32 to index
          %parallel_loop3A_441 = tpu.vector_load %arg13[%parallel_loop3A_439, %parallel_loop3A_440] {strides = array<i32>} : memref<8x448xf32, #tpu.memory_space<vmem>>, vector<16xf32>,
          tpu.vector_store %arg13[%parallel_loop3A_439, %parallel_loop3A_440], %parallel_loop3A_426 {strides = array<i32>} : memref<8x448xf32, #tpu.memory_space<vmem>>, vector<16xf32>,
        } {sc.loop_unroll_factor = 2 : i64, sc.parallel_access}
        %mul3A_157 = arith.constant 262144 : i32
        %mul3A_158 = arith.muli %rem3A_71, %mul3A_157 : i32
        %dma_start3A_159 = tpu.memref_slice %arg2[%mul3A_158] : memref<16777216xi32, #tpu.memory_space<hbm>> -> memref<262144xi32, #tpu.memory_space<hbm>>
        %dma_start3A_160 = arith.constant 0 : i32
        %dma_start3A_161 = tpu.memref_slice %dma_start3A_159[%dma_start3A_160] : memref<262144xi32, #tpu.memory_space<hbm>> -> memref<262144xi32, #tpu.memory_space<hbm>>
        %dma_start3A_162 = arith.constant -1 : i32
        tpu.enqueue_indirect_dma source(%dma_start3A_161 : memref<262144xi32, #tpu.memory_space<hbm>>) target(%arg15 : memref<3584xi32, #tpu.memory_space<vmem>>) offsets(%arg11 : memref<3584xi32, #tpu.memory_space<vmem>>) offset_filter(%dma_start3A_162) semaphore(%arg18 : memref<!tpu.dma_semaphore, #tpu.memory_space<semaphore_mem>>)
      }
      %scan3A_53 = arith.constant 33 : i32
      %add3A_54 = arith.addi %mul3A_2, %mul3A_38 : i32
      "tpu.region"() ({
        %run_scoped3A = tpu.sem_alloc : memref<!tpu.dma_semaphore, #tpu.memory_space<semaphore_mem>>
        %dma_start3A_55 = arith.constant 0 : i32
        %dma_start3A_56 = arith.constant 0 : i32
        %dma_start3A_57 = tpu.memref_slice %arg16[%dma_start3A_55, %dma_start3A_56] : memref<456x128xf32, #tpu.memory_space<vmem>> -> memref<448x128xf32, #tpu.memory_space<vmem>>
        %dma_start3A_58 = arith.constant 0 : i32
        %dma_start3A_59 = tpu.memref_slice %arg5[%add3A_54, %dma_start3A_58] : memref<100352x128xf32, #tpu.memory_space<hbm>> -> memref<448x128xf32, #tpu.memory_space<hbm>>
        %dma_start3A_60 = arith.constant 0 : i32
        %dma_start3A_61 = tpu.memref_slice %arg5[%add3A_54, %dma_start3A_60] : memref<100352x128xf32, #tpu.memory_space<hbm>> -> memref<448x128xf32, #tpu.memory_space<hbm>>
        %dma_start3A_62 = arith.constant 0 : i32
        %dma_start3A_63 = arith.constant 0 : i32
        %dma_start3A_64 = tpu.memref_slice %arg16[%dma_start3A_62, %dma_start3A_63] : memref<456x128xf32, #tpu.memory_space<vmem>> -> memref<448x128xf32, #tpu.memory_space<vmem>>
        tpu.enqueue_dma source(%dma_start3A_64 : memref<448x128xf32, #tpu.memory_space<vmem>>) target(%dma_start3A_61 : memref<448x128xf32, #tpu.memory_space<hbm>>) target_semaphore(%run_scoped3A : memref<!tpu.dma_semaphore, #tpu.memory_space<semaphore_mem>>)
        %dma_wait3A_65 = arith.constant 0 : i32
        %dma_wait3A_66 = arith.constant 0 : i32
        %dma_wait3A_67 = tpu.memref_slice %arg16[%dma_wait3A_65, %dma_wait3A_66] : memref<456x128xf32, #tpu.memory_space<vmem>> -> memref<448x128xf32, #tpu.memory_space<vmem>>
        %dma_wait3A_68 = arith.constant 0 : i32
        %dma_wait3A_69 = tpu.memref_slice %arg5[%add3A_54, %dma_wait3A_68] : memref<100352x128xf32, #tpu.memory_space<hbm>> -> memref<448x128xf32, #tpu.memory_space<hbm>>
        %dma_wait3A_70 = arith.constant 0 : i32
        %dma_wait3A_71 = tpu.memref_slice %arg5[%add3A_54, %dma_wait3A_70] : memref<100352x128xf32, #tpu.memory_space<hbm>> -> memref<448x128xf32, #tpu.memory_space<hbm>>
        %dma_wait3A_72 = arith.constant 0 : i32
        %dma_wait3A_73 = arith.constant 0 : i32
        %dma_wait3A_74 = tpu.memref_slice %arg16[%dma_wait3A_72, %dma_wait3A_73] : memref<456x128xf32, #tpu.memory_space<vmem>> -> memref<448x128xf32, #tpu.memory_space<vmem>>
        tpu.wait_dma2 semaphore(%run_scoped3A : memref<!tpu.dma_semaphore, #tpu.memory_space<semaphore_mem>>) src(%dma_wait3A_74 : memref<448x128xf32, #tpu.memory_space<vmem>>) dst(%dma_wait3A_71 : memref<448x128xf32, #tpu.memory_space<hbm>>)
        tpu.yield
      }) : () -> ()
    }
    %scan3A_28 = arith.constant 7 : i32
    %dma_wait3A = arith.constant 0 : i32
    %dma_wait3A_29 = tpu.memref_slice %arg2[%dma_wait3A] : memref<16777216xi32, #tpu.memory_space<hbm>> -> memref<262144xi32, #tpu.memory_space<hbm>>
    %dma_wait3A_30 = arith.constant 0 : i32
    %dma_wait3A_31 = tpu.memref_slice %dma_wait3A_29[%dma_wait3A_30] : memref<262144xi32, #tpu.memory_space<hbm>> -> memref<262144xi32, #tpu.memory_space<hbm>>
    tpu.wait_indirect_dma semaphore(%arg17 : memref<!tpu.dma_semaphore, #tpu.memory_space<semaphore_mem>>) src(%dma_wait3A_31 : memref<262144xi32, #tpu.memory_space<hbm>>) dst(%arg14 : memref<3584xi32, #tpu.memory_space<vmem>>)
    %dma_wait3A_32 = arith.constant 0 : i32
    %dma_wait3A_33 = tpu.memref_slice %arg2[%dma_wait3A_32] : memref<16777216xi32, #tpu.memory_space<hbm>> -> memref<262144xi32, #tpu.memory_space<hbm>>
    %dma_wait3A_34 = arith.constant 0 : i32
    %dma_wait3A_35 = tpu.memref_slice %dma_wait3A_33[%dma_wait3A_34] : memref<262144xi32, #tpu.memory_space<hbm>> -> memref<262144xi32, #tpu.memory_space<hbm>>
    tpu.wait_indirect_dma semaphore(%arg18 : memref<!tpu.dma_semaphore, #tpu.memory_space<semaphore_mem>>) src(%dma_wait3A_35 : memref<262144xi32, #tpu.memory_space<hbm>>) dst(%arg15 : memref<3584xi32, #tpu.memory_space<vmem>>)
    return
  }
}

</mosaic_0001>

<sc_bundles>
// kernel: kernel.3.cloned.1.call-start
scs
__scs_entry_jumppad:
0x0: {  	(pc) =	sbr.rel $0x88, $3  }
0x1: {  	(tag) =	ssettag $0x0;
	lr =	simm.s32 $0x1  }
0x2: {  	[smem:$0x3F9D] =	sst lr;
	_ =	strace $0xD0000000  }
0x3: {  	_ = 	snop  }
0x4: {  	_ = 	snop  }
0x5: {  	_ = 	snop  }
0x6: {  	_ = 	snop  }
0x7: {  	_ = 	snop  }
__scs_overlays_trampoline_lowered:
0x8: {  	[smem:$0x3FAC] =	sst s0  }
0x9: {  	[smem:$0x3FAD] =	sst s1  }
0xa: {  	[smem:$0x3FAE] =	sst s2  }
0xb: {  	[smem:$0x3FAF] =	sst s3  }
0xc: {  	[smem:$0x3FB0] =	sst s4  }
0xd: {  	[smem:$0x3FB1] =	sst s5  }
0xe: {  	[smem:$0x3FB2] =	sst s6  }
0xf: {  	[smem:$0x3FB3] =	sst s7  }
0x10: {  	[smem:$0x3FB4] =	sst s8  }
0x11: {  	[smem:$0x3FB5] =	sst s9;
	s0 =	simm.s32 @!p0 $0x0  }
0x12: {  	s1 =	sld [smem:$0x3F9B];
	s0 =	simm.s32 @p0 $0x1  }
0x13: {  	[smem:$0x3FB6] =	sst s0;
	s0 =	simm.s32 @!p1 $0x0  }
0x14: {  	s2 =	sld [smem:$0x3F9A];
	s0 =	simm.s32 @p1 $0x1  }
0x15: {  	[smem:$0x3FB7] =	sst s0;
	s0 =	simm.s32 @!p2 $0x0  }
0x16: {  	s3 =	sld [smem:$0x3FDB];
	s0 =	simm.s32 @p2 $0x1  }
0x17: {  	s4 =	simm.s32 $0x1BF5;
	[smem:$0x3FB9] =	sst s0  }
0x18: {  	s0 =	sld [smem:$0x3F9C];
	_ =	swait.ge [sflag:s4], $0x0  }
0x19: {  	s7 =	sld [smem:$0x3F9D]  }
0x1a: {  	s8 =	sadd.s32 $0xFFFFE003, lr  }
0x1b: {  	s9 =	sadd.s32 $0xFFFFFEF7, lr;
	s5 =	simm.s32 $0xFFFFFFFF;
	p2 =	slt.u32 s8, $0xFFFFF086  }
0x1c: {  	p1 =	slt.u32 s9, $0xF7A;
	s5 =	simm.s32 @!p2 $0x0  }
0x1d: {  	s5 =	simm.s32 @p1 $0x1;
	p0 =	seq.s32 s7, s2  }
0x1e: {  	s7 =	smul.u32 @!p0 $0xF7A, s2;
	p2 =	seq.s32 @!p0 s5, $0x0  }
0x1f: {  	s9 =	smul.u32 $0xF7A, s1;
	s8 =	simm.s32 @!p0 $0x1BF5;
	p2 =	por !p2, p0  }
0x20: {  	[sflag:s8] =	ssyncset.s32 @!p0 $0xFFFFF086;
	s6 =	sadd.s32 @!p0 s3, s7;
	s7 =	simm.s32 @!p0 $0x108  }
0x21: {  	s3 =	sadd.s32 s3, s9;
	s6 =	sadd.s32 @!p0 $0x88, s6;
	s7 =	simm.s32 @p2 $0x1082  }
0x22: {  	[simem:s7], [sflag:s8] =	dma.local @!p0 [hbm:s6], $0xF7A  }
0x23: {  	s9 =	sor.u32 $0xD0000000, s2;
	s6 =	simm.s32 $0x108;
	_ =	swait.ge @!p0 [sflag:s8], $0x0  }
0x24: {  	s3 =	sadd.s32 $0x88, s3;
	s6 =	simm.s32 @!p1 $0x1082;
	[sflag:s4] =	ssyncset.s32 $0xFFFFF086  }
0x25: {  	[simem:s6], [sflag:s4] =	dma.local [hbm:s3], $0xF7A  }
0x26: {  	[smem:$0x3F9D] =	sst s1;
	(tag) =	ssettag s2;
	_ =	strace s9  }
0x27: {  	s1 =	sld [smem:$0x3FAD]  }
0x28: {  	s2 =	sld [smem:$0x3FAE]  }
0x29: {  	s4 =	sld [smem:$0x3FB0]  }
0x2a: {  	p0 =	seq.s32 s5, $0x0;
	s5 =	sld [smem:$0x3FB1]  }
0x2b: {  	s6 =	sld [smem:$0x3FB2]  }
0x2c: {  	s7 =	sld [smem:$0x3FB3]  }
0x2d: {  	s3 =	simm.s32 $0x108;
	s8 =	sld [smem:$0x3FB4]  }
0x2e: {  	s3 =	simm.s32 @!p0 $0x1082;
	s9 =	sld [smem:$0x3FB5]  }
0x2f: {  	lr =	sadd.s32 s0, s3;
	s0 =	sld [smem:$0x3FAC]  }
0x30: {  	s3 =	sld [smem:$0x3FAF]  }
0x31: {  	[smem:$0x3FB8] =	sst s10  }
0x32: {  	s10 =	sld [smem:$0x3FB6];
	_ =	sdelay $0x3  }
0x33: {  	p0 =	seq.s32 s10, $0x1;
	s10 =	sld [smem:$0x3FB8];
	_ =	sdelay $0x3  }
0x34: {  	[smem:$0x3FB8] =	sst s10  }
0x35: {  	s10 =	sld [smem:$0x3FB7];
	_ =	sdelay $0x3  }
0x36: {  	p1 =	seq.s32 s10, $0x1;
	s10 =	sld [smem:$0x3FB8];
	_ =	sdelay $0x3  }
0x37: {  	[smem:$0x3FB8] =	sst s10  }
0x38: {  	s10 =	sld [smem:$0x3FB9]  }
0x39: {  	_ = 	snop;
	(pc) =	sbr.ind lr, $3  }
0x3a: {  	_ = 	snop  }
0x3b: {  	_ = 	snop  }
0x3c: {  	p2 =	seq.s32 s10, $0x1;
	s10 =	sld [smem:$0x3FB8]  }
0x3d: {  	_ =	shalt  }
0x3e: {  	_ =	shalt  }
0x3f: {  	_ =	shalt  }
0x40: {  	_ =	shalt  }
0x41: {  	_ =	shalt  }
0x42: {  	_ =	shalt  }
0x43: {  	_ =	shalt  }
0x44: {  	_ =	shalt  }
0x45: {  	_ =	shalt  }
0x46: {  	_ =	shalt  }
0x47: {  	_ =	shalt  }
0x48: {  	_ =	shalt  }
0x49: {  	_ =	shalt  }
0x4a: {  	_ =	shalt  }
0x4b: {  	_ =	shalt  }
0x4c: {  	_ =	shalt  }
0x4d: {  	_ =	shalt  }
0x4e: {  	_ =	shalt  }
0x4f: {  	_ =	shalt  }
0x50: {  	_ =	shalt  }
0x51: {  	_ =	shalt  }
0x52: {  	_ =	shalt  }
0x53: {  	_ =	shalt  }
0x54: {  	_ =	shalt  }
0x55: {  	_ =	shalt  }
0x56: {  	_ =	shalt  }
0x57: {  	_ =	shalt  }
0x58: {  	_ =	shalt  }
0x59: {  	_ =	shalt  }
0x5a: {  	_ =	shalt  }
0x5b: {  	_ =	shalt  }
0x5c: {  	_ =	shalt  }
0x5d: {  	_ =	shalt  }
0x5e: {  	_ =	shalt  }
0x5f: {  	_ =	shalt  }
0x60: {  	_ =	shalt  }
0x61: {  	_ =	shalt  }
0x62: {  	_ =	shalt  }
0x63: {  	_ =	shalt  }
0x64: {  	_ =	shalt  }
0x65: {  	_ =	shalt  }
0x66: {  	_ =	shalt  }
0x67: {  	_ =	shalt  }
0x68: {  	_ =	shalt  }
0x69: {  	_ =	shalt  }
0x6a: {  	_ =	shalt  }
0x6b: {  	_ =	shalt  }
0x6c: {  	_ =	shalt  }
0x6d: {  	_ =	shalt  }
0x6e: {  	_ =	shalt  }
0x6f: {  	_ =	shalt  }
0x70: {  	_ =	shalt  }
0x71: {  	_ =	shalt  }
0x72: {  	_ =	shalt  }
0x73: {  	_ =	shalt  }
0x74: {  	_ =	shalt  }
0x75: {  	_ =	shalt  }
0x76: {  	_ =	shalt  }
0x77: {  	_ =	shalt  }
0x78: {  	_ =	shalt  }
0x79: {  	_ =	shalt  }
0x7a: {  	_ =	shalt  }
0x7b: {  	_ =	shalt  }
0x7c: {  	_ =	shalt  }
0x7d: {  	_ =	shalt  }
0x7e: {  	_ =	shalt  }
0x7f: {  	_ =	shalt  }
0x80: {  	_ =	shalt  }
0x81: {  	_ =	shalt  }
0x82: {  	_ =	shalt  }
0x83: {  	_ =	shalt  }
0x84: {  	_ =	shalt  }
0x85: {  	_ =	shalt  }
0x86: {  	_ =	shalt  }
0x87: {  	_ =	shalt  }
.Lfunc_end0:
.L_simem_size_0:
called_computation_lowered:
.L_overlay_start_0:
0x88: {  	s2 =	sld [smem:$0x3FD9]  }
0x89: {  	s3 =	sld [smem:$0x3FFE];
	_ =	sdelay $0x1  }
0x8a: {  	s1 =	srdreg.scid  }
0x8b: {  	s0 =	sand.u32 $0x1, s1  }
0x8c: {  	s17 =	sshll.u32 s0, $0xA;
	s2 =	sadd.s32 s3, s2  }
0x8d: {  	s2 =	sadd.s32 s2, s17  }
0x8e: {  	[smem:$0x3FC4] =	sst s2  }
0x8f: {  	_ = 	snop  }
0x90: {  	s2 =	sld [smem:$0x3FD0];
	(tm) =	ssettm $0x1  }
0x91: {  	s18 =	sld [smem:$0x3FFB];
	_ =	sdelay $0x3  }
0x92: {  	_ =	strace s18  }
0x93: {  	s3 =	sld [smem:$0x3FFC];
	_ =	sdelay $0x3  }
0x94: {  	_ =	strace s3  }
0x95: {  	s3 =	sld [smem:$0x3FFD];
	_ =	sdelay $0x3  }
0x96: {  	_ =	strace s3  }
0x97: {  	_ =	strace $0x8FFFFFFF  }
0x98: {  	s19 =	sld [smem:$0x3FDB];
	_ =	sdelay $0x1  }
0x99: {  	s4 =	simm.s32 $_scs_section_size  }
0x9a: {  	s5 =	simm.s32 $_size__tile_overlayer_lowered;
	s6 =	simm.s32 $_tile_overlayer_lowered  }
0x9b: {  	s22 =	simm.s32 $0x1BFF;
	s21 =	sshll.u32 s6, $0x1;
	s3 =	sadd.s32 s4, s19  }
0x9c: {  	s7 =	simm.s32 $0x0;
	s20 =	sshll.u32 s5, $0x1;
	s5 =	sadd.s32 s21, s3  }
0x9d: {  	[timem:s7], [sflag:s22] =	dma.local [hbm:s5], s20  }
0x9e: {  	_ =	swait.ge [sflag:s22], s20  }
0x9f: {  	s4 =	ssub.s32 $0x0, s20;
	[sflag:s22] =	ssyncset.done $0x0  }
0xa0: {  	[sflag:s22] =	ssyncadd.s32 s4;
	_ =	sdelay $0x1  }
0xa1: {  	s23 =	simm.s32 $0x1B8B  }
0xa2: {  	_ =	swait.ge [sflag:s23], $0x1  }
0xa3: {  	[sflag:s23] =	ssyncset.done $0x0  }
0xa4: {  	s25 =	simm.s32 $0x1B8E;
	s24 =	sld [smem:$0x3FFE];
	[sflag:s23] =	ssyncadd.s32 $0xFFFFFFFF  }
0xa5: {  	s26 =	simm.s32 $execute0_lowered;
	[smem:$0x3FD2] =	sst s25  }
0xa6: {  	s5 =	sshll.u32 s26, $0x1;
	_ =	strace $0x80000046;
	[dreg:$0x1] =	wrdreg $0xFFFFFFFF  }
0xa7: {  	s28 =	simm.s32 $_size_execute0_lowered;
	s3 =	sadd.s32 s3, s5;
	[dreg:$0x0] =	wrdreg $0x0  }
0xa8: {  	s5 =	sshll.u32 s28, $0x1;
	[dreg:$0x2] =	wrdreg s3  }
0xa9: {  	[dreg:$0x3] =	wrdreg s5  }
0xaa: {  	[dreg:$0x4] =	wrdreg $0xC0  }
0xab: {  	_ =	task [dreg:s7], $0x5FFFF  }
0xac: {  	[dreg:$0x1] =	wrdreg $0xFFFFFFFF  }
0xad: {  	[dreg:$0x0] =	wrdreg $0x60  }
0xae: {  	[dreg:$0x2] =	wrdreg s24  }
0xaf: {  	[dreg:$0x3] =	wrdreg s2  }
0xb0: {  	[dreg:$0x4] =	wrdreg $0x9  }
0xb1: {  	_ =	task.clear_ibuf [dreg:s7], $0x5FFFF;
	_ =	strace $0x90000046  }
0xb2: {  	s29 =	simm.s32 $0x9;
	_ =	strace $0x80000048  }
0xb3: {  	_ =	swait.ge [sflag:s29], $0x1  }
0xb4: {  	[sflag:s29] =	ssyncadd.s32 $0xFFFFFFFF  }
0xb5: {  	_ =	strace $0x90000048  }
0xb6: {  	_ =	sfence  }
0xb7: {  	s30 =	sld [smem:$0x0];
	_ =	sdelay $0x2  }
0xb8: {  	s31 =	sshll.u32 s1, $0xD;
	s1 =	sshrl.u32 s1, $0x2  }
0xb9: {  	s3 =	sand.u32 $0x4000, s31;
	s1 =	sadd.s32 s1, s30  }
0xba: {  	s0 =	sor.u32 s3, s0;
	s1 =	sshll.u32 s1, $0x11  }
0xbb: {  	s0 =	sor.u32 s1, s0  }
0xbc: {  	s0 =	sadd.s32 $0x8F2B, s0  }
0xbd: {  	[sflag:s0] =	ssyncadd.remote.s32 $0x1  }
0xbe: {  	_ =	sfence.sel $0xFFFF  }
0xbf: {  	[dreg:$0x0] =	wrdreg $0xFFFFFFFF;
	(pc) =	sbr.abs _section_cstart, $3  }
0xc0: {  	[dreg:$0x1] =	wrdreg $0xFFFFFFFF  }
0xc1: {  	_ =	task.clear_ibuf [dreg:s7], $0x2FFFF;
	_ =	strace $0x9FFFFFFF  }
0xc2: {  	(tm) =	ssettm $0x7FFFFFFF  }
0xc3: {  	_ =	shalt  }
tec
execute0_lowered:
.L_overlay_start_1:
0x0: {  	(tag) =	ssettag $0x1  }
0x1: {  	s0 =	rddreg [dreg:$0x0]  }
0x2: {  	s1 =	srdreg.scid;
	s2 =	stileid.u32  }
0x3: {  	s3 =	simm.s32 $0x0;
	s11 =	simm.s32 $0x600;
	s12 =	simm.s32 $0x3  }
0x4: {  	s13 =	simm.s32 $0xE00;
	s14 =	simm.s32 $0x780;
	s15 =	simm.s32 $0x4380  }
0x5: {  	s16 =	simm.s32 $0x1580;
	s17 =	simm.s32 $0x5180;
	s1 =	sand.u32 $0x1, s1  }
0x6: {  	s2 =	sshll.u32 s2, $0x1;
	[smem:$0x7FF] =	sst s3;
	s5 =	sadd.s32 $0xC00, s0  }
0x7: {  	s26 =	sadd.s32 $0x200C00, s0;
	s0 =	sadd.s32 $0x200E00, s0;
	s2 =	sor.u32 s1, s2  }
0x8: {  	_ =	strace $0x80000047;
	[dreg:$0x4] =	wrdreg s26;
	s25 =	smul.u32 $0xC40, s2  }
0x9: {  	s20 =	simm.s32 $0x1;
	s1 =	ssub.s32 $0x2, s1;
	[dreg:$0x5] =	wrdreg s0  }
0xa: {  	s28 =	sshrl.u32 s1, $0x1;
	s30 =	sadd.s32 $0x18800, s25;
	[dreg:$0x3] =	wrdreg s25  }
0xb: {  	s29 =	ssub.s32 s1, s28;
	s31 =	sadd.s32 $0x31000, s25;
	[dreg:$0x6] =	wrdreg s30  }
0xc: {  	v0 =	vlaneseq.u32;
	s21 =	simm.s32 $0x5F80;
	s0 =	smax.u32 s29, $0x1;
	[dreg:$0x7] =	wrdreg s31  }
0xd: {  	v1 =	vimm.s32 $0x0;
	v2 =	vimm.f32 $0.0e+00;
	s22 =	simm.s32 $0x2;
	v3 =	vmul.u32 $0x80, v0;
	s1 =	simm.s32 $0x0;
	[dreg:$0x8] =	wrdreg s0  }
.LBB2_1:
0xe: {  	[dreg:$0x9] =	wrdreg s1  }
0xf: {  	s0 =	simm.s32 $0x0;
	s31 =	rddreg [dreg:$0x4]  }
0x10: {  	[tilespmem:s11], [sflag:$0x3] =	stream.linear.gather [hbm4b:s31+s0], $0x180, $0x38;
	[tilespmem:$0x14380] =	vst v63  }
0x11: {  	s1 =	simm.s32 $0x5180;
	_ =	swait.ge [sflag:s12], $0x180  }
0x12: {  	s2 =	simm.s32 $0x780;
	s3 =	simm.s32 $0x4380;
	[sflag:s12] =	ssyncset.done $0x0  }
0x13: {  	s4 =	simm.s32 $0x0;
	s0 =	simm.s32 $0x1580;
	[sflag:s12] =	ssyncadd.s32 $0xFFFFFE80  }
.LBB2_2:
0x14: {  	p0 =	sne.s32 s4, $0xDF0  }
.Ltmp0:
0x15: {  	_ = 	snop;
	(pc) =	sbr.rel @p0 .LBB2_2-.Ltmp0, $4  }
0x16: {  	v4 =	vor.u32 s4, v0;
	[tilespmem:s3+$0x0] =	vst v1  }
0x17: {  	[tilespmem:s2+$0x0] =	vst v4  }
0x18: {  	s3 =	sadd.s32 $0x10, s3;
	s4 =	sadd.s32 $0x10, s4;
	[tilespmem:s1+$0x0] =	vst v1  }
0x19: {  	s2 =	sadd.s32 $0x10, s2;
	s1 =	sadd.s32 $0x10, s1;
	[tilespmem:s0+$0x0] =	vst v4;
	s0 =	sadd.s32 $0x10, s0  }
0x1a: {  	s1 =	simm.s32 $0x0  }
0x1b: {  	s0 =	sand.u32 $0x70, s1;
	s2 =	sand.u32 $0xC00, s1  }
0x1c: {  	s0 =	sor.u32 s0, s2  }
0x1d: {  	[tilespmem:s0+$0x2380] =	vst v2  }
0x1e: {  	s2 =	sor.u32 s2, s1;
	[tilespmem:s0+$0x2400] =	vst v2  }
0x1f: {  	[tilespmem:s0+$0x2480] =	vst v2;
	s3 =	sor.u32 $0x180, s2  }
0x20: {  	[tilespmem:s3+$0x2380] =	vst v2  }
0x21: {  	[tilespmem:s0+$0x2580] =	vst v2  }
0x22: {  	s1 =	sor.u32 s1, s1;
	[tilespmem:s0+$0x2600] =	vst v2  }
0x23: {  	s2 =	sor.u32 $0x380, s1;
	[tilespmem:s0+$0x2680] =	vst v2  }
0x24: {  	[tilespmem:s2+$0x2380] =	vst v2  }
0x25: {  	[tilespmem:s0+$0x3380] =	vst v2  }
0x26: {  	[tilespmem:s0+$0x3400] =	vst v2  }
0x27: {  	[tilespmem:s0+$0x3480] =	vst v2  }
0x28: {  	[tilespmem:s3+$0x3380] =	vst v2  }
0x29: {  	[tilespmem:s0+$0x3600] =	vst v2  }
0x2a: {  	s1 =	simm.s32 $0x80;
	s3 =	simm.s32 $0x10;
	[tilespmem:s0+$0x3580] =	vst v2  }
.LBB2_4:
0x2b: {  	s4 =	sand.u32 $0x70, s3  }
0x2c: {  	s6 =	sand.u32 $0xC00, s1;
	[tilespmem:s0+$0x3680] =	vst v2;
	s7 =	smov.u32 s3;
	s8 =	sadd.s32 $0x10, s3  }
0x2d: {  	p0 =	sne.s32 s3, $0x1B0;
	s0 =	sor.u32 s4, s6;
	s4 =	sor.u32 s6, s7;
	[tilespmem:s2+$0x3380] =	vst v2  }
0x2e: {  	[tilespmem:s0+$0x2380] =	vst v2  }
0x2f: {  	[tilespmem:s0+$0x2400] =	vst v2  }
0x30: {  	s3 =	sor.u32 $0x180, s4;
	[tilespmem:s0+$0x2480] =	vst v2  }
0x31: {  	[tilespmem:s3+$0x2380] =	vst v2  }
0x32: {  	[tilespmem:s0+$0x2580] =	vst v2  }
0x33: {  	s2 =	sor.u32 s1, s7;
	[tilespmem:s0+$0x2600] =	vst v2  }
0x34: {  	s2 =	sor.u32 $0x380, s2;
	[tilespmem:s0+$0x2680] =	vst v2  }
0x35: {  	[tilespmem:s2+$0x2380] =	vst v2  }
0x36: {  	[tilespmem:s0+$0x3380] =	vst v2  }
.Ltmp1:
0x37: {  	[tilespmem:s0+$0x3400] =	vst v2;
	(pc) =	sbr.rel @p0 .LBB2_4-.Ltmp1, $4  }
0x38: {  	[tilespmem:s0+$0x3480] =	vst v2  }
0x39: {  	[tilespmem:s3+$0x3380] =	vst v2  }
0x3a: {  	[tilespmem:s0+$0x3600] =	vst v2  }
0x3b: {  	s1 =	sadd.s32 $0x80, s1;
	s3 =	smov.u32 s8;
	[tilespmem:s0+$0x3580] =	vst v2  }
0x3c: {  	[tilespmem:s0+$0x3680] =	vst v2  }
0x3d: {  	[tilespmem:s2+$0x3380] =	vst v2;
	(ifvalue) =	ssetifvalue $0xFFFFFFFF  }
0x3e: {  	(ifvalue) =	ssetifvalue $0xFFFFFFFF  }
0x3f: {  	[tilespmem:s15], [sflag:$0x1] =	stream.indirect.gather [hbm4b:s5+s13], $0x1, s14, s13, $0x40b8;
	[tilespmem:$0x14380] =	vst v63  }
0x40: {  	(ifvalue) =	ssetifvalue $0xFFFFFFFF  }
0x41: {  	s25 =	simm.s32 $0x0;
	(ifvalue) =	ssetifvalue $0xFFFFFFFF  }
0x42: {  	[tilespmem:s17], [sflag:$0x2] =	stream.indirect.gather [hbm4b:s5+s13], $0x1, s16, s13, $0x40b8;
	[tilespmem:$0x14380] =	vst v63  }
.LBB2_6:
0x43: {  	s0 =	smul.u32 $0x1C0, s25  }
0x44: {  	s1 =	rddreg [dreg:$0x3]  }
0x45: {  	s2 =	rddreg [dreg:$0x1];
	s1 =	sadd.s32 s1, s0  }
0x46: {  	[dreg:$0xa] =	wrdreg s1;
	s1 =	sshrl.u32 s1, $0x3  }
0x47: {  	s4 =	simm.s32 $0x0;
	s1 =	sadd.s32 s2, s1  }
0x48: {  	[tilespmem:s4], [sflag:$0x3] =	stream.linear.gather [hbm4b:s1+s4], $0x1C0, $0x38;
	[tilespmem:$0x14380] =	vst v63  }
0x49: {  	_ =	swait.ge [sflag:s12], $0x1C0  }
0x4a: {  	s29 =	rddreg [dreg:$0x6]  }
0x4b: {  	s1 =	sadd.s32 s0, s29  }
0x4c: {  	[sflag:s12] =	ssyncset.done $0x0;
	s1 =	sshrl.u32 s1, $0x3  }
0x4d: {  	s3 =	simm.s32 $0x200;
	[sflag:s12] =	ssyncadd.s32 $0xFFFFFE40;
	s1 =	sadd.s32 s2, s1  }
0x4e: {  	[tilespmem:s3], [sflag:$0x3] =	stream.linear.gather [hbm4b:s1+s4], $0x1C0, $0x38;
	[tilespmem:$0x14380] =	vst v63  }
0x4f: {  	_ =	swait.ge [sflag:s12], $0x1C0  }
0x50: {  	s30 =	rddreg [dreg:$0x7]  }
0x51: {  	s0 =	sadd.s32 s0, s30  }
0x52: {  	[sflag:s12] =	ssyncset.done $0x0;
	s0 =	sshrl.u32 s0, $0x3  }
0x53: {  	s31 =	simm.s32 $0x400;
	[sflag:s12] =	ssyncadd.s32 $0xFFFFFE40;
	s0 =	sadd.s32 s2, s0  }
0x54: {  	[tilespmem:s31], [sflag:$0x3] =	stream.linear.gather [hbm4b:s0+s4], $0x1C0, $0x38;
	[tilespmem:$0x14380] =	vst v63  }
0x55: {  	_ =	swait.ge [sflag:s12], $0x1C0  }
0x56: {  	[sflag:s12] =	ssyncset.done $0x0  }
0x57: {  	s28 =	simm.s32 $0x0;
	[sflag:s12] =	ssyncadd.s32 $0xFFFFFE40  }
.LBB2_7:
0x58: {  	s29 =	sshll.u32 s28, $0x1;
	_ =	swait.ge [sflag:s20], $0xE00  }
0x59: {  	s1 =	simm.s32 $0x4A90;
	[sflag:s20] =	ssyncset.done $0x0;
	s0 =	smax.u32 s29, $0x2  }
0x5a: {  	[sflag:s20] =	ssyncadd.s32 $0xFFFFF200;
	s2 =	sshll.u32 s0, $0x1;
	s0 =	simm.s32 $0x0  }
0x5b: {  	s3 =	simm.s32 $0x10;
	s4 =	sand.u32 $0xC00, s0;
	v9 =	vld [tilespmem:s1+$0x540]  }
0x5c: {  	s9 =	sand.u32 $0x70, s3;
	s6 =	sadd.s32 $0xFFFFFFFC, s2;
	v4 =	vmov s0;
	v10 =	vld [tilespmem:s1+$0xFFFFF900];
	s8 =	sor.u32 $0x2380, s4  }
0x5d: {  	v59 =	vld [tilespmem:s1+$0xFFFFF8F0];
	v5 =	vmov s6;
	v4 =	vshll.u32 v4, $0x7;
	s4 =	sor.u32 s9, s8  }
0x5e: {  	p0 =	seq.s32 s28, $0x0;
	v6 =	vand.u32 $0xFFFFFF80, v5;
	v4 =	vor.u32 v3, v4;
	v11 =	vld [tilespmem:s4+$0x0]  }
0x5f: {  	v12 =	vld [tilespmem:s1+$0xFFFFFAC0];
	v7 =	vand.u32 $0x7C, v5;
	v5 =	vmov s3;
	v4 =	vpsel p0, $0xE000, v4  }
0x60: {  	v8 =	vor.u32 $0x1, v7;
	v13 =	vshll.u32 v5, $0x7;
	v14 =	vld [tilespmem:s4+$0x80];
	v4 =	vadd.s32 v6, v4  }
0x61: {  	v15 =	vld [tilespmem:s1+$0xFFFFFC80];
	v13 =	vor.u32 v3, v13;
	v5 =	vor.u32 v7, v4;
	v16 =	vunpack.i.l.bf16.f32 v10  }
0x62: {  	v17 =	vld [tilespmem:s4+$0x100];
	v18 =	vunpack.i.u.bf16.f32 v9;
	v13 =	vpsel p0, $0xE000, v13;
	v10 =	vunpack.i.u.bf16.f32 v10  }
0x63: {  	v19 =	vld [tilespmem:s1+$0xFFFFFE40];
	v9 =	vunpack.i.l.bf16.f32 v9;
	v60 =	vunpack.i.l.bf16.f32 v59;
	v16 =	vmul.f32 v16, v11  }
0x64: {  	v20 =	vld [tilespmem:s4+$0x180];
	v13 =	vadd.s32 v6, v13;
	v10 =	vmul.f32 v10, v11;
	v11 =	vunpack.i.l.bf16.f32 v12  }
0x65: {  	s10 =	sand.u32 $0x7, s0;
	v21 =	vld [tilespmem:s1+$0x0];
	v12 =	vunpack.i.u.bf16.f32 v12;
	v11 =	vmul.f32 v11, v14;
	v16 =	vadd.f32 $0.0e+00, v16  }
0x66: {  	s6 =	sshll.u32 s10, $0x4;
	v22 =	vld [tilespmem:s4+$0x200];
	v12 =	vmul.f32 v12, v14;
	v14 =	vunpack.i.l.bf16.f32 v15;
	v10 =	vadd.f32 $0.0e+00, v10  }
0x67: {  	s6 =	sadd.s32 $0x0, s6;
	v15 =	vunpack.i.u.bf16.f32 v15;
	v14 =	vmul.f32 v14, v17;
	v11 =	vadd.f32 v11, v16;
	v16 =	vld [tilespmem:s1+$0x1C0]  }
0x68: {  	s18 =	sadd.s32 $0x10, s6;
	v10 =	vadd.f32 v12, v10;
	v12 =	vmul.f32 v15, v17;
	v15 =	vunpack.i.l.bf16.f32 v19;
	v17 =	vld [tilespmem:s4+$0x280]  }
0x69: {  	s4 =	sor.u32 $0x300, s18;
	v15 =	vmul.f32 v15, v20;
	v11 =	vadd.f32 v14, v11;
	v14 =	vunpack.i.u.bf16.f32 v19;
	v19 =	vld [tilespmem:s1+$0x380]  }
0x6a: {  	s3 =	sor.u32 s3, s0;
	v10 =	vadd.f32 v12, v10;
	v12 =	vmul.f32 v14, v20;
	v14 =	vunpack.i.l.bf16.f32 v21;
	v20 =	vld [tilespmem:s4+$0x2380]  }
0x6b: {  	s3 =	sor.u32 $0x380, s3;
	v11 =	vadd.f32 v15, v11;
	v15 =	vunpack.i.u.bf16.f32 v21;
	v14 =	vmul.f32 v14, v22  }
0x6c: {  	s19 =	sand.u32 $0x60, s0;
	v58 =	vld [tilespmem:s3+$0x2380];
	v10 =	vadd.f32 v12, v10;
	v12 =	vmul.f32 v15, v22;
	v15 =	vunpack.i.l.bf16.f32 v16  }
0x6d: {  	s2 =	sor.u32 s19, s8;
	v11 =	vadd.f32 v14, v11;
	v14 =	vunpack.i.u.bf16.f32 v16;
	v15 =	vmul.f32 v15, v17  }
0x6e: {  	v16 =	vld [tilespmem:s2+$0x0];
	v10 =	vadd.f32 v12, v10;
	v12 =	vmul.f32 v14, v17;
	v14 =	vunpack.i.l.bf16.f32 v19  }
0x6f: {  	v17 =	vld [tilespmem:s1+$0xFFFFFAB0];
	v11 =	vadd.f32 v15, v11;
	v15 =	vunpack.i.u.bf16.f32 v19;
	v14 =	vmul.f32 v14, v20  }
0x70: {  	s23 =	sand.u32 $0x1E0, s0;
	v23 =	vor.u32 v8, v13;
	v19 =	vld [tilespmem:s2+$0x80];
	v10 =	vadd.f32 v12, v10;
	v12 =	vmul.f32 v15, v20  }
0x71: {  	v9 =	vmul.f32 v9, v58;
	v15 =	vor.u32 v7, v13;
	v20 =	vld [tilespmem:s23+$0x4700];
	v11 =	vadd.f32 v14, v11  }
0x72: {  	v13 =	vld [tilespmem:s2+$0x100];
	v14 =	vunpack.i.u.bf16.f32 v59;
	v10 =	vadd.f32 v12, v10;
	v12 =	vmul.f32 v18, v58  }
0x73: {  	v4 =	vor.u32 v8, v4;
	v18 =	vld [tilespmem:s1+$0xFFFFFE30];
	v14 =	vmul.f32 v14, v16;
	v16 =	vmul.f32 v60, v16  }
0x74: {  	v9 =	vadd.f32 v9, v11;
	v11 =	vld [tilespmem:s2+$0x180];
	v61 =	vunpack.i.u.bf16.f32 v17;
	v62 =	vadd.f32 v12, v10  }
0x75: {  	v12 =	vld [tilespmem:s23+$0x4A80];
	v10 =	vadd.f32 $0.0e+00, v14;
	v14 =	vunpack.i.l.bf16.f32 v17;
	v17 =	vmul.f32 v61, v19  }
0x76: {  	s24 =	sand.u32 $0x3, s0;
	v63 =	vld [tilespmem:s2+$0x200];
	v16 =	vadd.f32 $0.0e+00, v16;
	v14 =	vmul.f32 v14, v19;
	v19 =	vunpack.i.u.bf16.f32 v20  }
0x77: {  	v24 =	vld [tilespmem:s1+$0x1B0];
	s4 =	sshll.u32 s24, $0x5;
	v20 =	vunpack.i.l.bf16.f32 v20;
	v17 =	vadd.f32 v17, v10;
	v19 =	vmul.f32 v19, v13  }
0x78: {  	s26 =	sadd.s32 $0x0, s4;
	v10 =	vld [tilespmem:s2+$0x280];
	v14 =	vadd.f32 v14, v16;
	v16 =	vmul.f32 v20, v13;
	v13 =	vunpack.i.u.bf16.f32 v18  }
0x79: {  	s2 =	sor.u32 $0x300, s26;
	v18 =	vunpack.i.l.bf16.f32 v18;
	v17 =	vadd.f32 v19, v17;
	v19 =	vmul.f32 v13, v11;
	v13 =	vld [tilespmem:s23+$0x4E00]  }
0x7a: {  	v14 =	vadd.f32 v16, v14;
	v16 =	vmul.f32 v18, v11;
	v18 =	vunpack.i.u.bf16.f32 v12;
	v11 =	vld [tilespmem:s2+$0x2380]  }
0x7b: {  	s30 =	sor.u32 s0, s0;
	v17 =	vadd.f32 v19, v17;
	v19 =	vunpack.i.l.bf16.f32 v12;
	v18 =	vmul.f32 v18, v63  }
0x7c: {  	s7 =	simm.s32 $0x0;
	s31 =	sor.u32 $0x380, s30;
	[tilespmem:v15+s21+$0x0] =	vst.idx.msk $0xffff, v9;
	v12 =	vld [tilespmem:s1+$0x530];
	v14 =	vadd.f32 v16, v14;
	v16 =	vmul.f32 v19, v63;
	v19 =	vunpack.i.u.bf16.f32 v24  }
0x7d: {  	s6 =	simm.s32 $0x0;
	s3 =	simm.s32 $0x0;
	s4 =	simm.s32 $0x1;
	v9 =	vld [tilespmem:s31+$0x2380];
	[tilespmem:v23+s21+$0x0] =	vst.idx.msk $0xffff, v62;
	v15 =	vadd.f32 v18, v17;
	v18 =	vunpack.i.l.bf16.f32 v24;
	v17 =	vmul.f32 v19, v10  }
.LBB2_8:
0x7e: {  	s2 =	sand.u32 $0x3, s4;
	v14 =	vadd.f32 v16, v14;
	v10 =	vmul.f32 v18, v10;
	v16 =	vunpack.i.u.bf16.f32 v13  }
0x7f: {  	v13 =	vunpack.i.l.bf16.f32 v13;
	s0 =	sadd.s32 $0x100, s0;
	s6 =	sadd.s32 $0x20, s6;
	s8 =	sshll.u32 s2, $0x5;
	v15 =	vadd.f32 v17, v15;
	v16 =	vmul.f32 v16, v11  }
0x80: {  	s1 =	sadd.s32 $0x20, s1;
	v17 =	vmov s6;
	s2 =	sand.u32 $0xC00, s0;
	s19 =	sadd.s32 $0x10, s6;
	v11 =	vmul.f32 v13, v11;
	v10 =	vadd.f32 v10, v14  }
0x81: {  	s3 =	sadd.s32 $0x2, s3;
	v13 =	vshll.u32 v17, $0x7;
	s9 =	sor.u32 $0x2380, s2;
	s2 =	sand.u32 $0x70, s19;
	v17 =	vunpack.i.u.bf16.f32 v12;
	v12 =	vunpack.i.l.bf16.f32 v12;
	v14 =	vld [tilespmem:s1+$0x540]  }
0x82: {  	s10 =	sand.u32 $0x60, s6;
	p1 =	slt.u32 s3, $0x1A;
	s2 =	sor.u32 s2, s9;
	v12 =	vmul.f32 v12, v9;
	v18 =	vld [tilespmem:s1+$0xFFFFF900];
	v10 =	vadd.f32 v11, v10;
	v11 =	vadd.f32 v16, v15  }
0x83: {  	s8 =	sadd.s32 s8, s0;
	s18 =	sor.u32 s10, s9;
	s9 =	sand.u32 $0x1E0, s6;
	v13 =	vor.u32 v3, v13;
	v9 =	vmul.f32 v17, v9;
	v15 =	vld [tilespmem:s2+$0x0]  }
0x84: {  	s10 =	sor.u32 $0x300, s8;
	s8 =	sor.u32 s6, s0;
	v13 =	vpsel p0, $0xE000, v13;
	v16 =	vmov s19;
	v17 =	vld [tilespmem:s1+$0xFFFFFAC0];
	v10 =	vadd.f32 v12, v10  }
0x85: {  	s8 =	sor.u32 $0x380, s8;
	v12 =	vadd.s32 v6, v13;
	v13 =	vshll.u32 v16, $0x7;
	v9 =	vadd.f32 v9, v11;
	v16 =	vld [tilespmem:s2+$0x80]  }
0x86: {  	v11 =	vor.u32 v7, v12;
	v12 =	vor.u32 v8, v12;
	v13 =	vor.u32 v3, v13;
	v19 =	vld [tilespmem:s1+$0xFFFFFC80]  }
0x87: {  	v22 =	vunpack.i.u.bf16.f32 v14;
	v13 =	vpsel p0, $0xE000, v13;
	v20 =	vunpack.i.l.bf16.f32 v18;
	v21 =	vld [tilespmem:s2+$0x100];
	[tilespmem:v5+s21+$0x0] =	vst.idx.msk $0xffff, v10;
	v5 =	vmovc v11  }
0x88: {  	v14 =	vunpack.i.l.bf16.f32 v14;
	v10 =	vunpack.i.u.bf16.f32 v18;
	v11 =	vmul.f32 v20, v15;
	v18 =	vld [tilespmem:s1+$0xFFFFFE40];
	[tilespmem:v4+s21+$0x0] =	vst.idx.msk $0xffff, v9;
	v4 =	vmovc v12  }
0x89: {  	s7 =	sadd.s32 $0x2, s7;
	v13 =	vadd.s32 v6, v13;
	v9 =	vmul.f32 v10, v15;
	v10 =	vunpack.i.l.bf16.f32 v17;
	v12 =	vld [tilespmem:s2+$0x180]  }
0x8a: {  	s23 =	sand.u32 $0x7, s7;
	v15 =	vunpack.i.u.bf16.f32 v17;
	v11 =	vadd.f32 $0.0e+00, v11;
	v10 =	vmul.f32 v10, v16;
	v17 =	vld [tilespmem:s1+$0x0]  }
0x8b: {  	s23 =	sshll.u32 s23, $0x4;
	v9 =	vadd.f32 $0.0e+00, v9;
	v15 =	vmul.f32 v15, v16;
	v16 =	vunpack.i.l.bf16.f32 v19;
	v20 =	vld [tilespmem:s2+$0x200]  }
0x8c: {  	s23 =	sadd.s32 s0, s23;
	v10 =	vadd.f32 v10, v11;
	v11 =	vunpack.i.u.bf16.f32 v19;
	v16 =	vmul.f32 v16, v21;
	v19 =	vld [tilespmem:s1+$0x1C0]  }
0x8d: {  	v9 =	vadd.f32 v15, v9;
	v11 =	vmul.f32 v11, v21;
	v15 =	vunpack.i.l.bf16.f32 v18;
	v21 =	vld [tilespmem:s2+$0x280];
	s2 =	sadd.s32 $0x10, s23  }
0x8e: {  	v10 =	vadd.f32 v16, v10;
	v16 =	vunpack.i.u.bf16.f32 v18;
	v15 =	vmul.f32 v15, v12;
	s2 =	sor.u32 $0x300, s2;
	v18 =	vld [tilespmem:s1+$0x380]  }
0x8f: {  	v9 =	vadd.f32 v11, v9;
	v11 =	vmul.f32 v16, v12;
	v12 =	vunpack.i.l.bf16.f32 v17;
	v16 =	vld [tilespmem:s2+$0x2380];
	s2 =	sor.u32 s19, s0  }
0x90: {  	v23 =	vld [tilespmem:s1+$0xFFFFF8F0];
	v10 =	vadd.f32 v15, v10;
	v15 =	vunpack.i.u.bf16.f32 v17;
	v12 =	vmul.f32 v12, v20;
	s2 =	sor.u32 $0x380, s2  }
0x91: {  	v9 =	vadd.f32 v11, v9;
	v11 =	vmul.f32 v15, v20;
	v15 =	vunpack.i.l.bf16.f32 v19;
	v17 =	vld [tilespmem:s2+$0x2380]  }
0x92: {  	v20 =	vld [tilespmem:s18+$0x0];
	v10 =	vadd.f32 v12, v10;
	v12 =	vunpack.i.u.bf16.f32 v19;
	v15 =	vmul.f32 v15, v21  }
0x93: {  	v19 =	vld [tilespmem:s1+$0xFFFFFAB0];
	v9 =	vadd.f32 v11, v9;
	v11 =	vmul.f32 v12, v21;
	v12 =	vunpack.i.l.bf16.f32 v18  }
0x94: {  	v21 =	vld [tilespmem:s18+$0x80];
	v10 =	vadd.f32 v15, v10;
	v15 =	vunpack.i.u.bf16.f32 v18;
	v12 =	vmul.f32 v12, v16  }
0x95: {  	v18 =	vld [tilespmem:s9+$0x4700];
	v9 =	vadd.f32 v11, v9;
	v11 =	vmul.f32 v15, v16;
	v15 =	vor.u32 v7, v13  }
0x96: {  	v13 =	vor.u32 v8, v13;
	v16 =	vld [tilespmem:s18+$0x100];
	v10 =	vadd.f32 v12, v10;
	v12 =	vmul.f32 v14, v17  }
0x97: {  	v14 =	vunpack.i.u.bf16.f32 v23;
	v24 =	vld [tilespmem:s1+$0xFFFFFE30];
	v9 =	vadd.f32 v11, v9;
	v11 =	vmul.f32 v22, v17  }
0x98: {  	v17 =	vunpack.i.l.bf16.f32 v23;
	v14 =	vmul.f32 v14, v20;
	v22 =	vld [tilespmem:s18+$0x180];
	v10 =	vadd.f32 v12, v10  }
0x99: {  	v12 =	vmul.f32 v17, v20;
	v17 =	vunpack.i.u.bf16.f32 v19;
	v20 =	vld [tilespmem:s9+$0x4A80];
	v9 =	vadd.f32 v11, v9  }
0x9a: {  	v11 =	vadd.f32 $0.0e+00, v14;
	v14 =	vunpack.i.l.bf16.f32 v19;
	v17 =	vmul.f32 v17, v21;
	v19 =	vld [tilespmem:s18+$0x200];
	[tilespmem:v15+s21+$0x0] =	vst.idx.msk $0xffff, v10  }
0x9b: {  	v12 =	vadd.f32 $0.0e+00, v12;
	v14 =	vmul.f32 v14, v21;
	v10 =	vunpack.i.u.bf16.f32 v18;
	v21 =	vld [tilespmem:s1+$0x1B0];
	[tilespmem:v13+s21+$0x0] =	vst.idx.msk $0xffff, v9  }
0x9c: {  	v9 =	vadd.f32 v17, v11;
	v11 =	vunpack.i.l.bf16.f32 v18;
	v15 =	vmul.f32 v10, v16;
	v10 =	vld [tilespmem:s18+$0x280]  }
0x9d: {  	v12 =	vadd.f32 v14, v12;
	v14 =	vmul.f32 v11, v16;
	v11 =	vunpack.i.u.bf16.f32 v24;
	v13 =	vld [tilespmem:s9+$0x4E00]  }
.Ltmp2:
0x9e: {  	v9 =	vadd.f32 v15, v9;
	v15 =	vunpack.i.l.bf16.f32 v24;
	v16 =	vmul.f32 v11, v22;
	v11 =	vld [tilespmem:s10+$0x2380];
	(pc) =	sbr.rel @p1 .LBB2_8-.Ltmp2, $4  }
0x9f: {  	v14 =	vadd.f32 v14, v12;
	v15 =	vmul.f32 v15, v22;
	v17 =	vunpack.i.u.bf16.f32 v20;
	v12 =	vld [tilespmem:s1+$0x530]  }
0xa0: {  	v18 =	vadd.f32 v16, v9;
	v16 =	vunpack.i.l.bf16.f32 v20;
	v17 =	vmul.f32 v17, v19;
	v9 =	vld [tilespmem:s8+$0x2380]  }
0xa1: {  	v14 =	vadd.f32 v15, v14;
	v16 =	vmul.f32 v16, v19;
	v19 =	vunpack.i.u.bf16.f32 v21  }
0xa2: {  	s4 =	sadd.s32 $0x1, s4;
	v15 =	vadd.f32 v17, v18;
	v18 =	vunpack.i.l.bf16.f32 v21;
	v17 =	vmul.f32 v19, v10  }
0xa3: {  	v6 =	vadd.f32 v16, v14;
	v7 =	vmul.f32 v18, v10;
	v8 =	vunpack.i.u.bf16.f32 v13;
	s30 =	sand.u32 $0x3E, s29  }
0xa4: {  	v13 =	vunpack.i.l.bf16.f32 v13;
	v10 =	vadd.f32 v17, v15;
	v14 =	vmov s30  }
0xa5: {  	v6 =	vadd.f32 v7, v6;
	v7 =	vmul.f32 v13, v11;
	v13 =	vmul.u32 $0x6, v14  }
0xa6: {  	v8 =	vmul.f32 v8, v11;
	v11 =	vunpack.i.u.bf16.f32 v12;
	v12 =	vunpack.i.l.bf16.f32 v12  }
0xa7: {  	v6 =	vadd.f32 v7, v6;
	v7 =	vmul.f32 v12, v9;
	v12 =	vbroadcast v13, $0x0  }
0xa8: {  	v8 =	vadd.f32 v8, v10;
	v9 =	vmul.f32 v11, v9  }
0xa9: {  	v6 =	vadd.f32 v7, v6  }
0xaa: {  	v8 =	vadd.f32 v9, v8  }
0xab: {  	v7 =	vor.u32 $0x1, v12;
	[tilespmem:v5+s21+$0x0] =	vst.idx.msk $0xffff, v6  }
0xac: {  	v9 =	vor.u32 $0x2, v12;
	[tilespmem:v4+s21+$0x0] =	vst.idx.msk $0xffff, v8  }
0xad: {  	s0 =	simm.s32 $0x410;
	v10 =	vor.u32 $0x3, v12;
	v4 =	vld.idx.msk [tilespmem:v12+s11+$0x0], $0xffff  }
0xae: {  	s31 =	simm.s32 $0x210;
	v11 =	vadd.s32 $0x5, v12;
	v8 =	vadd.s32 $0x4, v12;
	v12 =	vld [tilespmem:s0+$0x0]  }
0xaf: {  	v13 =	vld [tilespmem:s31+$0xFFFFFFF0]  }
0xb0: {  	v5 =	vld.idx.msk [tilespmem:v7+s11+$0x0], $0xffff  }
0xb1: {  	v6 =	vld.idx.msk [tilespmem:v9+s11+$0x0], $0xffff  }
0xb2: {  	v7 =	vld.idx.msk [tilespmem:v10+s11+$0x0], $0xffff  }
0xb3: {  	s1 =	simm.s32 $0x10;
	v9 =	vld.idx.msk [tilespmem:v11+s11+$0x0], $0xffff  }
0xb4: {  	v10 =	vld [tilespmem:s1+$0x0]  }
0xb5: {  	v11 =	vld [tilespmem:s31+$0x0]  }
0xb6: {  	v14 =	vld [tilespmem:s0+$0xFFFFFFF0]  }
0xb7: {  	v8 =	vld.idx.msk [tilespmem:v8+s11+$0x0], $0xffff  }
0xb8: {  	v15 =	vld [tilespmem:s1+$0xFFFFFFF0];
	_ =	sdelay $0x1  }
0xb9: {  	v10 =	vmul.f32 v10, v4;
	v11 =	vmul.f32 v11, v6  }
0xba: {  	v13 =	vmul.f32 v13, v6  }
0xbb: {  	v16 =	vadd.f32 v10, v5;
	v11 =	vadd.f32 v11, v7;
	v12 =	vmul.f32 v12, v8  }
0xbc: {  	v10 =	vmul.f32 v14, v8;
	v14 =	vmul.f32 v15, v4  }
0xbd: {  	v13 =	vadd.f32 v13, v7;
	v15 =	vtrunc.f32 v16;
	v17 =	vtrunc.f32 v11  }
0xbe: {  	v12 =	vadd.f32 v12, v9;
	v15 =	vcvt.f32.s32 v15;
	v17 =	vcvt.f32.s32 v17  }
0xbf: {  	v19 =	vadd.f32 v10, v9;
	v10 =	vadd.f32 v14, v5;
	v14 =	vtrunc.f32 v13  }
0xc0: {  	v14 =	vcvt.f32.s32 v14;
	v18 =	vtrunc.f32 v12  }
0xc1: {  	v15 =	vcvt.s32.f32 v15;
	v17 =	vcvt.s32.f32 v17  }
0xc2: {  	v20 =	vtrunc.f32 v19;
	v18 =	vcvt.f32.s32 v18  }
0xc3: {  	v20 =	vcvt.f32.s32 v20;
	v14 =	vcvt.s32.f32 v14  }
0xc4: {  	v21 =	vadd.f32 $-1.000000000e+00, v15;
	v22 =	vadd.f32 $-1.000000000e+00, v17;
	v18 =	vcvt.s32.f32 v18  }
0xc5: {  	vm0 =	vlt.f32 v16, v15;
	vm1 =	vlt.f32 v11, v17;
	v20 =	vcvt.s32.f32 v20  }
0xc6: {  	v15 =	vsel vm0, v21, v15;
	v17 =	vsel vm1, v22, v17;
	v23 =	vadd.f32 $-1.000000000e+00, v18  }
0xc7: {  	vm6 =	vlt.f32 v12, v18;
	v16 =	vsub.f32 v16, v15;
	v22 =	vadd.f32 $1.000000000e+00, v15  }
0xc8: {  	v21 =	vmax.f32 v15, $0.0e+00;
	v11 =	vsub.f32 v11, v17;
	v24 =	vadd.f32 $1.000000000e+00, v17  }
0xc9: {  	v21 =	vmin.f32 v21, $6.300000000e+01;
	v18 =	vsel vm6, v23, v18;
	v23 =	vmax.f32 v17, $0.0e+00  }
0xca: {  	vm7 =	veq.f32 v15, v21;
	v15 =	vtrunc.f32 v21;
	v48 =	vsub.f32 $1.000000000e+00, v16  }
0xcb: {  	v29 =	vmax.f32 v22, $0.0e+00;
	vm6 =	vlt.f32 v13, v14;
	v12 =	vsub.f32 v12, v18  }
0xcc: {  	v25 =	vmax.f32 v18, $0.0e+00;
	v23 =	vmin.f32 v23, $6.300000000e+01;
	v26 =	vadd.f32 $1.000000000e+00, v18  }
0xcd: {  	v15 =	vcvt.f32.s32 v15;
	v29 =	vmin.f32 v29, $6.300000000e+01;
	v21 =	vmin.f32 v25, $6.300000000e+01  }
0xce: {  	v27 =	vtrunc.f32 v23;
	vm1 =	veq.f32 v17, v23;
	v17 =	vmax.f32 v24, $0.0e+00  }
0xcf: {  	v25 =	vnsel vm7, $0x0, v48;
	v30 =	vtrunc.f32 v29;
	vm8 =	veq.f32 v22, v29  }
0xd0: {  	vm7 =	vlt.f32 v19, v20;
	v28 =	vtrunc.f32 v21;
	vm2 =	veq.f32 v18, v21  }
0xd1: {  	v18 =	vsub.f32 $1.000000000e+00, v11;
	v21 =	vsub.f32 $1.000000000e+00, v12;
	v23 =	vcvt.f32.s32 v27  }
0xd2: {  	v49 =	vmax.f32 v26, $0.0e+00;
	v17 =	vmin.f32 v17, $6.300000000e+01;
	v50 =	vcvt.f32.s32 v30  }
0xd3: {  	v16 =	vnsel vm8, $0x0, v16;
	v28 =	vcvt.f32.s32 v28;
	v27 =	vmin.f32 v49, $6.300000000e+01  }
0xd4: {  	v22 =	vtrunc.f32 v17;
	vm9 =	veq.f32 v24, v17;
	v18 =	vnsel vm1, $0x0, v18  }
0xd5: {  	v17 =	vnsel vm2, $0x0, v21;
	v21 =	vtrunc.f32 v27;
	vm10 =	veq.f32 v26, v27  }
0xd6: {  	v23 =	vshll.u32 v23, $0x6;
	v11 =	vnsel vm9, $0x0, v11;
	v22 =	vcvt.f32.s32 v22  }
0xd7: {  	v51 =	vmul.f32 v17, v18;
	v52 =	vshll.u32 v28, $0xC;
	v21 =	vcvt.f32.s32 v21  }
0xd8: {  	v17 =	vmul.f32 v11, v17;
	v12 =	vnsel vm10, $0x0, v12;
	v54 =	vadd.s32 v23, v52  }
0xd9: {  	v22 =	vshll.u32 v22, $0x6;
	v18 =	vmul.f32 v12, v18;
	v11 =	vmul.f32 v12, v11  }
0xda: {  	v53 =	vmul.f32 v51, v25;
	v55 =	vadd.s32 v15, v54;
	v26 =	vmul.f32 v51, v16  }
0xdb: {  	v29 =	vadd.s32 v50, v54;
	v31 =	vmul.f32 v17, v25;
	v27 =	vadd.s32 v22, v52  }
0xdc: {  	v17 =	vmul.f32 v17, v16;
	v21 =	vshll.u32 v21, $0xC;
	v32 =	vadd.s32 v15, v27  }
0xdd: {  	v27 =	vadd.s32 v50, v27;
	v33 =	vmul.f32 v18, v25;
	v34 =	vmul.f32 v18, v16  }
0xde: {  	v23 =	vadd.s32 v23, v21;
	v18 =	vtrunc.f32 v10;
	v25 =	vmul.f32 v11, v25  }
0xdf: {  	v21 =	vadd.s32 v22, v21;
	vm11 =	vgt.f32 v53, $0.0e+00;
	vm12 =	vgt.f32 v26, $0.0e+00  }
0xe0: {  	vm13 =	vgt.f32 v31, $0.0e+00;
	vm14 =	vgt.f32 v17, $0.0e+00;
	v12 =	vadd.s32 v15, v23  }
0xe1: {  	v23 =	vadd.s32 v50, v23;
	v15 =	vadd.s32 v15, v21;
	v18 =	vcvt.f32.s32 v18  }
0xe2: {  	v30 =	vnsel vm11, $0xFFFFFFFF, v55;
	v29 =	vnsel vm12, $0xFFFFFFFF, v29;
	v32 =	vnsel vm13, $0xFFFFFFFF, v32  }
0xe3: {  	vm15 =	vgt.f32 v33, $0.0e+00;
	vm4 =	vgt.f32 v34, $0.0e+00;
	vm5 =	vgt.f32 v25, $0.0e+00  }
0xe4: {  	v22 =	vnsel vm4, $0xFFFFFFFF, v23;
	v23 =	vmul.f32 v11, v16;
	v11 =	vadd.f32 $-1.000000000e+00, v14  }
0xe5: {  	v35 =	vnsel vm5, $0xFFFFFFFF, v15;
	v15 =	vcvt.s32.f32 v18;
	v16 =	vadd.f32 $-1.000000000e+00, v20  }
0xe6: {  	v27 =	vnsel vm14, $0xFFFFFFFF, v27;
	v12 =	vnsel vm15, $0xFFFFFFFF, v12;
	v18 =	vadd.s32 v50, v21  }
0xe7: {  	s6 =	simm.s32 $0x0;
	v11 =	vsel vm6, v11, v14;
	v14 =	vadd.f32 $-1.000000000e+00, v15;
	v16 =	vsel vm7, v16, v20  }
0xe8: {  	s2 =	simm.s32 $0x10;
	s3 =	sand.u32 $0xC00, s6;
	vm8 =	vlt.f32 v10, v15;
	v21 =	vadd.f32 $1.000000000e+00, v11;
	v13 =	vsub.f32 v13, v11  }
0xe9: {  	s4 =	sand.u32 $0x70, s2;
	s3 =	sor.u32 $0x2380, s3;
	s1 =	simm.s32 $0xE90;
	vm14 =	vgt.f32 v23, $0.0e+00;
	v20 =	vadd.f32 $1.000000000e+00, v16;
	v19 =	vsub.f32 v19, v16  }
0xea: {  	s4 =	sor.u32 s4, s3;
	[tilespmem:s1+$0xFFFFF900] =	vst v30;
	v36 =	vmax.f32 v11, $0.0e+00;
	v60 =	vnsel vm14, $0xFFFFFFFF, v18;
	v14 =	vsel vm8, v14, v15  }
0xeb: {  	[tilespmem:s4+$0x0] =	vst v53;
	v36 =	vmin.f32 v36, $6.300000000e+01;
	v15 =	vmax.f32 v21, $0.0e+00;
	v56 =	vadd.f32 $1.000000000e+00, v14  }
0xec: {  	[tilespmem:s1+$0xFFFFFAC0] =	vst v29;
	v37 =	vmax.f32 v20, $0.0e+00;
	vm10 =	veq.f32 v11, v36;
	v11 =	vsub.f32 $1.000000000e+00, v13  }
0xed: {  	[tilespmem:s4+$0x80] =	vst v26;
	v10 =	vsub.f32 v10, v14;
	v57 =	vmax.f32 v14, $0.0e+00;
	v59 =	vtrunc.f32 v36  }
0xee: {  	[tilespmem:s1+$0xFFFFFC80] =	vst v32;
	v15 =	vmin.f32 v15, $6.300000000e+01;
	v37 =	vmin.f32 v37, $6.300000000e+01;
	v24 =	vmin.f32 v57, $6.300000000e+01  }
0xef: {  	[tilespmem:s4+$0x100] =	vst v31;
	vm9 =	veq.f32 v21, v15;
	v21 =	vmax.f32 v16, $0.0e+00;
	vm11 =	veq.f32 v20, v37  }
0xf0: {  	[tilespmem:s1+$0xFFFFFE40] =	vst v27;
	v20 =	vmax.f32 v56, $0.0e+00;
	v11 =	vnsel vm10, $0x0, v11;
	v15 =	vtrunc.f32 v15  }
0xf1: {  	v58 =	vtrunc.f32 v37;
	vm15 =	veq.f32 v14, v24;
	[tilespmem:s4+$0x180] =	vst v17;
	v17 =	vsub.f32 $1.000000000e+00, v10  }
0xf2: {  	v24 =	vtrunc.f32 v24;
	v21 =	vmin.f32 v21, $6.300000000e+01;
	v13 =	vnsel vm9, $0x0, v13  }
0xf3: {  	v20 =	vmin.f32 v20, $6.300000000e+01;
	v15 =	vcvt.f32.s32 v15;
	v26 =	vcvt.f32.s32 v58  }
0xf4: {  	[tilespmem:s1+$0x0] =	vst v12;
	v12 =	vcvt.f32.s32 v59;
	vm12 =	veq.f32 v16, v21;
	v16 =	vsub.f32 $1.000000000e+00, v19  }
0xf5: {  	vm13 =	veq.f32 v56, v20;
	v19 =	vnsel vm11, $0x0, v19;
	v21 =	vtrunc.f32 v21  }
0xf6: {  	v20 =	vtrunc.f32 v20;
	v21 =	vcvt.f32.s32 v21;
	v16 =	vnsel vm12, $0x0, v16  }
0xf7: {  	s7 =	sand.u32 $0x7, s6;
	v61 =	vnsel vm15, $0x0, v17;
	v14 =	vmul.f32 v13, v16;
	v13 =	vmul.f32 v19, v13  }
0xf8: {  	s10 =	simm.s32 $0x0;
	s7 =	sshll.u32 s7, $0x4;
	[tilespmem:s4+$0x200] =	vst v33;
	v10 =	vnsel vm13, $0x0, v10;
	v19 =	vmul.f32 v19, v11;
	v11 =	vmul.f32 v16, v11  }
0xf9: {  	s8 =	sand.u32 $0x3, s6;
	s19 =	sand.u32 $0x60, s6;
	s7 =	sadd.s32 $0x0, s7;
	[tilespmem:s1+$0x1C0] =	vst v22;
	v62 =	vshll.u32 v15, $0x6;
	v18 =	vmul.f32 v14, v61;
	v17 =	vmul.f32 v14, v10  }
0xfa: {  	s24 =	sor.u32 s6, s6;
	s2 =	sor.u32 s2, s6;
	s23 =	sadd.s32 $0x10, s7;
	v26 =	vshll.u32 v26, $0xC;
	[tilespmem:s4+$0x280] =	vst v34;
	v16 =	vmul.f32 v19, v61;
	v15 =	vmul.f32 v19, v10  }
0xfb: {  	s8 =	sshll.u32 s8, $0x5;
	s18 =	sor.u32 $0x380, s24;
	s26 =	sor.u32 $0x300, s23;
	v12 =	vshll.u32 v12, $0x6;
	[tilespmem:s1+$0x380] =	vst v35;
	v14 =	vmul.f32 v13, v61;
	v13 =	vmul.f32 v13, v10  }
0xfc: {  	s2 =	sor.u32 $0x380, s2;
	s9 =	sadd.s32 $0x0, s8;
	s8 =	sor.u32 s19, s3;
	v63 =	vshll.u32 v21, $0xC;
	[tilespmem:s26+$0x2380] =	vst v25;
	v19 =	vmul.f32 v11, v61;
	v21 =	vmul.f32 v11, v10  }
0xfd: {  	s19 =	simm.s32 $0x0;
	s3 =	simm.s32 $0x0;
	s7 =	simm.s32 $0x0;
	v22 =	vadd.s32 v62, v63;
	[tilespmem:s1+$0x540] =	vst v60;
	v11 =	vcvt.f32.s32 v24;
	v10 =	vcvt.f32.s32 v20  }
0xfe: {  	s23 =	simm.s32 $0x30;
	s4 =	sor.u32 $0x300, s9;
	s9 =	sand.u32 $0x1E0, s6;
	v20 =	vadd.s32 v12, v26;
	[tilespmem:s2+$0x2380] =	vst v23;
	v23 =	vadd.s32 v12, v63;
	v12 =	vadd.s32 v62, v26  }
.LBB2_10:
0xff: {  	v24 =	vld [tilespmem:s23+$0x0];
	vm3 =	vgt.f32 v18, $0.0e+00;
	vm4 =	vgt.f32 v17, $0.0e+00;
	vm5 =	vgt.f32 v16, $0.0e+00;
	s31 =	sadd.s32 $0x20, s31  }
0x100: {  	vm6 =	vgt.f32 v15, $0.0e+00;
	vm7 =	vgt.f32 v14, $0.0e+00;
	vm2 =	vgt.f32 v13, $0.0e+00;
	s0 =	sadd.s32 $0x20, s0;
	v25 =	vld [tilespmem:s31+$0x0]  }
0x101: {  	vm1 =	vgt.f32 v19, $0.0e+00;
	vm0 =	vgt.f32 v21, $0.0e+00;
	v27 =	vadd.s32 v11, v22;
	v26 =	vld [tilespmem:s0+$0x0]  }
0x102: {  	v22 =	vadd.s32 v10, v22;
	v29 =	vadd.s32 v11, v20;
	v20 =	vadd.s32 v10, v20;
	v28 =	vld [tilespmem:s31+$0xFFFFFFF0]  }
0x103: {  	v31 =	vadd.s32 v11, v23;
	v11 =	vadd.s32 v11, v12;
	v12 =	vadd.s32 v10, v12;
	v30 =	vld [tilespmem:s0+$0xFFFFFFF0]  }
0x104: {  	v23 =	vadd.s32 v10, v23;
	v27 =	vnsel vm3, $0xFFFFFFFF, v27;
	v22 =	vnsel vm4, $0xFFFFFFFF, v22;
	v32 =	vld [tilespmem:s23+$0xFFFFFFF0]  }
0x105: {  	v10 =	vmul.f32 v24, v4;
	v24 =	vnsel vm5, $0xFFFFFFFF, v29;
	v29 =	vnsel vm6, $0xFFFFFFFF, v20  }
0x106: {  	v20 =	vmul.f32 v25, v6;
	v25 =	vmul.f32 v26, v8;
	v26 =	vnsel vm7, $0xFFFFFFFF, v11  }
0x107: {  	v33 =	vnsel vm2, $0xFFFFFFFF, v12;
	v11 =	vmul.f32 v28, v6;
	v28 =	vadd.f32 v10, v5  }
0x108: {  	v10 =	vmul.f32 v30, v8;
	v30 =	vadd.f32 v20, v7;
	v25 =	vadd.f32 v25, v9  }
0x109: {  	v20 =	vmul.f32 v32, v4;
	v12 =	vadd.f32 v11, v7;
	v32 =	vtrunc.f32 v28  }
0x10a: {  	v11 =	vadd.f32 v10, v9;
	v34 =	vtrunc.f32 v30;
	v35 =	vtrunc.f32 v25  }
0x10b: {  	v10 =	vadd.f32 v20, v5;
	v20 =	vcvt.f32.s32 v32;
	v32 =	vcvt.f32.s32 v34  }
0x10c: {  	v31 =	vnsel vm1, $0xFFFFFFFF, v31;
	v34 =	vtrunc.f32 v12;
	v35 =	vcvt.f32.s32 v35  }
0x10d: {  	v23 =	vnsel vm0, $0xFFFFFFFF, v23;
	v36 =	vcvt.s32.f32 v20;
	v32 =	vcvt.s32.f32 v32;
	[tilespmem:s1+$0xFFFFF8F0] =	vst v31  }
0x10e: {  	v20 =	vtrunc.f32 v11;
	v31 =	vcvt.s32.f32 v35;
	[tilespmem:s8+$0x0] =	vst v19  }
0x10f: {  	v19 =	vcvt.f32.s32 v34;
	v34 =	vadd.f32 $-1.000000000e+00, v36;
	v35 =	vadd.f32 $-1.000000000e+00, v32;
	[tilespmem:s1+$0xFFFFFAB0] =	vst v23  }
0x110: {  	vm0 =	vlt.f32 v28, v36;
	vm1 =	vlt.f32 v30, v32;
	v23 =	vadd.f32 $-1.000000000e+00, v31;
	[tilespmem:s8+$0x80] =	vst v21  }
0x111: {  	v21 =	vsel vm0, v34, v36;
	v32 =	vsel vm1, v35, v32;
	vm0 =	vlt.f32 v25, v31;
	[tilespmem:s9+$0xB00] =	vst v27  }
0x112: {  	v27 =	vsub.f32 v28, v21;
	v28 =	vmax.f32 v21, $0.0e+00;
	v23 =	vsel vm0, v23, v31;
	[tilespmem:s8+$0x100] =	vst v18  }
0x113: {  	v18 =	vadd.f32 $1.000000000e+00, v21;
	v30 =	vsub.f32 v30, v32;
	v31 =	vmax.f32 v32, $0.0e+00;
	[tilespmem:s1+$0xFFFFFE30] =	vst v22  }
0x114: {  	v22 =	vadd.f32 $1.000000000e+00, v32;
	v25 =	vsub.f32 v25, v23;
	v34 =	vmax.f32 v23, $0.0e+00;
	[tilespmem:s8+$0x180] =	vst v17  }
0x115: {  	v17 =	vmin.f32 v28, $6.300000000e+01;
	v28 =	vmin.f32 v31, $6.300000000e+01;
	v31 =	vadd.f32 $1.000000000e+00, v23;
	[tilespmem:s9+$0xE80] =	vst v24  }
0x116: {  	vm0 =	veq.f32 v21, v17;
	v17 =	vtrunc.f32 v17;
	v21 =	vmin.f32 v34, $6.300000000e+01;
	[tilespmem:s8+$0x200] =	vst v16  }
0x117: {  	s10 =	sadd.s32 $0x2, s10;
	v24 =	vtrunc.f32 v28;
	v16 =	vsub.f32 $1.000000000e+00, v27;
	v34 =	vtrunc.f32 v21;
	[tilespmem:s1+$0x1B0] =	vst v29  }
0x118: {  	p1 =	slt.u32 s10, $0x1A;
	vm1 =	veq.f32 v32, v28;
	vm2 =	veq.f32 v23, v21;
	v29 =	vmax.f32 v18, $0.0e+00;
	[tilespmem:s8+$0x280] =	vst v15  }
0x119: {  	v21 =	vsub.f32 $1.000000000e+00, v30;
	v23 =	vsub.f32 $1.000000000e+00, v25;
	v15 =	vmax.f32 v22, $0.0e+00;
	[tilespmem:s9+$0x1200] =	vst v26  }
0x11a: {  	v17 =	vcvt.f32.s32 v17;
	v24 =	vcvt.f32.s32 v24;
	v26 =	vmax.f32 v31, $0.0e+00;
	[tilespmem:s4+$0x2380] =	vst v14  }
0x11b: {  	v28 =	vcvt.f32.s32 v34;
	v15 =	vmin.f32 v15, $6.300000000e+01;
	v14 =	vmin.f32 v29, $6.300000000e+01;
	[tilespmem:s1+$0x530] =	vst v33  }
0x11c: {  	v16 =	vnsel vm0, $0x0, v16;
	v26 =	vmin.f32 v26, $6.300000000e+01;
	v29 =	vtrunc.f32 v14;
	[tilespmem:s18+$0x2380] =	vst v13  }
0x11d: {  	vm0 =	veq.f32 v18, v14;
	v14 =	vtrunc.f32 v15;
	v13 =	vnsel vm1, $0x0, v21  }
0x11e: {  	v18 =	vtrunc.f32 v26;
	vm1 =	veq.f32 v22, v15;
	v15 =	vnsel vm2, $0x0, v23  }
0x11f: {  	v21 =	vcvt.f32.s32 v29;
	vm2 =	veq.f32 v31, v26;
	v22 =	vmul.f32 v15, v13  }
0x120: {  	s6 =	sadd.s32 $0x1, s6;
	v24 =	vshll.u32 v24, $0x6;
	v23 =	vnsel vm0, $0x0, v27;
	v26 =	vshll.u32 v28, $0xC  }
0x121: {  	s2 =	sand.u32 $0x3, s6;
	v14 =	vcvt.f32.s32 v14;
	v27 =	vnsel vm1, $0x0, v30;
	v28 =	vmul.f32 v22, v16  }
0x122: {  	s19 =	sadd.s32 $0x100, s19;
	s3 =	sadd.s32 $0x20, s3;
	s2 =	sshll.u32 s2, $0x5;
	v18 =	vcvt.f32.s32 v18;
	v29 =	vadd.s32 v24, v26;
	v15 =	vmul.f32 v27, v15  }
0x123: {  	s9 =	sadd.s32 s2, s19;
	s2 =	sadd.s32 $0x10, s3;
	s4 =	sand.u32 $0xC00, s19;
	v30 =	vadd.s32 v17, v29;
	v22 =	vmul.f32 v22, v23;
	vm0 =	vgt.f32 v28, $0.0e+00  }
0x124: {  	s8 =	sand.u32 $0x70, s2;
	s4 =	sor.u32 $0x2380, s4;
	s1 =	sadd.s32 $0x20, s1;
	v25 =	vnsel vm2, $0x0, v25;
	v29 =	vadd.s32 v21, v29;
	v30 =	vnsel vm0, $0xFFFFFFFF, v30  }
0x125: {  	s26 =	sor.u32 s3, s19;
	s18 =	sand.u32 $0x60, s3;
	s24 =	sor.u32 s8, s4;
	v14 =	vshll.u32 v14, $0x6;
	vm0 =	vgt.f32 v22, $0.0e+00;
	[tilespmem:s1+$0xFFFFF900] =	vst v30;
	v30 =	vmul.f32 v15, v16  }
0x126: {  	s8 =	sor.u32 s18, s4;
	s4 =	sor.u32 $0x300, s9;
	s18 =	sor.u32 $0x380, s26;
	v13 =	vmul.f32 v25, v13;
	v26 =	vadd.s32 v14, v26;
	[tilespmem:s24+$0x0] =	vst v28;
	v28 =	vnsel vm0, $0xFFFFFFFF, v29  }
0x127: {  	s9 =	sand.u32 $0x1E0, s3;
	v15 =	vmul.f32 v15, v23;
	[tilespmem:s1+$0xFFFFFAC0] =	vst v28;
	v28 =	vadd.s32 v17, v26;
	vm0 =	vgt.f32 v30, $0.0e+00  }
0x128: {  	v20 =	vcvt.f32.s32 v20;
	v18 =	vshll.u32 v18, $0xC;
	[tilespmem:s24+$0x80] =	vst v22;
	v22 =	vnsel vm0, $0xFFFFFFFF, v28  }
0x129: {  	vm0 =	vgt.f32 v15, $0.0e+00;
	[tilespmem:s1+$0xFFFFFC80] =	vst v22;
	v22 =	vadd.s32 v21, v26;
	v26 =	vmul.f32 v13, v16  }
0x12a: {  	v25 =	vmul.f32 v25, v27;
	v24 =	vadd.s32 v24, v18;
	[tilespmem:s24+$0x100] =	vst v30;
	v22 =	vnsel vm0, $0xFFFFFFFF, v22  }
0x12b: {  	v13 =	vmul.f32 v13, v23;
	[tilespmem:s1+$0xFFFFFE40] =	vst v22;
	v22 =	vadd.s32 v17, v24;
	vm0 =	vgt.f32 v26, $0.0e+00  }
0x12c: {  	s7 =	sadd.s32 $0x2, s7;
	v19 =	vcvt.s32.f32 v19;
	v27 =	vtrunc.f32 v10;
	[tilespmem:s24+$0x180] =	vst v15;
	v15 =	vnsel vm0, $0xFFFFFFFF, v22  }
0x12d: {  	s26 =	sand.u32 $0x7, s7;
	v16 =	vmul.f32 v25, v16;
	vm0 =	vgt.f32 v13, $0.0e+00;
	[tilespmem:s1+$0x0] =	vst v15;
	v15 =	vadd.s32 v21, v24  }
0x12e: {  	v20 =	vcvt.s32.f32 v20;
	s26 =	sshll.u32 s26, $0x4;
	v14 =	vadd.s32 v14, v18;
	[tilespmem:s24+$0x200] =	vst v26;
	v15 =	vnsel vm0, $0xFFFFFFFF, v15  }
0x12f: {  	s26 =	sadd.s32 s19, s26;
	vm0 =	vgt.f32 v16, $0.0e+00;
	[tilespmem:s1+$0x1C0] =	vst v15;
	v15 =	vadd.s32 v17, v14;
	v17 =	vmul.f32 v25, v23  }
0x130: {  	v18 =	vcvt.f32.s32 v27;
	v22 =	vadd.f32 $-1.000000000e+00, v19;
	[tilespmem:s24+$0x280] =	vst v13;
	v13 =	vnsel vm0, $0xFFFFFFFF, v15;
	s24 =	sadd.s32 $0x10, s26  }
0x131: {  	v15 =	vadd.f32 $-1.000000000e+00, v20;
	[tilespmem:s1+$0x380] =	vst v13;
	s24 =	sor.u32 $0x300, s24;
	v13 =	vadd.s32 v21, v14;
	vm0 =	vgt.f32 v17, $0.0e+00  }
0x132: {  	s2 =	sor.u32 s2, s19;
	vm1 =	vlt.f32 v12, v19;
	v14 =	vcvt.s32.f32 v18;
	[tilespmem:s24+$0x2380] =	vst v16;
	v13 =	vnsel vm0, $0xFFFFFFFF, v13  }
0x133: {  	s2 =	sor.u32 $0x380, s2;
	v16 =	vsel vm1, v22, v19;
	vm0 =	vlt.f32 v11, v20;
	[tilespmem:s1+$0x540] =	vst v13  }
0x134: {  	v13 =	vadd.f32 $-1.000000000e+00, v14;
	v18 =	vadd.f32 $1.000000000e+00, v16;
	v15 =	vsel vm0, v15, v20;
	[tilespmem:s2+$0x2380] =	vst v17  }
0x135: {  	vm0 =	vlt.f32 v10, v14;
	v12 =	vsub.f32 v12, v16;
	v17 =	vadd.f32 $1.000000000e+00, v15  }
0x136: {  	v11 =	vsub.f32 v11, v15;
	v13 =	vsel vm0, v13, v14;
	v14 =	vmax.f32 v18, $0.0e+00  }
0x137: {  	v20 =	vmax.f32 v16, $0.0e+00;
	v19 =	vadd.f32 $1.000000000e+00, v13;
	v21 =	vmax.f32 v17, $0.0e+00  }
0x138: {  	v22 =	vmax.f32 v15, $0.0e+00;
	v14 =	vmin.f32 v14, $6.300000000e+01;
	v21 =	vmin.f32 v21, $6.300000000e+01  }
0x139: {  	v20 =	vmin.f32 v20, $6.300000000e+01;
	v23 =	vsub.f32 $1.000000000e+00, v12;
	v24 =	vsub.f32 $1.000000000e+00, v11  }
0x13a: {  	v10 =	vsub.f32 v10, v13;
	vm0 =	veq.f32 v18, v14;
	v18 =	vmin.f32 v22, $6.300000000e+01  }
0x13b: {  	vm1 =	veq.f32 v16, v20;
	v22 =	vmax.f32 v19, $0.0e+00;
	vm2 =	veq.f32 v17, v21  }
0x13c: {  	v16 =	vmax.f32 v13, $0.0e+00;
	v12 =	vnsel vm0, $0x0, v12;
	vm0 =	veq.f32 v15, v18  }
0x13d: {  	v14 =	vtrunc.f32 v14;
	v15 =	vnsel vm1, $0x0, v23;
	v11 =	vnsel vm2, $0x0, v11  }
0x13e: {  	v21 =	vtrunc.f32 v21;
	v17 =	vmin.f32 v22, $6.300000000e+01;
	v22 =	vnsel vm0, $0x0, v24  }
0x13f: {  	v20 =	vtrunc.f32 v20;
	v23 =	vsub.f32 $1.000000000e+00, v10;
	v18 =	vtrunc.f32 v18  }
0x140: {  	v16 =	vmin.f32 v16, $6.300000000e+01;
	v24 =	vmul.f32 v12, v22;
	v25 =	vmul.f32 v11, v15  }
0x141: {  	v14 =	vcvt.f32.s32 v14;
	vm0 =	veq.f32 v19, v17;
	v11 =	vmul.f32 v11, v12  }
0x142: {  	vm1 =	veq.f32 v13, v16;
	v12 =	vcvt.f32.s32 v21;
	v21 =	vmul.f32 v22, v15  }
0x143: {  	v13 =	vcvt.f32.s32 v18;
	v19 =	vcvt.f32.s32 v20;
	v10 =	vnsel vm0, $0x0, v10  }
0x144: {  	v20 =	vnsel vm1, $0x0, v23;
	v22 =	vtrunc.f32 v16;
	v23 =	vtrunc.f32 v17  }
0x145: {  	v26 =	vshll.u32 v14, $0x6;
	v18 =	vmul.f32 v24, v20;
	v17 =	vmul.f32 v24, v10  }
.Ltmp3:
0x146: {  	v12 =	vshll.u32 v12, $0xC;
	v16 =	vmul.f32 v25, v20;
	v15 =	vmul.f32 v25, v10;
	(pc) =	sbr.rel @p1 .LBB2_10-.Ltmp3, $4  }
0x147: {  	v24 =	vshll.u32 v13, $0xC;
	v14 =	vmul.f32 v11, v20;
	v13 =	vmul.f32 v11, v10  }
0x148: {  	v25 =	vshll.u32 v19, $0x6;
	v19 =	vmul.f32 v21, v20;
	v21 =	vmul.f32 v21, v10  }
0x149: {  	v11 =	vcvt.f32.s32 v22;
	v10 =	vcvt.f32.s32 v23;
	v22 =	vadd.s32 v26, v24  }
0x14a: {  	s23 =	sadd.s32 $0x20, s23;
	v23 =	vadd.s32 v25, v24;
	v20 =	vadd.s32 v25, v12;
	v12 =	vadd.s32 v26, v12  }
0x14b: {  	vm0 =	vgt.f32 v19, $0.0e+00;
	v4 =	vadd.s32 v11, v23  }
0x14c: {  	v4 =	vnsel vm0, $0xFFFFFFFF, v4  }
0x14d: {  	vm9 =	vgt.f32 v21, $0.0e+00;
	v5 =	vadd.s32 v10, v23;
	[tilespmem:s1+$0xFFFFF8F0] =	vst v4  }
0x14e: {  	v4 =	vnsel vm9, $0xFFFFFFFF, v5;
	[tilespmem:s8+$0x0] =	vst v19  }
0x14f: {  	vm10 =	vgt.f32 v18, $0.0e+00;
	v5 =	vadd.s32 v11, v22;
	[tilespmem:s1+$0xFFFFFAB0] =	vst v4  }
0x150: {  	v4 =	vnsel vm10, $0xFFFFFFFF, v5;
	[tilespmem:s8+$0x80] =	vst v21  }
0x151: {  	vm11 =	vgt.f32 v17, $0.0e+00;
	v5 =	vadd.s32 v10, v22;
	[tilespmem:s9+$0xB00] =	vst v4  }
0x152: {  	v4 =	vnsel vm11, $0xFFFFFFFF, v5;
	[tilespmem:s8+$0x100] =	vst v18  }
0x153: {  	vm12 =	vgt.f32 v16, $0.0e+00;
	v5 =	vadd.s32 v11, v20;
	[tilespmem:s1+$0xFFFFFE30] =	vst v4  }
0x154: {  	v4 =	vnsel vm12, $0xFFFFFFFF, v5;
	[tilespmem:s8+$0x180] =	vst v17  }
0x155: {  	vm13 =	vgt.f32 v15, $0.0e+00;
	v5 =	vadd.s32 v10, v20;
	[tilespmem:s9+$0xE80] =	vst v4  }
0x156: {  	v4 =	vnsel vm13, $0xFFFFFFFF, v5;
	[tilespmem:s8+$0x200] =	vst v16  }
0x157: {  	vm14 =	vgt.f32 v14, $0.0e+00;
	v5 =	vadd.s32 v11, v12;
	[tilespmem:s1+$0x1B0] =	vst v4  }
0x158: {  	v4 =	vnsel vm14, $0xFFFFFFFF, v5;
	[tilespmem:s8+$0x280] =	vst v15  }
0x159: {  	vm15 =	vgt.f32 v13, $0.0e+00;
	v5 =	vadd.s32 v10, v12;
	[tilespmem:s9+$0x1200] =	vst v4  }
0x15a: {  	v4 =	vnsel vm15, $0xFFFFFFFF, v5;
	[tilespmem:s4+$0x2380] =	vst v14  }
0x15b: {  	[tilespmem:s1+$0x530] =	vst v4  }
0x15c: {  	s0 =	sshll.u32 s30, $0xF;
	[tilespmem:s18+$0x2380] =	vst v13;
	(ifvalue) =	ssetifvalue $0xFFFFFFFF  }
0x15d: {  	s6 =	smax.u32 s29, $0x1;
	s0 =	sadd.s32 s5, s0;
	(ifvalue) =	ssetifvalue $0xFFFFFFFF  }
0x15e: {  	[tilespmem:s15], [sflag:$0x1] =	stream.indirect.gather [hbm4b:s0+s13], $0x1, s14, s13, $0x40b8;
	[tilespmem:$0x14380] =	vst v63  }
0x15f: {  	s3 =	simm.s32 $0x10;
	s2 =	sshll.u32 s6, $0x1;
	_ =	swait.ge [sflag:s22], $0xE00  }
0x160: {  	s6 =	sadd.s32 $0xFFFFFFFE, s2;
	s0 =	simm.s32 $0x0;
	[sflag:s22] =	ssyncset.done $0x0  }
0x161: {  	v5 =	vmov s6;
	s1 =	simm.s32 $0x5890;
	s7 =	sand.u32 $0xC00, s0;
	[sflag:s22] =	ssyncadd.s32 $0xFFFFF200  }
0x162: {  	s9 =	sand.u32 $0x70, s3;
	v6 =	vand.u32 $0xFFFFFF80, v5;
	s8 =	sor.u32 $0x3380, s7;
	v9 =	vld [tilespmem:s1+$0x540]  }
0x163: {  	v7 =	vand.u32 $0x7E, v5;
	v5 =	vmov s3;
	v4 =	vmov s0;
	s4 =	sor.u32 s9, s8;
	v10 =	vld [tilespmem:s1+$0xFFFFF900]  }
0x164: {  	v13 =	vshll.u32 v5, $0x7;
	v4 =	vshll.u32 v4, $0x7;
	v11 =	vld [tilespmem:s4+$0x0]  }
0x165: {  	v13 =	vor.u32 v3, v13;
	v4 =	vor.u32 v3, v4;
	v12 =	vld [tilespmem:s1+$0xFFFFFAC0]  }
0x166: {  	v13 =	vpsel p0, $0xE000, v13;
	v4 =	vpsel p0, $0xE000, v4;
	v14 =	vld [tilespmem:s4+$0x80]  }
0x167: {  	v8 =	vor.u32 $0x1, v7;
	v13 =	vadd.s32 v6, v13;
	v15 =	vld [tilespmem:s1+$0xFFFFFC80];
	v4 =	vadd.s32 v6, v4  }
0x168: {  	v59 =	vor.u32 v8, v13;
	v17 =	vld [tilespmem:s4+$0x100];
	v5 =	vor.u32 v7, v4;
	v16 =	vunpack.i.l.bf16.f32 v10  }
0x169: {  	v19 =	vld [tilespmem:s1+$0xFFFFFE40];
	v18 =	vunpack.i.u.bf16.f32 v9;
	v10 =	vunpack.i.u.bf16.f32 v10;
	v16 =	vmul.f32 v16, v11  }
0x16a: {  	v20 =	vld [tilespmem:s4+$0x180];
	v9 =	vunpack.i.l.bf16.f32 v9;
	v10 =	vmul.f32 v10, v11;
	v11 =	vunpack.i.l.bf16.f32 v12  }
0x16b: {  	s10 =	sand.u32 $0x7, s0;
	v55 =	vld [tilespmem:s1+$0x0];
	v12 =	vunpack.i.u.bf16.f32 v12;
	v11 =	vmul.f32 v11, v14;
	v16 =	vadd.f32 $0.0e+00, v16  }
0x16c: {  	s6 =	sshll.u32 s10, $0x4;
	v56 =	vld [tilespmem:s4+$0x200];
	v12 =	vmul.f32 v12, v14;
	v14 =	vunpack.i.l.bf16.f32 v15;
	v10 =	vadd.f32 $0.0e+00, v10  }
0x16d: {  	s6 =	sadd.s32 $0x0, s6;
	v15 =	vunpack.i.u.bf16.f32 v15;
	v14 =	vmul.f32 v14, v17;
	v11 =	vadd.f32 v11, v16;
	v16 =	vld [tilespmem:s1+$0x1C0]  }
0x16e: {  	s18 =	sadd.s32 $0x10, s6;
	v10 =	vadd.f32 v12, v10;
	v12 =	vmul.f32 v15, v17;
	v15 =	vunpack.i.l.bf16.f32 v19;
	v17 =	vld [tilespmem:s4+$0x280]  }
0x16f: {  	s4 =	sor.u32 $0x300, s18;
	v15 =	vmul.f32 v15, v20;
	v11 =	vadd.f32 v14, v11;
	v14 =	vunpack.i.u.bf16.f32 v19;
	v19 =	vld [tilespmem:s1+$0x380]  }
0x170: {  	s3 =	sor.u32 s3, s0;
	v10 =	vadd.f32 v12, v10;
	v12 =	vmul.f32 v14, v20;
	v14 =	vunpack.i.l.bf16.f32 v55;
	v20 =	vld [tilespmem:s4+$0x3380]  }
0x171: {  	s3 =	sor.u32 $0x380, s3;
	v58 =	vld [tilespmem:s1+$0xFFFFF8F0];
	v11 =	vadd.f32 v15, v11;
	v15 =	vunpack.i.u.bf16.f32 v55;
	v14 =	vmul.f32 v14, v56  }
0x172: {  	s19 =	sand.u32 $0x60, s0;
	v57 =	vld [tilespmem:s3+$0x3380];
	v10 =	vadd.f32 v12, v10;
	v12 =	vmul.f32 v15, v56;
	v15 =	vunpack.i.l.bf16.f32 v16  }
0x173: {  	s2 =	sor.u32 s19, s8;
	v11 =	vadd.f32 v14, v11;
	v14 =	vunpack.i.u.bf16.f32 v16;
	v15 =	vmul.f32 v15, v17  }
0x174: {  	v16 =	vld [tilespmem:s2+$0x0];
	v10 =	vadd.f32 v12, v10;
	v12 =	vmul.f32 v14, v17;
	v14 =	vunpack.i.l.bf16.f32 v19  }
0x175: {  	v17 =	vld [tilespmem:s1+$0xFFFFFAB0];
	v11 =	vadd.f32 v15, v11;
	v15 =	vunpack.i.u.bf16.f32 v19;
	v14 =	vmul.f32 v14, v20  }
0x176: {  	s23 =	sand.u32 $0x1E0, s0;
	v60 =	vunpack.i.l.bf16.f32 v58;
	v19 =	vld [tilespmem:s2+$0x80];
	v10 =	vadd.f32 v12, v10;
	v12 =	vmul.f32 v15, v20  }
0x177: {  	v9 =	vmul.f32 v9, v57;
	v15 =	vor.u32 v7, v13;
	v20 =	vld [tilespmem:s23+$0x5500];
	v11 =	vadd.f32 v14, v11  }
0x178: {  	v13 =	vld [tilespmem:s2+$0x100];
	v14 =	vunpack.i.u.bf16.f32 v58;
	v10 =	vadd.f32 v12, v10;
	v12 =	vmul.f32 v18, v57  }
0x179: {  	v4 =	vor.u32 v8, v4;
	v18 =	vld [tilespmem:s1+$0xFFFFFE30];
	v14 =	vmul.f32 v14, v16;
	v16 =	vmul.f32 v60, v16  }
0x17a: {  	v9 =	vadd.f32 v9, v11;
	v11 =	vld [tilespmem:s2+$0x180];
	v61 =	vunpack.i.u.bf16.f32 v17;
	v62 =	vadd.f32 v12, v10  }
0x17b: {  	v12 =	vld [tilespmem:s23+$0x5880];
	v10 =	vadd.f32 $0.0e+00, v14;
	v14 =	vunpack.i.l.bf16.f32 v17;
	v17 =	vmul.f32 v61, v19  }
0x17c: {  	s24 =	sand.u32 $0x3, s0;
	v63 =	vld [tilespmem:s2+$0x200];
	v16 =	vadd.f32 $0.0e+00, v16;
	v14 =	vmul.f32 v14, v19;
	v19 =	vunpack.i.u.bf16.f32 v20  }
0x17d: {  	v24 =	vld [tilespmem:s1+$0x1B0];
	s4 =	sshll.u32 s24, $0x5;
	v20 =	vunpack.i.l.bf16.f32 v20;
	v17 =	vadd.f32 v17, v10;
	v19 =	vmul.f32 v19, v13  }
0x17e: {  	s26 =	sadd.s32 $0x0, s4;
	v10 =	vld [tilespmem:s2+$0x280];
	v14 =	vadd.f32 v14, v16;
	v16 =	vmul.f32 v20, v13;
	v13 =	vunpack.i.u.bf16.f32 v18  }
0x17f: {  	s2 =	sor.u32 $0x300, s26;
	v18 =	vunpack.i.l.bf16.f32 v18;
	v17 =	vadd.f32 v19, v17;
	v19 =	vmul.f32 v13, v11;
	v13 =	vld [tilespmem:s23+$0x5C00]  }
0x180: {  	v14 =	vadd.f32 v16, v14;
	v16 =	vmul.f32 v18, v11;
	v18 =	vunpack.i.u.bf16.f32 v12;
	v11 =	vld [tilespmem:s2+$0x3380]  }
0x181: {  	s29 =	sor.u32 s0, s0;
	v17 =	vadd.f32 v19, v17;
	v19 =	vunpack.i.l.bf16.f32 v12;
	v18 =	vmul.f32 v18, v63  }
0x182: {  	s31 =	sor.u32 $0x380, s29;
	s7 =	simm.s32 $0x0;
	[tilespmem:v15+s21+$0x0] =	vst.idx.msk $0xffff, v9;
	v12 =	vld [tilespmem:s1+$0x530];
	v14 =	vadd.f32 v16, v14;
	v16 =	vmul.f32 v19, v63;
	v19 =	vunpack.i.u.bf16.f32 v24  }
0x183: {  	s3 =	simm.s32 $0x0;
	s6 =	simm.s32 $0x0;
	s4 =	simm.s32 $0x1;
	v9 =	vld [tilespmem:s31+$0x3380];
	[tilespmem:v59+s21+$0x0] =	vst.idx.msk $0xffff, v62;
	v15 =	vadd.f32 v18, v17;
	v18 =	vunpack.i.l.bf16.f32 v24;
	v17 =	vmul.f32 v19, v10  }
.LBB2_12:
0x184: {  	s2 =	sand.u32 $0x3, s4;
	v14 =	vadd.f32 v16, v14;
	v10 =	vmul.f32 v18, v10;
	v16 =	vunpack.i.u.bf16.f32 v13  }
0x185: {  	v13 =	vunpack.i.l.bf16.f32 v13;
	s0 =	sadd.s32 $0x100, s0;
	s6 =	sadd.s32 $0x20, s6;
	s8 =	sshll.u32 s2, $0x5;
	v15 =	vadd.f32 v17, v15;
	v16 =	vmul.f32 v16, v11  }
0x186: {  	s1 =	sadd.s32 $0x20, s1;
	v17 =	vmov s6;
	s2 =	sand.u32 $0xC00, s0;
	s19 =	sadd.s32 $0x10, s6;
	v11 =	vmul.f32 v13, v11;
	v10 =	vadd.f32 v10, v14  }
0x187: {  	s3 =	sadd.s32 $0x2, s3;
	v13 =	vshll.u32 v17, $0x7;
	s9 =	sor.u32 $0x3380, s2;
	s2 =	sand.u32 $0x70, s19;
	v17 =	vunpack.i.u.bf16.f32 v12;
	v12 =	vunpack.i.l.bf16.f32 v12;
	v14 =	vld [tilespmem:s1+$0x540]  }
0x188: {  	s10 =	sand.u32 $0x60, s6;
	p1 =	slt.u32 s3, $0x1A;
	s2 =	sor.u32 s2, s9;
	v12 =	vmul.f32 v12, v9;
	v18 =	vld [tilespmem:s1+$0xFFFFF900];
	v10 =	vadd.f32 v11, v10;
	v11 =	vadd.f32 v16, v15  }
0x189: {  	s8 =	sadd.s32 s8, s0;
	s18 =	sor.u32 s10, s9;
	s9 =	sand.u32 $0x1E0, s6;
	v13 =	vor.u32 v3, v13;
	v9 =	vmul.f32 v17, v9;
	v15 =	vld [tilespmem:s2+$0x0]  }
0x18a: {  	s10 =	sor.u32 $0x300, s8;
	s8 =	sor.u32 s6, s0;
	v13 =	vpsel p0, $0xE000, v13;
	v16 =	vmov s19;
	v17 =	vld [tilespmem:s1+$0xFFFFFAC0];
	v10 =	vadd.f32 v12, v10  }
0x18b: {  	s8 =	sor.u32 $0x380, s8;
	v12 =	vadd.s32 v6, v13;
	v13 =	vshll.u32 v16, $0x7;
	v9 =	vadd.f32 v9, v11;
	v16 =	vld [tilespmem:s2+$0x80]  }
0x18c: {  	v11 =	vor.u32 v7, v12;
	v12 =	vor.u32 v8, v12;
	v13 =	vor.u32 v3, v13;
	v19 =	vld [tilespmem:s1+$0xFFFFFC80]  }
0x18d: {  	v22 =	vunpack.i.u.bf16.f32 v14;
	v13 =	vpsel p0, $0xE000, v13;
	v20 =	vunpack.i.l.bf16.f32 v18;
	v21 =	vld [tilespmem:s2+$0x100];
	[tilespmem:v5+s21+$0x0] =	vst.idx.msk $0xffff, v10;
	v5 =	vmovc v11  }
0x18e: {  	v14 =	vunpack.i.l.bf16.f32 v14;
	v10 =	vunpack.i.u.bf16.f32 v18;
	v11 =	vmul.f32 v20, v15;
	v18 =	vld [tilespmem:s1+$0xFFFFFE40];
	[tilespmem:v4+s21+$0x0] =	vst.idx.msk $0xffff, v9;
	v4 =	vmovc v12  }
0x18f: {  	s7 =	sadd.s32 $0x2, s7;
	v13 =	vadd.s32 v6, v13;
	v9 =	vmul.f32 v10, v15;
	v10 =	vunpack.i.l.bf16.f32 v17;
	v12 =	vld [tilespmem:s2+$0x180]  }
0x190: {  	s23 =	sand.u32 $0x7, s7;
	v15 =	vunpack.i.u.bf16.f32 v17;
	v11 =	vadd.f32 $0.0e+00, v11;
	v10 =	vmul.f32 v10, v16;
	v17 =	vld [tilespmem:s1+$0x0]  }
0x191: {  	s23 =	sshll.u32 s23, $0x4;
	v9 =	vadd.f32 $0.0e+00, v9;
	v15 =	vmul.f32 v15, v16;
	v16 =	vunpack.i.l.bf16.f32 v19;
	v20 =	vld [tilespmem:s2+$0x200]  }
0x192: {  	s23 =	sadd.s32 s0, s23;
	v10 =	vadd.f32 v10, v11;
	v11 =	vunpack.i.u.bf16.f32 v19;
	v16 =	vmul.f32 v16, v21;
	v19 =	vld [tilespmem:s1+$0x1C0]  }
0x193: {  	v9 =	vadd.f32 v15, v9;
	v11 =	vmul.f32 v11, v21;
	v15 =	vunpack.i.l.bf16.f32 v18;
	v21 =	vld [tilespmem:s2+$0x280];
	s2 =	sadd.s32 $0x10, s23  }
0x194: {  	v10 =	vadd.f32 v16, v10;
	v16 =	vunpack.i.u.bf16.f32 v18;
	v15 =	vmul.f32 v15, v12;
	s2 =	sor.u32 $0x300, s2;
	v18 =	vld [tilespmem:s1+$0x380]  }
0x195: {  	v9 =	vadd.f32 v11, v9;
	v11 =	vmul.f32 v16, v12;
	v12 =	vunpack.i.l.bf16.f32 v17;
	v16 =	vld [tilespmem:s2+$0x3380];
	s2 =	sor.u32 s19, s0  }
0x196: {  	v23 =	vld [tilespmem:s1+$0xFFFFF8F0];
	v10 =	vadd.f32 v15, v10;
	v15 =	vunpack.i.u.bf16.f32 v17;
	v12 =	vmul.f32 v12, v20;
	s2 =	sor.u32 $0x380, s2  }
0x197: {  	v9 =	vadd.f32 v11, v9;
	v11 =	vmul.f32 v15, v20;
	v15 =	vunpack.i.l.bf16.f32 v19;
	v17 =	vld [tilespmem:s2+$0x3380]  }
0x198: {  	v20 =	vld [tilespmem:s18+$0x0];
	v10 =	vadd.f32 v12, v10;
	v12 =	vunpack.i.u.bf16.f32 v19;
	v15 =	vmul.f32 v15, v21  }
0x199: {  	v19 =	vld [tilespmem:s1+$0xFFFFFAB0];
	v9 =	vadd.f32 v11, v9;
	v11 =	vmul.f32 v12, v21;
	v12 =	vunpack.i.l.bf16.f32 v18  }
0x19a: {  	v21 =	vld [tilespmem:s18+$0x80];
	v10 =	vadd.f32 v15, v10;
	v15 =	vunpack.i.u.bf16.f32 v18;
	v12 =	vmul.f32 v12, v16  }
0x19b: {  	v18 =	vld [tilespmem:s9+$0x5500];
	v9 =	vadd.f32 v11, v9;
	v11 =	vmul.f32 v15, v16;
	v15 =	vor.u32 v7, v13  }
0x19c: {  	v13 =	vor.u32 v8, v13;
	v16 =	vld [tilespmem:s18+$0x100];
	v10 =	vadd.f32 v12, v10;
	v12 =	vmul.f32 v14, v17  }
0x19d: {  	v14 =	vunpack.i.u.bf16.f32 v23;
	v24 =	vld [tilespmem:s1+$0xFFFFFE30];
	v9 =	vadd.f32 v11, v9;
	v11 =	vmul.f32 v22, v17  }
0x19e: {  	v17 =	vunpack.i.l.bf16.f32 v23;
	v14 =	vmul.f32 v14, v20;
	v22 =	vld [tilespmem:s18+$0x180];
	v10 =	vadd.f32 v12, v10  }
0x19f: {  	v12 =	vmul.f32 v17, v20;
	v17 =	vunpack.i.u.bf16.f32 v19;
	v20 =	vld [tilespmem:s9+$0x5880];
	v9 =	vadd.f32 v11, v9  }
0x1a0: {  	v11 =	vadd.f32 $0.0e+00, v14;
	v14 =	vunpack.i.l.bf16.f32 v19;
	v17 =	vmul.f32 v17, v21;
	v19 =	vld [tilespmem:s18+$0x200];
	[tilespmem:v15+s21+$0x0] =	vst.idx.msk $0xffff, v10  }
0x1a1: {  	v12 =	vadd.f32 $0.0e+00, v12;
	v14 =	vmul.f32 v14, v21;
	v10 =	vunpack.i.u.bf16.f32 v18;
	v21 =	vld [tilespmem:s1+$0x1B0];
	[tilespmem:v13+s21+$0x0] =	vst.idx.msk $0xffff, v9  }
0x1a2: {  	v9 =	vadd.f32 v17, v11;
	v11 =	vunpack.i.l.bf16.f32 v18;
	v15 =	vmul.f32 v10, v16;
	v10 =	vld [tilespmem:s18+$0x280]  }
0x1a3: {  	v12 =	vadd.f32 v14, v12;
	v14 =	vmul.f32 v11, v16;
	v11 =	vunpack.i.u.bf16.f32 v24;
	v13 =	vld [tilespmem:s9+$0x5C00]  }
.Ltmp4:
0x1a4: {  	v9 =	vadd.f32 v15, v9;
	v15 =	vunpack.i.l.bf16.f32 v24;
	v16 =	vmul.f32 v11, v22;
	v11 =	vld [tilespmem:s10+$0x3380];
	(pc) =	sbr.rel @p1 .LBB2_12-.Ltmp4, $4  }
0x1a5: {  	v14 =	vadd.f32 v14, v12;
	v15 =	vmul.f32 v15, v22;
	v17 =	vunpack.i.u.bf16.f32 v20;
	v12 =	vld [tilespmem:s1+$0x530]  }
0x1a6: {  	v18 =	vadd.f32 v16, v9;
	v16 =	vunpack.i.l.bf16.f32 v20;
	v17 =	vmul.f32 v17, v19;
	v9 =	vld [tilespmem:s8+$0x3380]  }
0x1a7: {  	v14 =	vadd.f32 v15, v14;
	v16 =	vmul.f32 v16, v19;
	v19 =	vunpack.i.u.bf16.f32 v21  }
0x1a8: {  	s4 =	sadd.s32 $0x1, s4;
	v15 =	vadd.f32 v17, v18;
	v18 =	vunpack.i.l.bf16.f32 v21;
	v17 =	vmul.f32 v19, v10  }
0x1a9: {  	v6 =	vadd.f32 v16, v14;
	v7 =	vmul.f32 v18, v10;
	v8 =	vunpack.i.u.bf16.f32 v13;
	s29 =	sor.u32 $0x1, s30  }
0x1aa: {  	v13 =	vunpack.i.l.bf16.f32 v13;
	v10 =	vadd.f32 v17, v15;
	v14 =	vmov s29  }
0x1ab: {  	v6 =	vadd.f32 v7, v6;
	v7 =	vmul.f32 v13, v11;
	v13 =	vmul.u32 $0x6, v14  }
0x1ac: {  	v8 =	vmul.f32 v8, v11;
	v11 =	vunpack.i.u.bf16.f32 v12;
	v12 =	vunpack.i.l.bf16.f32 v12  }
0x1ad: {  	v6 =	vadd.f32 v7, v6;
	v7 =	vmul.f32 v12, v9;
	v12 =	vbroadcast v13, $0x0  }
0x1ae: {  	v8 =	vadd.f32 v8, v10;
	v9 =	vmul.f32 v11, v9  }
0x1af: {  	v6 =	vadd.f32 v7, v6  }
0x1b0: {  	v8 =	vadd.f32 v9, v8  }
0x1b1: {  	v7 =	vor.u32 $0x1, v12;
	[tilespmem:v5+s21+$0x0] =	vst.idx.msk $0xffff, v6  }
0x1b2: {  	v9 =	vadd.s32 $0x2, v12;
	[tilespmem:v4+s21+$0x0] =	vst.idx.msk $0xffff, v8  }
0x1b3: {  	s0 =	simm.s32 $0x410;
	v10 =	vadd.s32 $0x3, v12;
	v4 =	vld.idx.msk [tilespmem:v12+s11+$0x0], $0xffff  }
0x1b4: {  	s30 =	simm.s32 $0x210;
	v11 =	vadd.s32 $0x5, v12;
	v8 =	vadd.s32 $0x4, v12;
	v12 =	vld [tilespmem:s0+$0x0]  }
0x1b5: {  	v13 =	vld [tilespmem:s30+$0xFFFFFFF0]  }
0x1b6: {  	v5 =	vld.idx.msk [tilespmem:v7+s11+$0x0], $0xffff  }
0x1b7: {  	v6 =	vld.idx.msk [tilespmem:v9+s11+$0x0], $0xffff  }
0x1b8: {  	v7 =	vld.idx.msk [tilespmem:v10+s11+$0x0], $0xffff  }
0x1b9: {  	s1 =	simm.s32 $0x10;
	v9 =	vld.idx.msk [tilespmem:v11+s11+$0x0], $0xffff  }
0x1ba: {  	v10 =	vld [tilespmem:s1+$0x0]  }
0x1bb: {  	v11 =	vld [tilespmem:s30+$0x0]  }
0x1bc: {  	v14 =	vld [tilespmem:s0+$0xFFFFFFF0]  }
0x1bd: {  	v8 =	vld.idx.msk [tilespmem:v8+s11+$0x0], $0xffff  }
0x1be: {  	v15 =	vld [tilespmem:s1+$0xFFFFFFF0];
	_ =	sdelay $0x1  }
0x1bf: {  	v10 =	vmul.f32 v10, v4;
	v11 =	vmul.f32 v11, v6  }
0x1c0: {  	v13 =	vmul.f32 v13, v6  }
0x1c1: {  	v16 =	vadd.f32 v10, v5;
	v11 =	vadd.f32 v11, v7;
	v12 =	vmul.f32 v12, v8  }
0x1c2: {  	v10 =	vmul.f32 v14, v8;
	v14 =	vmul.f32 v15, v4  }
0x1c3: {  	v13 =	vadd.f32 v13, v7;
	v15 =	vtrunc.f32 v16;
	v17 =	vtrunc.f32 v11  }
0x1c4: {  	v12 =	vadd.f32 v12, v9;
	v15 =	vcvt.f32.s32 v15;
	v17 =	vcvt.f32.s32 v17  }
0x1c5: {  	v19 =	vadd.f32 v10, v9;
	v10 =	vadd.f32 v14, v5;
	v14 =	vtrunc.f32 v13  }
0x1c6: {  	v14 =	vcvt.f32.s32 v14;
	v18 =	vtrunc.f32 v12  }
0x1c7: {  	v15 =	vcvt.s32.f32 v15;
	v17 =	vcvt.s32.f32 v17  }
0x1c8: {  	v20 =	vtrunc.f32 v19;
	v18 =	vcvt.f32.s32 v18  }
0x1c9: {  	v20 =	vcvt.f32.s32 v20;
	v14 =	vcvt.s32.f32 v14  }
0x1ca: {  	v21 =	vadd.f32 $-1.000000000e+00, v15;
	v22 =	vadd.f32 $-1.000000000e+00, v17;
	v18 =	vcvt.s32.f32 v18  }
0x1cb: {  	vm0 =	vlt.f32 v16, v15;
	vm1 =	vlt.f32 v11, v17;
	v20 =	vcvt.s32.f32 v20  }
0x1cc: {  	v15 =	vsel vm0, v21, v15;
	v17 =	vsel vm1, v22, v17;
	v23 =	vadd.f32 $-1.000000000e+00, v18  }
0x1cd: {  	vm6 =	vlt.f32 v12, v18;
	v16 =	vsub.f32 v16, v15;
	v22 =	vadd.f32 $1.000000000e+00, v15  }
0x1ce: {  	v21 =	vmax.f32 v15, $0.0e+00;
	v11 =	vsub.f32 v11, v17;
	v24 =	vadd.f32 $1.000000000e+00, v17  }
0x1cf: {  	v21 =	vmin.f32 v21, $6.300000000e+01;
	v18 =	vsel vm6, v23, v18;
	v23 =	vmax.f32 v17, $0.0e+00  }
0x1d0: {  	vm7 =	veq.f32 v15, v21;
	v15 =	vtrunc.f32 v21;
	v48 =	vsub.f32 $1.000000000e+00, v16  }
0x1d1: {  	v29 =	vmax.f32 v22, $0.0e+00;
	vm6 =	vlt.f32 v13, v14;
	v12 =	vsub.f32 v12, v18  }
0x1d2: {  	v25 =	vmax.f32 v18, $0.0e+00;
	v23 =	vmin.f32 v23, $6.300000000e+01;
	v26 =	vadd.f32 $1.000000000e+00, v18  }
0x1d3: {  	v15 =	vcvt.f32.s32 v15;
	v29 =	vmin.f32 v29, $6.300000000e+01;
	v21 =	vmin.f32 v25, $6.300000000e+01  }
0x1d4: {  	v27 =	vtrunc.f32 v23;
	vm1 =	veq.f32 v17, v23;
	v17 =	vmax.f32 v24, $0.0e+00  }
0x1d5: {  	v25 =	vnsel vm7, $0x0, v48;
	v30 =	vtrunc.f32 v29;
	vm8 =	veq.f32 v22, v29  }
0x1d6: {  	vm7 =	vlt.f32 v19, v20;
	v28 =	vtrunc.f32 v21;
	vm2 =	veq.f32 v18, v21  }
0x1d7: {  	v18 =	vsub.f32 $1.000000000e+00, v11;
	v21 =	vsub.f32 $1.000000000e+00, v12;
	v23 =	vcvt.f32.s32 v27  }
0x1d8: {  	v49 =	vmax.f32 v26, $0.0e+00;
	v17 =	vmin.f32 v17, $6.300000000e+01;
	v50 =	vcvt.f32.s32 v30  }
0x1d9: {  	v16 =	vnsel vm8, $0x0, v16;
	v28 =	vcvt.f32.s32 v28;
	v27 =	vmin.f32 v49, $6.300000000e+01  }
0x1da: {  	v22 =	vtrunc.f32 v17;
	vm9 =	veq.f32 v24, v17;
	v18 =	vnsel vm1, $0x0, v18  }
0x1db: {  	v17 =	vnsel vm2, $0x0, v21;
	v21 =	vtrunc.f32 v27;
	vm10 =	veq.f32 v26, v27  }
0x1dc: {  	v23 =	vshll.u32 v23, $0x6;
	v11 =	vnsel vm9, $0x0, v11;
	v22 =	vcvt.f32.s32 v22  }
0x1dd: {  	v51 =	vmul.f32 v17, v18;
	v52 =	vshll.u32 v28, $0xC;
	v21 =	vcvt.f32.s32 v21  }
0x1de: {  	v17 =	vmul.f32 v11, v17;
	v12 =	vnsel vm10, $0x0, v12;
	v54 =	vadd.s32 v23, v52  }
0x1df: {  	v22 =	vshll.u32 v22, $0x6;
	v18 =	vmul.f32 v12, v18;
	v11 =	vmul.f32 v12, v11  }
0x1e0: {  	v53 =	vmul.f32 v51, v25;
	v55 =	vadd.s32 v15, v54;
	v26 =	vmul.f32 v51, v16  }
0x1e1: {  	v29 =	vadd.s32 v50, v54;
	v31 =	vmul.f32 v17, v25;
	v27 =	vadd.s32 v22, v52  }
0x1e2: {  	v17 =	vmul.f32 v17, v16;
	v21 =	vshll.u32 v21, $0xC;
	v32 =	vadd.s32 v15, v27  }
0x1e3: {  	v27 =	vadd.s32 v50, v27;
	v33 =	vmul.f32 v18, v25;
	v34 =	vmul.f32 v18, v16  }
0x1e4: {  	v23 =	vadd.s32 v23, v21;
	v18 =	vtrunc.f32 v10;
	v25 =	vmul.f32 v11, v25  }
0x1e5: {  	v21 =	vadd.s32 v22, v21;
	vm11 =	vgt.f32 v53, $0.0e+00;
	vm12 =	vgt.f32 v26, $0.0e+00  }
0x1e6: {  	vm13 =	vgt.f32 v31, $0.0e+00;
	vm14 =	vgt.f32 v17, $0.0e+00;
	v12 =	vadd.s32 v15, v23  }
0x1e7: {  	v23 =	vadd.s32 v50, v23;
	v15 =	vadd.s32 v15, v21;
	v18 =	vcvt.f32.s32 v18  }
0x1e8: {  	v30 =	vnsel vm11, $0xFFFFFFFF, v55;
	v29 =	vnsel vm12, $0xFFFFFFFF, v29;
	v32 =	vnsel vm13, $0xFFFFFFFF, v32  }
0x1e9: {  	vm15 =	vgt.f32 v33, $0.0e+00;
	vm4 =	vgt.f32 v34, $0.0e+00;
	vm5 =	vgt.f32 v25, $0.0e+00  }
0x1ea: {  	v22 =	vnsel vm4, $0xFFFFFFFF, v23;
	v23 =	vmul.f32 v11, v16;
	v11 =	vadd.f32 $-1.000000000e+00, v14  }
0x1eb: {  	v35 =	vnsel vm5, $0xFFFFFFFF, v15;
	v15 =	vcvt.s32.f32 v18;
	v16 =	vadd.f32 $-1.000000000e+00, v20  }
0x1ec: {  	v27 =	vnsel vm14, $0xFFFFFFFF, v27;
	v12 =	vnsel vm15, $0xFFFFFFFF, v12;
	v18 =	vadd.s32 v50, v21  }
0x1ed: {  	s6 =	simm.s32 $0x0;
	v11 =	vsel vm6, v11, v14;
	v14 =	vadd.f32 $-1.000000000e+00, v15;
	v16 =	vsel vm7, v16, v20  }
0x1ee: {  	s2 =	simm.s32 $0x10;
	s3 =	sand.u32 $0xC00, s6;
	vm8 =	vlt.f32 v10, v15;
	v21 =	vadd.f32 $1.000000000e+00, v11;
	v13 =	vsub.f32 v13, v11  }
0x1ef: {  	s4 =	sand.u32 $0x70, s2;
	s3 =	sor.u32 $0x3380, s3;
	s1 =	simm.s32 $0x1C90;
	vm14 =	vgt.f32 v23, $0.0e+00;
	v20 =	vadd.f32 $1.000000000e+00, v16;
	v19 =	vsub.f32 v19, v16  }
0x1f0: {  	s4 =	sor.u32 s4, s3;
	[tilespmem:s1+$0xFFFFF900] =	vst v30;
	v36 =	vmax.f32 v11, $0.0e+00;
	v60 =	vnsel vm14, $0xFFFFFFFF, v18;
	v14 =	vsel vm8, v14, v15  }
0x1f1: {  	[tilespmem:s4+$0x0] =	vst v53;
	v36 =	vmin.f32 v36, $6.300000000e+01;
	v15 =	vmax.f32 v21, $0.0e+00;
	v56 =	vadd.f32 $1.000000000e+00, v14  }
0x1f2: {  	[tilespmem:s1+$0xFFFFFAC0] =	vst v29;
	v37 =	vmax.f32 v20, $0.0e+00;
	vm10 =	veq.f32 v11, v36;
	v11 =	vsub.f32 $1.000000000e+00, v13  }
0x1f3: {  	[tilespmem:s4+$0x80] =	vst v26;
	v10 =	vsub.f32 v10, v14;
	v57 =	vmax.f32 v14, $0.0e+00;
	v59 =	vtrunc.f32 v36  }
0x1f4: {  	[tilespmem:s1+$0xFFFFFC80] =	vst v32;
	v15 =	vmin.f32 v15, $6.300000000e+01;
	v37 =	vmin.f32 v37, $6.300000000e+01;
	v24 =	vmin.f32 v57, $6.300000000e+01  }
0x1f5: {  	[tilespmem:s4+$0x100] =	vst v31;
	vm9 =	veq.f32 v21, v15;
	v21 =	vmax.f32 v16, $0.0e+00;
	vm11 =	veq.f32 v20, v37  }
0x1f6: {  	[tilespmem:s1+$0xFFFFFE40] =	vst v27;
	v20 =	vmax.f32 v56, $0.0e+00;
	v11 =	vnsel vm10, $0x0, v11;
	v15 =	vtrunc.f32 v15  }
0x1f7: {  	v58 =	vtrunc.f32 v37;
	vm15 =	veq.f32 v14, v24;
	[tilespmem:s4+$0x180] =	vst v17;
	v17 =	vsub.f32 $1.000000000e+00, v10  }
0x1f8: {  	v24 =	vtrunc.f32 v24;
	v21 =	vmin.f32 v21, $6.300000000e+01;
	v13 =	vnsel vm9, $0x0, v13  }
0x1f9: {  	v20 =	vmin.f32 v20, $6.300000000e+01;
	v15 =	vcvt.f32.s32 v15;
	v26 =	vcvt.f32.s32 v58  }
0x1fa: {  	[tilespmem:s1+$0x0] =	vst v12;
	v12 =	vcvt.f32.s32 v59;
	vm12 =	veq.f32 v16, v21;
	v16 =	vsub.f32 $1.000000000e+00, v19  }
0x1fb: {  	vm13 =	veq.f32 v56, v20;
	v19 =	vnsel vm11, $0x0, v19;
	v21 =	vtrunc.f32 v21  }
0x1fc: {  	v20 =	vtrunc.f32 v20;
	v21 =	vcvt.f32.s32 v21;
	v16 =	vnsel vm12, $0x0, v16  }
0x1fd: {  	s7 =	sand.u32 $0x7, s6;
	v61 =	vnsel vm15, $0x0, v17;
	v14 =	vmul.f32 v13, v16;
	v13 =	vmul.f32 v19, v13  }
0x1fe: {  	s10 =	simm.s32 $0x0;
	s7 =	sshll.u32 s7, $0x4;
	[tilespmem:s4+$0x200] =	vst v33;
	v10 =	vnsel vm13, $0x0, v10;
	v19 =	vmul.f32 v19, v11;
	v11 =	vmul.f32 v16, v11  }
0x1ff: {  	s19 =	simm.s32 $0x0;
	s8 =	sand.u32 $0x3, s6;
	s7 =	sadd.s32 $0x0, s7;
	[tilespmem:s1+$0x1C0] =	vst v22;
	v62 =	vshll.u32 v15, $0x6;
	v18 =	vmul.f32 v14, v61;
	v17 =	vmul.f32 v14, v10  }
0x200: {  	s23 =	sand.u32 $0x60, s6;
	s26 =	sor.u32 s6, s6;
	s24 =	sadd.s32 $0x10, s7;
	v26 =	vshll.u32 v26, $0xC;
	[tilespmem:s4+$0x280] =	vst v34;
	v16 =	vmul.f32 v19, v61;
	v15 =	vmul.f32 v19, v10  }
0x201: {  	s2 =	sor.u32 s2, s6;
	s8 =	sshll.u32 s8, $0x5;
	s31 =	sor.u32 $0x300, s24;
	v12 =	vshll.u32 v12, $0x6;
	[tilespmem:s1+$0x380] =	vst v35;
	v14 =	vmul.f32 v13, v61;
	v13 =	vmul.f32 v13, v10  }
0x202: {  	s18 =	sor.u32 $0x380, s26;
	s2 =	sor.u32 $0x380, s2;
	s9 =	sadd.s32 $0x0, s8;
	v63 =	vshll.u32 v21, $0xC;
	[tilespmem:s31+$0x3380] =	vst v25;
	v19 =	vmul.f32 v11, v61;
	v21 =	vmul.f32 v11, v10  }
0x203: {  	s8 =	sor.u32 s23, s3;
	s23 =	simm.s32 $0x30;
	s3 =	simm.s32 $0x0;
	v22 =	vadd.s32 v62, v63;
	[tilespmem:s1+$0x540] =	vst v60;
	v11 =	vcvt.f32.s32 v24;
	v10 =	vcvt.f32.s32 v20  }
0x204: {  	s7 =	simm.s32 $0x0;
	s4 =	sor.u32 $0x300, s9;
	s9 =	sand.u32 $0x1E0, s6;
	v20 =	vadd.s32 v12, v26;
	[tilespmem:s2+$0x3380] =	vst v23;
	v23 =	vadd.s32 v12, v63;
	v12 =	vadd.s32 v62, v26  }
.LBB2_14:
0x205: {  	v24 =	vld [tilespmem:s23+$0x0];
	vm3 =	vgt.f32 v18, $0.0e+00;
	vm4 =	vgt.f32 v17, $0.0e+00;
	vm5 =	vgt.f32 v16, $0.0e+00;
	s30 =	sadd.s32 $0x20, s30  }
0x206: {  	vm6 =	vgt.f32 v15, $0.0e+00;
	vm7 =	vgt.f32 v14, $0.0e+00;
	vm2 =	vgt.f32 v13, $0.0e+00;
	s0 =	sadd.s32 $0x20, s0;
	v25 =	vld [tilespmem:s30+$0x0]  }
0x207: {  	vm1 =	vgt.f32 v19, $0.0e+00;
	vm0 =	vgt.f32 v21, $0.0e+00;
	v27 =	vadd.s32 v11, v22;
	v26 =	vld [tilespmem:s0+$0x0]  }
0x208: {  	v22 =	vadd.s32 v10, v22;
	v29 =	vadd.s32 v11, v20;
	v20 =	vadd.s32 v10, v20;
	v28 =	vld [tilespmem:s30+$0xFFFFFFF0]  }
0x209: {  	v31 =	vadd.s32 v11, v23;
	v11 =	vadd.s32 v11, v12;
	v12 =	vadd.s32 v10, v12;
	v30 =	vld [tilespmem:s0+$0xFFFFFFF0]  }
0x20a: {  	v23 =	vadd.s32 v10, v23;
	v27 =	vnsel vm3, $0xFFFFFFFF, v27;
	v22 =	vnsel vm4, $0xFFFFFFFF, v22;
	v32 =	vld [tilespmem:s23+$0xFFFFFFF0]  }
0x20b: {  	v10 =	vmul.f32 v24, v4;
	v24 =	vnsel vm5, $0xFFFFFFFF, v29;
	v29 =	vnsel vm6, $0xFFFFFFFF, v20  }
0x20c: {  	v20 =	vmul.f32 v25, v6;
	v25 =	vmul.f32 v26, v8;
	v26 =	vnsel vm7, $0xFFFFFFFF, v11  }
0x20d: {  	v33 =	vnsel vm2, $0xFFFFFFFF, v12;
	v11 =	vmul.f32 v28, v6;
	v28 =	vadd.f32 v10, v5  }
0x20e: {  	v10 =	vmul.f32 v30, v8;
	v30 =	vadd.f32 v20, v7;
	v25 =	vadd.f32 v25, v9  }
0x20f: {  	v20 =	vmul.f32 v32, v4;
	v12 =	vadd.f32 v11, v7;
	v32 =	vtrunc.f32 v28  }
0x210: {  	v11 =	vadd.f32 v10, v9;
	v34 =	vtrunc.f32 v30;
	v35 =	vtrunc.f32 v25  }
0x211: {  	v10 =	vadd.f32 v20, v5;
	v20 =	vcvt.f32.s32 v32;
	v32 =	vcvt.f32.s32 v34  }
0x212: {  	v31 =	vnsel vm1, $0xFFFFFFFF, v31;
	v34 =	vtrunc.f32 v12;
	v35 =	vcvt.f32.s32 v35  }
0x213: {  	v23 =	vnsel vm0, $0xFFFFFFFF, v23;
	v36 =	vcvt.s32.f32 v20;
	v32 =	vcvt.s32.f32 v32;
	[tilespmem:s1+$0xFFFFF8F0] =	vst v31  }
0x214: {  	v20 =	vtrunc.f32 v11;
	v31 =	vcvt.s32.f32 v35;
	[tilespmem:s8+$0x0] =	vst v19  }
0x215: {  	v19 =	vcvt.f32.s32 v34;
	v34 =	vadd.f32 $-1.000000000e+00, v36;
	v35 =	vadd.f32 $-1.000000000e+00, v32;
	[tilespmem:s1+$0xFFFFFAB0] =	vst v23  }
0x216: {  	vm0 =	vlt.f32 v28, v36;
	vm1 =	vlt.f32 v30, v32;
	v23 =	vadd.f32 $-1.000000000e+00, v31;
	[tilespmem:s8+$0x80] =	vst v21  }
0x217: {  	v21 =	vsel vm0, v34, v36;
	v32 =	vsel vm1, v35, v32;
	vm0 =	vlt.f32 v25, v31;
	[tilespmem:s9+$0x1900] =	vst v27  }
0x218: {  	v27 =	vsub.f32 v28, v21;
	v28 =	vmax.f32 v21, $0.0e+00;
	v23 =	vsel vm0, v23, v31;
	[tilespmem:s8+$0x100] =	vst v18  }
0x219: {  	v18 =	vadd.f32 $1.000000000e+00, v21;
	v30 =	vsub.f32 v30, v32;
	v31 =	vmax.f32 v32, $0.0e+00;
	[tilespmem:s1+$0xFFFFFE30] =	vst v22  }
0x21a: {  	v22 =	vadd.f32 $1.000000000e+00, v32;
	v25 =	vsub.f32 v25, v23;
	v34 =	vmax.f32 v23, $0.0e+00;
	[tilespmem:s8+$0x180] =	vst v17  }
0x21b: {  	v17 =	vmin.f32 v28, $6.300000000e+01;
	v28 =	vmin.f32 v31, $6.300000000e+01;
	v31 =	vadd.f32 $1.000000000e+00, v23;
	[tilespmem:s9+$0x1C80] =	vst v24  }
0x21c: {  	vm0 =	veq.f32 v21, v17;
	v17 =	vtrunc.f32 v17;
	v21 =	vmin.f32 v34, $6.300000000e+01;
	[tilespmem:s8+$0x200] =	vst v16  }
0x21d: {  	s10 =	sadd.s32 $0x2, s10;
	v24 =	vtrunc.f32 v28;
	v16 =	vsub.f32 $1.000000000e+00, v27;
	v34 =	vtrunc.f32 v21;
	[tilespmem:s1+$0x1B0] =	vst v29  }
0x21e: {  	p0 =	slt.u32 s10, $0x1A;
	vm1 =	veq.f32 v32, v28;
	vm2 =	veq.f32 v23, v21;
	v29 =	vmax.f32 v18, $0.0e+00;
	[tilespmem:s8+$0x280] =	vst v15  }
0x21f: {  	v21 =	vsub.f32 $1.000000000e+00, v30;
	v23 =	vsub.f32 $1.000000000e+00, v25;
	v15 =	vmax.f32 v22, $0.0e+00;
	[tilespmem:s9+$0x2000] =	vst v26  }
0x220: {  	v17 =	vcvt.f32.s32 v17;
	v24 =	vcvt.f32.s32 v24;
	v26 =	vmax.f32 v31, $0.0e+00;
	[tilespmem:s4+$0x3380] =	vst v14  }
0x221: {  	v28 =	vcvt.f32.s32 v34;
	v15 =	vmin.f32 v15, $6.300000000e+01;
	v14 =	vmin.f32 v29, $6.300000000e+01;
	[tilespmem:s1+$0x530] =	vst v33  }
0x222: {  	v16 =	vnsel vm0, $0x0, v16;
	v26 =	vmin.f32 v26, $6.300000000e+01;
	v29 =	vtrunc.f32 v14;
	[tilespmem:s18+$0x3380] =	vst v13  }
0x223: {  	vm0 =	veq.f32 v18, v14;
	v14 =	vtrunc.f32 v15;
	v13 =	vnsel vm1, $0x0, v21  }
0x224: {  	v18 =	vtrunc.f32 v26;
	vm1 =	veq.f32 v22, v15;
	v15 =	vnsel vm2, $0x0, v23  }
0x225: {  	v21 =	vcvt.f32.s32 v29;
	vm2 =	veq.f32 v31, v26;
	v22 =	vmul.f32 v15, v13  }
0x226: {  	s6 =	sadd.s32 $0x1, s6;
	v24 =	vshll.u32 v24, $0x6;
	v23 =	vnsel vm0, $0x0, v27;
	v26 =	vshll.u32 v28, $0xC  }
0x227: {  	s2 =	sand.u32 $0x3, s6;
	v14 =	vcvt.f32.s32 v14;
	v27 =	vnsel vm1, $0x0, v30;
	v28 =	vmul.f32 v22, v16  }
0x228: {  	s19 =	sadd.s32 $0x100, s19;
	s3 =	sadd.s32 $0x20, s3;
	s2 =	sshll.u32 s2, $0x5;
	v18 =	vcvt.f32.s32 v18;
	v29 =	vadd.s32 v24, v26;
	v15 =	vmul.f32 v27, v15  }
0x229: {  	s9 =	sadd.s32 s2, s19;
	s2 =	sadd.s32 $0x10, s3;
	s4 =	sand.u32 $0xC00, s19;
	v30 =	vadd.s32 v17, v29;
	v22 =	vmul.f32 v22, v23;
	vm0 =	vgt.f32 v28, $0.0e+00  }
0x22a: {  	s8 =	sand.u32 $0x70, s2;
	s4 =	sor.u32 $0x3380, s4;
	s1 =	sadd.s32 $0x20, s1;
	v25 =	vnsel vm2, $0x0, v25;
	v29 =	vadd.s32 v21, v29;
	v30 =	vnsel vm0, $0xFFFFFFFF, v30  }
0x22b: {  	s26 =	sor.u32 s3, s19;
	s18 =	sand.u32 $0x60, s3;
	s24 =	sor.u32 s8, s4;
	v14 =	vshll.u32 v14, $0x6;
	vm0 =	vgt.f32 v22, $0.0e+00;
	[tilespmem:s1+$0xFFFFF900] =	vst v30;
	v30 =	vmul.f32 v15, v16  }
0x22c: {  	s8 =	sor.u32 s18, s4;
	s4 =	sor.u32 $0x300, s9;
	s18 =	sor.u32 $0x380, s26;
	v13 =	vmul.f32 v25, v13;
	v26 =	vadd.s32 v14, v26;
	[tilespmem:s24+$0x0] =	vst v28;
	v28 =	vnsel vm0, $0xFFFFFFFF, v29  }
0x22d: {  	s9 =	sand.u32 $0x1E0, s3;
	v15 =	vmul.f32 v15, v23;
	[tilespmem:s1+$0xFFFFFAC0] =	vst v28;
	v28 =	vadd.s32 v17, v26;
	vm0 =	vgt.f32 v30, $0.0e+00  }
0x22e: {  	v20 =	vcvt.f32.s32 v20;
	v18 =	vshll.u32 v18, $0xC;
	[tilespmem:s24+$0x80] =	vst v22;
	v22 =	vnsel vm0, $0xFFFFFFFF, v28  }
0x22f: {  	vm0 =	vgt.f32 v15, $0.0e+00;
	[tilespmem:s1+$0xFFFFFC80] =	vst v22;
	v22 =	vadd.s32 v21, v26;
	v26 =	vmul.f32 v13, v16  }
0x230: {  	v25 =	vmul.f32 v25, v27;
	v24 =	vadd.s32 v24, v18;
	[tilespmem:s24+$0x100] =	vst v30;
	v22 =	vnsel vm0, $0xFFFFFFFF, v22  }
0x231: {  	v13 =	vmul.f32 v13, v23;
	[tilespmem:s1+$0xFFFFFE40] =	vst v22;
	v22 =	vadd.s32 v17, v24;
	vm0 =	vgt.f32 v26, $0.0e+00  }
0x232: {  	s7 =	sadd.s32 $0x2, s7;
	v19 =	vcvt.s32.f32 v19;
	v27 =	vtrunc.f32 v10;
	[tilespmem:s24+$0x180] =	vst v15;
	v15 =	vnsel vm0, $0xFFFFFFFF, v22  }
0x233: {  	s26 =	sand.u32 $0x7, s7;
	v16 =	vmul.f32 v25, v16;
	vm0 =	vgt.f32 v13, $0.0e+00;
	[tilespmem:s1+$0x0] =	vst v15;
	v15 =	vadd.s32 v21, v24  }
0x234: {  	v20 =	vcvt.s32.f32 v20;
	s26 =	sshll.u32 s26, $0x4;
	v14 =	vadd.s32 v14, v18;
	[tilespmem:s24+$0x200] =	vst v26;
	v15 =	vnsel vm0, $0xFFFFFFFF, v15  }
0x235: {  	s26 =	sadd.s32 s19, s26;
	vm0 =	vgt.f32 v16, $0.0e+00;
	[tilespmem:s1+$0x1C0] =	vst v15;
	v15 =	vadd.s32 v17, v14;
	v17 =	vmul.f32 v25, v23  }
0x236: {  	v18 =	vcvt.f32.s32 v27;
	v22 =	vadd.f32 $-1.000000000e+00, v19;
	[tilespmem:s24+$0x280] =	vst v13;
	v13 =	vnsel vm0, $0xFFFFFFFF, v15;
	s24 =	sadd.s32 $0x10, s26  }
0x237: {  	v15 =	vadd.f32 $-1.000000000e+00, v20;
	[tilespmem:s1+$0x380] =	vst v13;
	s24 =	sor.u32 $0x300, s24;
	v13 =	vadd.s32 v21, v14;
	vm0 =	vgt.f32 v17, $0.0e+00  }
0x238: {  	s2 =	sor.u32 s2, s19;
	vm1 =	vlt.f32 v12, v19;
	v14 =	vcvt.s32.f32 v18;
	[tilespmem:s24+$0x3380] =	vst v16;
	v13 =	vnsel vm0, $0xFFFFFFFF, v13  }
0x239: {  	s2 =	sor.u32 $0x380, s2;
	v16 =	vsel vm1, v22, v19;
	vm0 =	vlt.f32 v11, v20;
	[tilespmem:s1+$0x540] =	vst v13  }
0x23a: {  	v13 =	vadd.f32 $-1.000000000e+00, v14;
	v18 =	vadd.f32 $1.000000000e+00, v16;
	v15 =	vsel vm0, v15, v20;
	[tilespmem:s2+$0x3380] =	vst v17  }
0x23b: {  	vm0 =	vlt.f32 v10, v14;
	v12 =	vsub.f32 v12, v16;
	v17 =	vadd.f32 $1.000000000e+00, v15  }
0x23c: {  	v11 =	vsub.f32 v11, v15;
	v13 =	vsel vm0, v13, v14;
	v14 =	vmax.f32 v18, $0.0e+00  }
0x23d: {  	v20 =	vmax.f32 v16, $0.0e+00;
	v19 =	vadd.f32 $1.000000000e+00, v13;
	v21 =	vmax.f32 v17, $0.0e+00  }
0x23e: {  	v22 =	vmax.f32 v15, $0.0e+00;
	v14 =	vmin.f32 v14, $6.300000000e+01;
	v21 =	vmin.f32 v21, $6.300000000e+01  }
0x23f: {  	v20 =	vmin.f32 v20, $6.300000000e+01;
	v23 =	vsub.f32 $1.000000000e+00, v12;
	v24 =	vsub.f32 $1.000000000e+00, v11  }
0x240: {  	v10 =	vsub.f32 v10, v13;
	vm0 =	veq.f32 v18, v14;
	v18 =	vmin.f32 v22, $6.300000000e+01  }
0x241: {  	vm1 =	veq.f32 v16, v20;
	v22 =	vmax.f32 v19, $0.0e+00;
	vm2 =	veq.f32 v17, v21  }
0x242: {  	v16 =	vmax.f32 v13, $0.0e+00;
	v12 =	vnsel vm0, $0x0, v12;
	vm0 =	veq.f32 v15, v18  }
0x243: {  	v14 =	vtrunc.f32 v14;
	v15 =	vnsel vm1, $0x0, v23;
	v11 =	vnsel vm2, $0x0, v11  }
0x244: {  	v21 =	vtrunc.f32 v21;
	v17 =	vmin.f32 v22, $6.300000000e+01;
	v22 =	vnsel vm0, $0x0, v24  }
0x245: {  	v20 =	vtrunc.f32 v20;
	v23 =	vsub.f32 $1.000000000e+00, v10;
	v18 =	vtrunc.f32 v18  }
0x246: {  	v16 =	vmin.f32 v16, $6.300000000e+01;
	v24 =	vmul.f32 v12, v22;
	v25 =	vmul.f32 v11, v15  }
0x247: {  	v14 =	vcvt.f32.s32 v14;
	vm0 =	veq.f32 v19, v17;
	v11 =	vmul.f32 v11, v12  }
0x248: {  	vm1 =	veq.f32 v13, v16;
	v12 =	vcvt.f32.s32 v21;
	v21 =	vmul.f32 v22, v15  }
0x249: {  	v13 =	vcvt.f32.s32 v18;
	v19 =	vcvt.f32.s32 v20;
	v10 =	vnsel vm0, $0x0, v10  }
0x24a: {  	v20 =	vnsel vm1, $0x0, v23;
	v22 =	vtrunc.f32 v16;
	v23 =	vtrunc.f32 v17  }
0x24b: {  	v26 =	vshll.u32 v14, $0x6;
	v18 =	vmul.f32 v24, v20;
	v17 =	vmul.f32 v24, v10  }
.Ltmp5:
0x24c: {  	v12 =	vshll.u32 v12, $0xC;
	v16 =	vmul.f32 v25, v20;
	v15 =	vmul.f32 v25, v10;
	(pc) =	sbr.rel @p0 .LBB2_14-.Ltmp5, $4  }
0x24d: {  	v24 =	vshll.u32 v13, $0xC;
	v14 =	vmul.f32 v11, v20;
	v13 =	vmul.f32 v11, v10  }
0x24e: {  	v25 =	vshll.u32 v19, $0x6;
	v19 =	vmul.f32 v21, v20;
	v21 =	vmul.f32 v21, v10  }
0x24f: {  	v11 =	vcvt.f32.s32 v22;
	v10 =	vcvt.f32.s32 v23;
	v22 =	vadd.s32 v26, v24  }
0x250: {  	s23 =	sadd.s32 $0x20, s23;
	v23 =	vadd.s32 v25, v24;
	v20 =	vadd.s32 v25, v12;
	v12 =	vadd.s32 v26, v12  }
0x251: {  	vm0 =	vgt.f32 v19, $0.0e+00;
	v4 =	vadd.s32 v11, v23  }
0x252: {  	v4 =	vnsel vm0, $0xFFFFFFFF, v4  }
0x253: {  	vm9 =	vgt.f32 v21, $0.0e+00;
	v5 =	vadd.s32 v10, v23;
	[tilespmem:s1+$0xFFFFF8F0] =	vst v4  }
0x254: {  	v4 =	vnsel vm9, $0xFFFFFFFF, v5;
	[tilespmem:s8+$0x0] =	vst v19  }
0x255: {  	vm10 =	vgt.f32 v18, $0.0e+00;
	v5 =	vadd.s32 v11, v22;
	[tilespmem:s1+$0xFFFFFAB0] =	vst v4  }
0x256: {  	v4 =	vnsel vm10, $0xFFFFFFFF, v5;
	[tilespmem:s8+$0x80] =	vst v21  }
0x257: {  	vm11 =	vgt.f32 v17, $0.0e+00;
	v5 =	vadd.s32 v10, v22;
	[tilespmem:s9+$0x1900] =	vst v4  }
0x258: {  	v4 =	vnsel vm11, $0xFFFFFFFF, v5;
	[tilespmem:s8+$0x100] =	vst v18  }
0x259: {  	vm12 =	vgt.f32 v16, $0.0e+00;
	v5 =	vadd.s32 v11, v20;
	[tilespmem:s1+$0xFFFFFE30] =	vst v4  }
0x25a: {  	v4 =	vnsel vm12, $0xFFFFFFFF, v5;
	[tilespmem:s8+$0x180] =	vst v17  }
0x25b: {  	vm13 =	vgt.f32 v15, $0.0e+00;
	v5 =	vadd.s32 v10, v20;
	[tilespmem:s9+$0x1C80] =	vst v4  }
0x25c: {  	v4 =	vnsel vm13, $0xFFFFFFFF, v5;
	[tilespmem:s8+$0x200] =	vst v16  }
0x25d: {  	vm14 =	vgt.f32 v14, $0.0e+00;
	v5 =	vadd.s32 v11, v12;
	[tilespmem:s1+$0x1B0] =	vst v4  }
0x25e: {  	s28 =	sadd.s32 $0x1, s28;
	v4 =	vnsel vm14, $0xFFFFFFFF, v5;
	[tilespmem:s8+$0x280] =	vst v15  }
0x25f: {  	vm15 =	vgt.f32 v13, $0.0e+00;
	p0 =	sne.s32 s28, $0x21;
	v5 =	vadd.s32 v10, v12;
	[tilespmem:s9+$0x2000] =	vst v4  }
.Ltmp6:
0x260: {  	v4 =	vnsel vm15, $0xFFFFFFFF, v5;
	[tilespmem:s4+$0x3380] =	vst v14;
	(pc) =	sbr.rel @p0 .LBB2_7-.Ltmp6, $4  }
0x261: {  	[tilespmem:s1+$0x530] =	vst v4  }
0x262: {  	s0 =	sshll.u32 s29, $0xF;
	[tilespmem:s18+$0x3380] =	vst v13;
	(ifvalue) =	ssetifvalue $0xFFFFFFFF  }
0x263: {  	s0 =	sadd.s32 s5, s0;
	(ifvalue) =	ssetifvalue $0xFFFFFFFF  }
0x264: {  	[tilespmem:s17], [sflag:$0x2] =	stream.indirect.gather [hbm4b:s0+s13], $0x1, s16, s13, $0x40b8;
	[tilespmem:$0x14380] =	vst v63  }
0x265: {  	s0 =	rddreg [dreg:$0xa];
	s25 =	sadd.s32 $0x1, s25  }
0x266: {  	s1 =	rddreg [dreg:$0x5];
	s0 =	sshll.u32 s0, $0x4;
	p0 =	sne.s32 s25, $0x7  }
.Ltmp7:
0x267: {  	s31 =	simm.s32 $0x0;
	s0 =	sadd.s32 s1, s0;
	(pc) =	sbr.rel @p0 .LBB2_6-.Ltmp7, $4  }
0x268: {  	[hbm4b:s0+s31] =	stream.linear.scatter [tilespmem:s21], [sflag:$0x3], $0xE000, $0x38;
	[tilespmem:$0x14380] =	vst v63  }
0x269: {  	_ =	swait.ge [sflag:s12], $0xE000  }
0x26a: {  	[sflag:s12] =	ssyncset.done $0x0  }
0x26b: {  	[sflag:s12] =	ssyncadd.s32 $0xFFFF2000  }
0x26c: {  	_ =	swait.ge [sflag:s20], $0xE00  }
0x26d: {  	[sflag:s20] =	ssyncset.done $0x0  }
0x26e: {  	[sflag:s20] =	ssyncadd.s32 $0xFFFFF200  }
0x26f: {  	_ =	swait.ge [sflag:s22], $0xE00  }
0x270: {  	s1 =	rddreg [dreg:$0x9]  }
0x271: {  	s0 =	rddreg [dreg:$0x8];
	s1 =	sadd.s32 $0x1, s1  }
0x272: {  	p0 =	sne.s32 s1, s0  }
.Ltmp8:
0x273: {  	_ = 	snop;
	(pc) =	sbr.rel @p0 .LBB2_1-.Ltmp8, $3  }
0x274: {  	_ =	sdelay $0x1  }
0x275: {  	[sflag:s22] =	ssyncset.done $0x0  }
0x276: {  	[sflag:s22] =	ssyncadd.s32 $0xFFFFF200  }
0x277: {  	_ =	sfence.sel $0x180000  }
0x278: {  	[bflag:$0x0] =	sbarrier.arrive $0xFFFF  }
0x279: {  	_ =	strace $0x90000047  }
0x27a: {  	s0 =	stileid.u32;
	[bflag:$0x2] =	sbarrier.arrive $0xFFFF  }
0x27b: {  	p0 =	sne.s32 s0, $0x0;
	s0 =	rddreg [dreg:$0x2]  }
0x27c: {  	s0 =	sadd.s32 @!p0 $0x100000, s0  }
0x27d: {  	[sflag:s0] =	ssyncadd.tile.s32 @!p0 $0x1;
	_ =	shalt  }
.Lfunc_end2:
_tile_overlayer_lowered:
.L_overlay_start_2:
0x27e: {  	(tag) =	ssettag $0x2  }
0x27f: {  	s0 =	rddreg [dreg:$0x0];
	s2 =	stileid.u32  }
0x280: {  	s1 =	rddreg [dreg:$0x1];
	p0 =	sne.s32 s2, $0x0  }
0x281: {  	s3 =	rddreg [dreg:$0x2];
	[bflag:$0x3] =	sbarrier.arrive $0xFFFF;
	s2 =	simm.s32 @!p0 $0x1C03  }
0x282: {  	[timem:s3], [sflag:s2] =	dma.local @!p0 [hbm:s0], s1  }
0x283: {  	s0 =	simm.s32 @!p0 $0x3  }
0x284: {  	_ =	swait.ge @!p0 [sflag:s0], s1  }
0x285: {  	s1 =	ssub.s32 @!p0 $0x0, s1;
	[sflag:s0] =	ssyncset.done @!p0 $0x0  }
0x286: {  	[sflag:s0] =	ssyncadd.s32 @!p0 s1  }
0x287: {  	[bflag:$0x3] =	sbarrier.arrive $0xFFFF  }
0x288: {  	_ =	shalt  }

</sc_bundles>
